<compile_context>
chip_gen: v7x
topology: tpu7x:2x2x1
jax: 0.10.2.dev20260603
libtpu: 0.0.44.dev20260713+nightly
codegen_flags: <defaults>
</compile_context>

<pallas_src>
import jax
import jax.numpy as jnp
from jax import lax
from jax.experimental import pallas as pl
from jax.experimental.pallas import tpu as pltpu
from jax.experimental.pallas import tpu_sc as plsc

B, L = 4096, 200
D, H, SP = 64, 128, 16
NRP = 8
NID = 100001
RBLK = 2048
NPAD = 100352
NW = 32
BPW = B // NW
CH = 16
NCH = BPW // CH
S1, S2 = 104, 96
INV_L = 1.0 / L
BB3 = 512



def _pack_halves(y):
    lo = lax.bitcast_convert_type(y[:, :64].astype(jnp.bfloat16),
                                  jnp.uint16).astype(jnp.uint32)
    hi = lax.bitcast_convert_type(y[:, 64:].astype(jnp.bfloat16),
                                  jnp.uint16).astype(jnp.uint32)
    return lax.bitcast_convert_type(lo | (hi << 16), jnp.int32)


def _proj_body(id_ref, wbot_ref, r_ref, wtop_ref, b_ref, idp_ref, rp_ref):
    idp_ref[...] = _pack_halves(jnp.dot(id_ref[...], wbot_ref[...],
                                        preferred_element_type=jnp.float32)
                                * INV_L)

    @pl.when(pl.program_id(0) == 0)
    def _():
        rp_ref[...] = _pack_halves((jnp.dot(r_ref[...], wtop_ref[...],
                                            preferred_element_type=jnp.float32)
                                    + b_ref[...]) * INV_L)


def _project(id_emd, ratings_emd, W, b):
    rp = jnp.pad(ratings_emd, ((0, NRP - ratings_emd.shape[0]), (0, 0)))
    return pl.pallas_call(
        _proj_body,
        grid=(NPAD // RBLK,),
        in_specs=[
            pl.BlockSpec((RBLK, D), lambda i: (i, 0)),
            pl.BlockSpec((D, H), lambda i: (0, 0)),
            pl.BlockSpec((NRP, D), lambda i: (0, 0)),
            pl.BlockSpec((D, H), lambda i: (0, 0)),
            pl.BlockSpec((1, H), lambda i: (0, 0)),
        ],
        out_specs=(
            pl.BlockSpec((RBLK, H // 2), lambda i: (i, 0)),
            pl.BlockSpec((NRP, H // 2), lambda i: (0, 0)),
        ),
        out_shape=(
            jax.ShapeDtypeStruct((NPAD, H // 2), jnp.int32),
            jax.ShapeDtypeStruct((NRP, H // 2), jnp.int32),
        ),
    )(id_emd, W[D:], rp, W[:D], b.reshape(1, H))



def _sc_u_body(uproj, urp, uidseq, urseq,
               gender, age, occ, zipc, genre,
               gtab, atab, otab, ztab, getab,
               uout_flat, dm_out,
               idall, rall, rows0, rows1, obuf, rpf, didx, dbuf, roffs,
               sem0, sem1):
    wid = lax.axis_index("c") * 16 + lax.axis_index("s")
    base = wid * BPW
    for t, (idx_hbm, tab_hbm) in enumerate(
            zip((gender, age, occ, zipc, genre),
                (gtab, atab, otab, ztab, getab))):
        pltpu.sync_copy(idx_hbm.at[pl.ds(base, BPW)], didx)
        pltpu.async_copy(tab_hbm.at[didx], dbuf, sem0).wait()
        pltpu.sync_copy(dbuf, dm_out.at[t, pl.ds(base, BPW)])
    _side_loop(uproj, urp, uidseq, urseq, uout_flat,
               idall, rall, rows0, rows1, obuf, rpf, roffs, sem0, sem1,
               base)


def _sc_i_body(iproj, irp, iidseq, irseq,
               iout_flat,
               idall, rall, rows0, rows1, obuf, rpf, didx, dbuf, roffs,
               sem0, sem1):
    wid = lax.axis_index("c") * 16 + lax.axis_index("s")
    base = wid * BPW
    _side_loop(iproj, irp, iidseq, irseq, iout_flat,
               idall, rall, rows0, rows1, obuf, rpf, roffs, sem0, sem1,
               base)


def _side_loop(proj_hbm0, rp_hbm0, idseq_hbm0, rseq_hbm0, out_hbm0,
               idall, rall, rows0, rows1, obuf, rpf, roffs, sem0, sem1,
               base):

    def do_side(proj_hbm, rp_hbm, idseq_hbm, rseq_hbm, out_hbm):
        pltpu.sync_copy(rp_hbm, rpf)
        pltpu.sync_copy(idseq_hbm.at[pl.ds(base, BPW)], idall)
        pltpu.sync_copy(rseq_hbm.at[pl.ds(base, BPW)],
                        rall.at[pl.ds(0, BPW)])

        def fire(b, rows_ref, sem):
            pltpu.async_copy(proj_hbm.at[idall.at[b, pl.ds(0, S1)]],
                             rows_ref.at[pl.ds(0, S1)], sem)
            pltpu.async_copy(proj_hbm.at[idall.at[b, pl.ds(S1, S2)]],
                             rows_ref.at[pl.ds(S1, S2)], sem)

        def wait_rows(rows_ref, sem):
            pltpu.make_async_copy(proj_hbm.at[pl.ds(0, L)], rows_ref,
                                  sem).wait()

        def compute(b, rows_ref):
            def ga_body(t, _):
                rvec = rall[b, pl.ds(t * 16, 16)]
                offv = rvec * (H // 2)
                for k in range(16):
                    roffs[t * 16 + k] = offv[k]
                return 0

            lax.fori_loop(0, (L + 15) // 16, ga_body, 0)

            def l_body(l, accs):
                off = roffs[l]
                accs = list(accs)
                for j in range(4):
                    idv = plsc.bitcast(rows_ref[l, pl.ds(j * 16, 16)],
                                       jnp.bfloat16)
                    rv = plsc.bitcast(rpf[pl.ds(off + j * 16, 16)],
                                      jnp.bfloat16)
                    s = jnp.maximum(idv + rv, jnp.bfloat16(0.0))
                    ev, od = plsc.unpack(s, format=plsc.PackFormat.INTERLEAVED,
                                         preferred_element_type=jnp.float32)
                    accs[2 * j] = accs[2 * j] + ev
                    accs[2 * j + 1] = accs[2 * j + 1] + od
                return tuple(accs)

            accs = lax.fori_loop(
                0, L, l_body,
                tuple(jnp.zeros((16,), jnp.float32) for _ in range(8)))
            bo = lax.rem(b, CH)
            for j in range(8):
                obuf[pl.ds(bo * H + j * 16, 16)] = accs[j]

        fire(0, rows0, sem0)

        def pair_body(g, _):
            b0 = 2 * g
            b1 = 2 * g + 1
            fire(b1, rows1, sem1)
            wait_rows(rows0, sem0)
            compute(b0, rows0)

            @pl.when(g < BPW // 2 - 1)
            def _():
                fire(b0 + 2, rows0, sem0)

            wait_rows(rows1, sem1)
            compute(b1, rows1)

            @pl.when(lax.rem(b1, CH) == CH - 1)
            def _():
                pltpu.sync_copy(
                    obuf,
                    out_hbm.at[pl.ds((base + b1 - (CH - 1)) * H, CH * H)])
            return 0

        lax.fori_loop(0, BPW // 2, pair_body, 0)

    do_side(proj_hbm0, rp_hbm0, idseq_hbm0, rseq_hbm0, out_hbm0)


_SC_MESH = plsc.VectorSubcoreMesh(core_axis_name="c", subcore_axis_name="s")
_SC_PARAMS = pltpu.CompilerParams(use_tc_tiling_on_sc=False,
                                  needs_layout_passes=False)


_SC_SCRATCH = [
    pltpu.VMEM((BPW, L), jnp.int32),
    pltpu.VMEM((BPW + 1, L), jnp.int32),
    pltpu.VMEM((L, H // 2), jnp.int32),
    pltpu.VMEM((L, H // 2), jnp.int32),
    pltpu.VMEM((CH * H,), jnp.float32),
    pltpu.VMEM((NRP * H // 2,), jnp.int32),
    pltpu.VMEM((BPW,), jnp.int32),
    pltpu.VMEM((BPW, SP), jnp.float32),
    pltpu.SMEM((16 * ((L + 15) // 16),), jnp.int32),
    pltpu.SemaphoreType.DMA,
    pltpu.SemaphoreType.DMA,
]


def _sc_u(uproj, urp, uidseq, urseq, gender, age, occ, zipc, genre,
          gtab, atab, otab, ztab, getab):
    f = pl.kernel(
        _sc_u_body,
        out_type=(
            jax.ShapeDtypeStruct((B * H,), jnp.float32),
            jax.ShapeDtypeStruct((5, B, SP), jnp.float32),
        ),
        mesh=_SC_MESH,
        compiler_params=_SC_PARAMS,
        scratch_types=_SC_SCRATCH,
    )
    ue, dm = f(uproj, urp.reshape(-1), uidseq, urseq,
               gender, age, occ, zipc, genre,
               gtab, atab, otab, ztab, getab)
    return ue.reshape(B, H), dm


def _sc_i(iproj, irp, iidseq, irseq):
    f = pl.kernel(
        _sc_i_body,
        out_type=jax.ShapeDtypeStruct((B * H,), jnp.float32),
        mesh=_SC_MESH,
        compiler_params=_SC_PARAMS,
        scratch_types=_SC_SCRATCH,
    )
    return f(iproj, irp.reshape(-1), iidseq, irseq).reshape(B, H)



def _head_body(ue_ref, ie_ref, dm_ref, lab_ref, wu_ref, wi_ref, wd_ref,
               b_ref, w2_ref, b2_ref, out_ref):
    i = pl.program_id(0)
    x = jnp.dot(ue_ref[...], wu_ref[...], preferred_element_type=jnp.float32)
    x = x + jnp.dot(ie_ref[...], wi_ref[...],
                    preferred_element_type=jnp.float32)
    for t in range(5):
        x = x + jnp.dot(dm_ref[t], wd_ref[t],
                        preferred_element_type=jnp.float32)
    h = jnp.maximum(x + b_ref[...], 0.0)
    logits = jnp.sum(h * w2_ref[...], axis=1) + b2_ref[0, 0]
    y = lab_ref[...].astype(jnp.float32)
    terms = (jnp.maximum(logits, 0.0) - logits * y
             + jnp.log1p(jnp.exp(-jnp.abs(logits))))
    part = jnp.sum(terms).reshape(1, 1) * (1.0 / B)
    prev = jnp.where(i == 0, jnp.zeros((1, 1), jnp.float32), out_ref[...])
    out_ref[...] = prev + part


_PERM = [(q // 2) * 16 + w + 64 * (q % 2) for q in range(8)
         for w in range(16)]


def _head(ue, ie, dm, labels, fc1_W, fc1_b, fc2_W, fc2_b):
    perm = jnp.asarray(_PERM, dtype=jnp.int32)
    wu = fc1_W[:H][perm]
    wi = fc1_W[H:2 * H][perm]
    wd = fc1_W[2 * H:].reshape(5, SP, H)
    out = pl.pallas_call(
        _head_body,
        grid=(B // BB3,),
        in_specs=[
            pl.BlockSpec((BB3, H), lambda i: (i, 0)),
            pl.BlockSpec((BB3, H), lambda i: (i, 0)),
            pl.BlockSpec((5, BB3, SP), lambda i: (0, i, 0)),
            pl.BlockSpec((BB3,), lambda i: (i,)),
            pl.BlockSpec((H, H), lambda i: (0, 0)),
            pl.BlockSpec((H, H), lambda i: (0, 0)),
            pl.BlockSpec((5, SP, H), lambda i: (0, 0, 0)),
            pl.BlockSpec((1, H), lambda i: (0, 0)),
            pl.BlockSpec((1, H), lambda i: (0, 0)),
            pl.BlockSpec((1, 1), lambda i: (0, 0)),
        ],
        out_specs=pl.BlockSpec((1, 1), lambda i: (0, 0)),
        out_shape=jax.ShapeDtypeStruct((1, 1), jnp.float32),
    )(ue, ie, dm, labels, wu, wi, wd, fc1_b.reshape(1, H),
      fc2_W.reshape(1, H), fc2_b.reshape(1, 1))
    return out[0, 0]


def kernel(u_rating_seq, i_id_seq, i_rating_seq, u_id_seq, gender, age,
           occupation, zip_code, genre, labels, u_ratings_emd, u_id_emd,
           u_proj_W, u_proj_b, i_ratings_emd, i_id_emd, i_proj_W, i_proj_b,
           gender_tab, age_tab, occ_tab, zip_tab, genre_tab, fc1_W, fc1_b,
           fc2_W, fc2_b):
    uproj, urp = _project(u_id_emd, u_ratings_emd, u_proj_W, u_proj_b)
    ue, dm = _sc_u(
        uproj, urp, i_id_seq.astype(jnp.int32),
        u_rating_seq.astype(jnp.int32),
        gender.astype(jnp.int32), age.astype(jnp.int32),
        occupation.astype(jnp.int32), zip_code.astype(jnp.int32),
        genre.astype(jnp.int32),
        gender_tab, age_tab, occ_tab, zip_tab, genre_tab)
    iproj, irp = _project(i_id_emd, i_ratings_emd, i_proj_W, i_proj_b)
    ie = _sc_i(iproj, irp, u_id_seq.astype(jnp.int32),
               i_rating_seq.astype(jnp.int32))
    return _head(ue, ie, dm, labels.astype(jnp.int32),
                 fc1_W, fc1_b, fc2_W, fc2_b)

# --- scband reference (transcript-rebuilt; emitter-appended) ---
"""Pipeline reference for scband-seq-model-pair-43705587204340 (READ-ONLY COPY).

The authoritative reference and input builder live on the scoring server;
editing this copy changes nothing except your own understanding.
"""

import jax, jax.numpy as jnp
import numpy as np

B, L = 4096, 200
INPUT_SIZE, HIDDEN, SP = 64, 128, 16
NUM_RATINGS = 5
NUM_USERS = 100000
NUM_ITEMS = 100000
NUM_GENDER, NUM_AGE, NUM_OCC, NUM_ZIP, NUM_GENRE = 2, 7, 21, 3439, 18


def _xavier(key, shape):
    std = (2.0 / (shape[0] + shape[1])) ** 0.5
    return (jax.random.normal(key, shape) * std).astype(jnp.float32)


def setup_inputs(seed: int = 0):
    key = jax.random.key(seed)
    k = [jax.random.fold_in(key, i) for i in range(30)]
    inp = {}
    inp["u_rating_seq"] = jax.random.randint(k[0], (B, L), 0, NUM_RATINGS + 1)
    inp["i_id_seq"] = jax.random.randint(k[1], (B, L), 0, NUM_ITEMS + 1)
    inp["i_rating_seq"] = jax.random.randint(k[2], (B, L), 0, NUM_RATINGS + 1)
    inp["u_id_seq"] = jax.random.randint(k[3], (B, L), 0, NUM_USERS + 1)
    inp["gender"] = jax.random.randint(k[4], (B,), 0, NUM_GENDER)
    inp["age"] = jax.random.randint(k[5], (B,), 0, NUM_AGE)
    inp["occupation"] = jax.random.randint(k[6], (B,), 0, NUM_OCC)
    inp["zip_code"] = jax.random.randint(k[7], (B,), 0, NUM_ZIP)
    inp["genre"] = jax.random.randint(k[8], (B,), 0, NUM_GENRE)
    inp["labels"] = jax.random.randint(k[9], (B,), 0, 2)
    inp["u_ratings_emd"] = _xavier(k[10], (NUM_RATINGS + 1, INPUT_SIZE))
    inp["u_id_emd"] = _xavier(k[11], (NUM_ITEMS + 1, INPUT_SIZE))
    inp["u_proj_W"] = _xavier(k[12], (2 * INPUT_SIZE, HIDDEN))
    inp["u_proj_b"] = jnp.zeros((HIDDEN,), jnp.float32)
    inp["i_ratings_emd"] = _xavier(k[13], (NUM_RATINGS + 1, INPUT_SIZE))
    inp["i_id_emd"] = _xavier(k[14], (NUM_USERS + 1, INPUT_SIZE))
    inp["i_proj_W"] = _xavier(k[15], (2 * INPUT_SIZE, HIDDEN))
    inp["i_proj_b"] = jnp.zeros((HIDDEN,), jnp.float32)
    inp["gender_tab"] = _xavier(k[16], (NUM_GENDER, SP))
    inp["age_tab"] = _xavier(k[17], (NUM_AGE, SP))
    inp["occ_tab"] = _xavier(k[18], (NUM_OCC, SP))
    inp["zip_tab"] = _xavier(k[19], (NUM_ZIP, SP))
    inp["genre_tab"] = _xavier(k[20], (NUM_GENRE, SP))
    fc_in = 2 * HIDDEN + 5 * SP
    inp["fc1_W"] = _xavier(k[21], (fc_in, HIDDEN))
    inp["fc1_b"] = jnp.zeros((HIDDEN,), jnp.float32)
    inp["fc2_W"] = _xavier(k[22], (HIDDEN, 1))
    inp["fc2_b"] = jnp.zeros((1,), jnp.float32)
    return inp


def _extract(rating_seq, id_seq, ratings_emd, id_emd, W, b):
    x = jnp.take(ratings_emd, rating_seq, axis=0)
    xi = jnp.take(id_emd, id_seq, axis=0)
    xa = jnp.concatenate((x, xi), axis=2)
    out = jax.nn.relu(xa @ W + b)
    return out.mean(axis=1)


def reference(u_rating_seq, i_id_seq, i_rating_seq, u_id_seq, gender, age, occupation, zip_code, genre, labels, u_ratings_emd, u_id_emd, u_proj_W, u_proj_b, i_ratings_emd, i_id_emd, i_proj_W, i_proj_b, gender_tab, age_tab, occ_tab, zip_tab, genre_tab, fc1_W, fc1_b, fc2_W, fc2_b):
    u_emd = _extract(u_rating_seq, i_id_seq, u_ratings_emd, u_id_emd, u_proj_W, u_proj_b)
    i_emd = _extract(i_rating_seq, u_id_seq, i_ratings_emd, i_id_emd, i_proj_W, i_proj_b)
    g = jnp.take(gender_tab, gender.reshape(-1), axis=0)
    a = jnp.take(age_tab, age.reshape(-1), axis=0)
    o = jnp.take(occ_tab, occupation.reshape(-1), axis=0)
    z = jnp.take(zip_tab, zip_code.reshape(-1), axis=0)
    ge = jnp.take(genre_tab, genre, axis=0)
    x_ui = jnp.concatenate((u_emd, i_emd, g, a, o, z, ge), axis=1)
    h = jax.nn.relu(x_ui @ fc1_W + fc1_b)
    logits = (h @ fc2_W + fc2_b).reshape(-1)
    y = labels.reshape(-1).astype(logits.dtype)
    loss = jnp.mean(jnp.maximum(logits, 0.0) - logits * y + jnp.log1p(jnp.exp(-jnp.abs(logits))))
    return loss

if __name__ == "__main__":
    import jax
    _d = setup_inputs()
    print(jax.jit(kernel)(*tuple(_d.values())))

</pallas_src>

<mosaic_0001>
#map = affine_map<(d0, d1) -> (0, 0)>
#map1 = affine_map<(d0, d1) -> (0)>
module attributes {stable_mosaic.version = 14 : i64} {
  func.func @_sc_i_body(%arg0: i32, %arg1: i32, %arg2: memref<100352x64xi32, #tpu.memory_space<hbm>>, %arg3: memref<512xi32, #tpu.memory_space<hbm>>, %arg4: memref<4096x200xi32, #tpu.memory_space<hbm>>, %arg5: memref<4096x200xi32, #tpu.memory_space<hbm>>, %arg6: memref<524288xf32, #tpu.memory_space<hbm>>, %arg7: memref<128x200xi32, #tpu.memory_space<vmem>>, %arg8: memref<129x200xi32, #tpu.memory_space<vmem>>, %arg9: memref<200x64xi32, #tpu.memory_space<vmem>>, %arg10: memref<200x64xi32, #tpu.memory_space<vmem>>, %arg11: memref<2048xf32, #tpu.memory_space<vmem>>, %arg12: memref<512xi32, #tpu.memory_space<vmem>>, %arg13: memref<128xi32, #tpu.memory_space<vmem>>, %arg14: memref<128x16xf32, #tpu.memory_space<vmem>>, %arg15: memref<208xi32, #tpu.memory_space<smem>>, %arg16: memref<!tpu.dma_semaphore, #tpu.memory_space<semaphore_mem>>, %arg17: memref<!tpu.dma_semaphore, #tpu.memory_space<semaphore_mem>>) attributes {dimension_semantics = [#tpu.dimension_semantics<core_parallel>, #tpu.dimension_semantics<subcore_parallel>], iteration_bounds = array<i64: 2, 16>, scalar_prefetch = 0 : i64, scratch_operands = 11 : i64, tpu.core_type = #tpu.core_type<sc_vector_subcore>, window_params = [{transform_indices = #map}, {transform_indices = #map1}, {transform_indices = #map}, {transform_indices = #map}, {transform_indices = #map1}]} {
    %mul3A = arith.constant 16 : i32
    %mul3A_0 = arith.muli %arg0, %mul3A : i32
    %add3A = arith.addi %mul3A_0, %arg1 : i32
    %mul3A_1 = arith.constant 128 : i32
    %mul3A_2 = arith.muli %add3A, %mul3A_1 : i32
    "tpu.region"() ({
      %run_scoped3A = tpu.sem_alloc : memref<!tpu.dma_semaphore, #tpu.memory_space<semaphore_mem>>
      tpu.enqueue_dma source(%arg3 : memref<512xi32, #tpu.memory_space<hbm>>) target(%arg12 : memref<512xi32, #tpu.memory_space<vmem>>) target_semaphore(%run_scoped3A : memref<!tpu.dma_semaphore, #tpu.memory_space<semaphore_mem>>)
      tpu.wait_dma2 semaphore(%run_scoped3A : memref<!tpu.dma_semaphore, #tpu.memory_space<semaphore_mem>>) src(%arg3 : memref<512xi32, #tpu.memory_space<hbm>>) dst(%arg12 : memref<512xi32, #tpu.memory_space<vmem>>)
      tpu.yield
    }) : () -> ()
    "tpu.region"() ({
      %run_scoped3A = tpu.sem_alloc : memref<!tpu.dma_semaphore, #tpu.memory_space<semaphore_mem>>
      %dma_start3A_28 = arith.constant 0 : i32
      %dma_start3A_29 = tpu.memref_slice %arg4[%mul3A_2, %dma_start3A_28] : memref<4096x200xi32, #tpu.memory_space<hbm>> -> memref<128x200xi32, #tpu.memory_space<hbm>>
      %dma_start3A_30 = arith.constant 0 : i32
      %dma_start3A_31 = tpu.memref_slice %arg4[%mul3A_2, %dma_start3A_30] : memref<4096x200xi32, #tpu.memory_space<hbm>> -> memref<128x200xi32, #tpu.memory_space<hbm>>
      tpu.enqueue_dma source(%dma_start3A_31 : memref<128x200xi32, #tpu.memory_space<hbm>>) target(%arg7 : memref<128x200xi32, #tpu.memory_space<vmem>>) target_semaphore(%run_scoped3A : memref<!tpu.dma_semaphore, #tpu.memory_space<semaphore_mem>>)
      %dma_wait3A = arith.constant 0 : i32
      %dma_wait3A_32 = tpu.memref_slice %arg4[%mul3A_2, %dma_wait3A] : memref<4096x200xi32, #tpu.memory_space<hbm>> -> memref<128x200xi32, #tpu.memory_space<hbm>>
      %dma_wait3A_33 = arith.constant 0 : i32
      %dma_wait3A_34 = tpu.memref_slice %arg4[%mul3A_2, %dma_wait3A_33] : memref<4096x200xi32, #tpu.memory_space<hbm>> -> memref<128x200xi32, #tpu.memory_space<hbm>>
      tpu.wait_dma2 semaphore(%run_scoped3A : memref<!tpu.dma_semaphore, #tpu.memory_space<semaphore_mem>>) src(%dma_wait3A_34 : memref<128x200xi32, #tpu.memory_space<hbm>>) dst(%arg7 : memref<128x200xi32, #tpu.memory_space<vmem>>)
      tpu.yield
    }) : () -> ()
    "tpu.region"() ({
      %run_scoped3A = tpu.sem_alloc : memref<!tpu.dma_semaphore, #tpu.memory_space<semaphore_mem>>
      %dma_start3A_28 = arith.constant 0 : i32
      %dma_start3A_29 = arith.constant 0 : i32
      %dma_start3A_30 = tpu.memref_slice %arg8[%dma_start3A_28, %dma_start3A_29] : memref<129x200xi32, #tpu.memory_space<vmem>> -> memref<128x200xi32, #tpu.memory_space<vmem>>
      %dma_start3A_31 = arith.constant 0 : i32
      %dma_start3A_32 = tpu.memref_slice %arg5[%mul3A_2, %dma_start3A_31] : memref<4096x200xi32, #tpu.memory_space<hbm>> -> memref<128x200xi32, #tpu.memory_space<hbm>>
      %dma_start3A_33 = arith.constant 0 : i32
      %dma_start3A_34 = arith.constant 0 : i32
      %dma_start3A_35 = tpu.memref_slice %arg8[%dma_start3A_33, %dma_start3A_34] : memref<129x200xi32, #tpu.memory_space<vmem>> -> memref<128x200xi32, #tpu.memory_space<vmem>>
      %dma_start3A_36 = arith.constant 0 : i32
      %dma_start3A_37 = tpu.memref_slice %arg5[%mul3A_2, %dma_start3A_36] : memref<4096x200xi32, #tpu.memory_space<hbm>> -> memref<128x200xi32, #tpu.memory_space<hbm>>
      tpu.enqueue_dma source(%dma_start3A_37 : memref<128x200xi32, #tpu.memory_space<hbm>>) target(%dma_start3A_35 : memref<128x200xi32, #tpu.memory_space<vmem>>) target_semaphore(%run_scoped3A : memref<!tpu.dma_semaphore, #tpu.memory_space<semaphore_mem>>)
      %dma_wait3A = arith.constant 0 : i32
      %dma_wait3A_38 = arith.constant 0 : i32
      %dma_wait3A_39 = tpu.memref_slice %arg8[%dma_wait3A, %dma_wait3A_38] : memref<129x200xi32, #tpu.memory_space<vmem>> -> memref<128x200xi32, #tpu.memory_space<vmem>>
      %dma_wait3A_40 = arith.constant 0 : i32
      %dma_wait3A_41 = tpu.memref_slice %arg5[%mul3A_2, %dma_wait3A_40] : memref<4096x200xi32, #tpu.memory_space<hbm>> -> memref<128x200xi32, #tpu.memory_space<hbm>>
      %dma_wait3A_42 = arith.constant 0 : i32
      %dma_wait3A_43 = arith.constant 0 : i32
      %dma_wait3A_44 = tpu.memref_slice %arg8[%dma_wait3A_42, %dma_wait3A_43] : memref<129x200xi32, #tpu.memory_space<vmem>> -> memref<128x200xi32, #tpu.memory_space<vmem>>
      %dma_wait3A_45 = arith.constant 0 : i32
      %dma_wait3A_46 = tpu.memref_slice %arg5[%mul3A_2, %dma_wait3A_45] : memref<4096x200xi32, #tpu.memory_space<hbm>> -> memref<128x200xi32, #tpu.memory_space<hbm>>
      tpu.wait_dma2 semaphore(%run_scoped3A : memref<!tpu.dma_semaphore, #tpu.memory_space<semaphore_mem>>) src(%dma_wait3A_46 : memref<128x200xi32, #tpu.memory_space<hbm>>) dst(%dma_wait3A_44 : memref<128x200xi32, #tpu.memory_space<vmem>>)
      tpu.yield
    }) : () -> ()
    %dma_start3A = arith.constant 0 : i32
    %dma_start3A_3 = arith.constant 0 : i32
    %dma_start3A_4 = arith.constant 0 : i32
    %dma_start3A_5 = tpu.memref_slice %arg9[%dma_start3A_3, %dma_start3A_4] : memref<200x64xi32, #tpu.memory_space<vmem>> -> memref<104x64xi32, #tpu.memory_space<vmem>>
    %dma_start3A_6 = arith.constant 0 : i32
    %dma_start3A_7 = tpu.memref_slice %arg7[%dma_start3A, %dma_start3A_6] : memref<128x200xi32, #tpu.memory_space<vmem>> -> memref<1x104xi32, #tpu.memory_space<vmem>>
    %dma_start3A_8 = tpu.memref_squeeze %dma_start3A_7 : memref<1x104xi32, #tpu.memory_space<vmem>> -> memref<104xi32, #tpu.memory_space<vmem>>
    %dma_start3A_9 = arith.constant 0 : i32
    %dma_start3A_10 = arith.constant 0 : i32
    %dma_start3A_11 = tpu.memref_slice %arg2[%dma_start3A_9, %dma_start3A_10] : memref<100352x64xi32, #tpu.memory_space<hbm>> -> memref<100352x64xi32, #tpu.memory_space<hbm>>
    tpu.enqueue_indirect_dma source(%dma_start3A_11 : memref<100352x64xi32, #tpu.memory_space<hbm>>) target(%dma_start3A_5 : memref<104x64xi32, #tpu.memory_space<vmem>>) offsets(%dma_start3A_8 : memref<104xi32, #tpu.memory_space<vmem>>) semaphore(%arg16 : memref<!tpu.dma_semaphore, #tpu.memory_space<semaphore_mem>>)
    %dma_start3A_12 = arith.constant 0 : i32
    %dma_start3A_13 = arith.constant 104 : i32
    %dma_start3A_14 = arith.constant 0 : i32
    %dma_start3A_15 = tpu.memref_slice %arg9[%dma_start3A_13, %dma_start3A_14] : memref<200x64xi32, #tpu.memory_space<vmem>> -> memref<96x64xi32, #tpu.memory_space<vmem>>
    %dma_start3A_16 = arith.constant 104 : i32
    %dma_start3A_17 = tpu.memref_slice %arg7[%dma_start3A_12, %dma_start3A_16] : memref<128x200xi32, #tpu.memory_space<vmem>> -> memref<1x96xi32, #tpu.memory_space<vmem>>
    %dma_start3A_18 = tpu.memref_squeeze %dma_start3A_17 : memref<1x96xi32, #tpu.memory_space<vmem>> -> memref<96xi32, #tpu.memory_space<vmem>>
    %dma_start3A_19 = arith.constant 0 : i32
    %dma_start3A_20 = arith.constant 0 : i32
    %dma_start3A_21 = tpu.memref_slice %arg2[%dma_start3A_19, %dma_start3A_20] : memref<100352x64xi32, #tpu.memory_space<hbm>> -> memref<100352x64xi32, #tpu.memory_space<hbm>>
    tpu.enqueue_indirect_dma source(%dma_start3A_21 : memref<100352x64xi32, #tpu.memory_space<hbm>>) target(%dma_start3A_15 : memref<96x64xi32, #tpu.memory_space<vmem>>) offsets(%dma_start3A_18 : memref<96xi32, #tpu.memory_space<vmem>>) semaphore(%arg16 : memref<!tpu.dma_semaphore, #tpu.memory_space<semaphore_mem>>)
    %scan3A = arith.constant 0 : i32
    %scan3A_22 = arith.constant 0 : i32
    %scan3A_23 = arith.constant 64 : i32
    %scan3A_24 = arith.addi %scan3A_22, %scan3A_23 : i32
    %scan3A_25 = arith.constant 1 : i32
    %scan3A_26 = scf.for %scan3A_28 = %scan3A_22 to %scan3A_24 step %scan3A_25 iter_args(%scan3A_29 = %scan3A) -> (i32)  : i32 {
      %mul3A_30 = arith.constant 2 : i32
      %mul3A_31 = arith.muli %mul3A_30, %scan3A_28 : i32
      %mul3A_32 = arith.constant 2 : i32
      %mul3A_33 = arith.muli %mul3A_32, %scan3A_28 : i32
      %add3A_34 = arith.constant 1 : i32
      %add3A_35 = arith.addi %mul3A_33, %add3A_34 : i32
      %dma_start3A_36 = arith.constant 0 : i32
      %dma_start3A_37 = arith.constant 0 : i32
      %dma_start3A_38 = tpu.memref_slice %arg10[%dma_start3A_36, %dma_start3A_37] : memref<200x64xi32, #tpu.memory_space<vmem>> -> memref<104x64xi32, #tpu.memory_space<vmem>>
      %dma_start3A_39 = arith.constant 0 : i32
      %dma_start3A_40 = tpu.memref_slice %arg7[%add3A_35, %dma_start3A_39] : memref<128x200xi32, #tpu.memory_space<vmem>> -> memref<1x104xi32, #tpu.memory_space<vmem>>
      %dma_start3A_41 = tpu.memref_squeeze %dma_start3A_40 : memref<1x104xi32, #tpu.memory_space<vmem>> -> memref<104xi32, #tpu.memory_space<vmem>>
      %dma_start3A_42 = arith.constant 0 : i32
      %dma_start3A_43 = arith.constant 0 : i32
      %dma_start3A_44 = tpu.memref_slice %arg2[%dma_start3A_42, %dma_start3A_43] : memref<100352x64xi32, #tpu.memory_space<hbm>> -> memref<100352x64xi32, #tpu.memory_space<hbm>>
      tpu.enqueue_indirect_dma source(%dma_start3A_44 : memref<100352x64xi32, #tpu.memory_space<hbm>>) target(%dma_start3A_38 : memref<104x64xi32, #tpu.memory_space<vmem>>) offsets(%dma_start3A_41 : memref<104xi32, #tpu.memory_space<vmem>>) semaphore(%arg17 : memref<!tpu.dma_semaphore, #tpu.memory_space<semaphore_mem>>)
      %dma_start3A_45 = arith.constant 104 : i32
      %dma_start3A_46 = arith.constant 0 : i32
      %dma_start3A_47 = tpu.memref_slice %arg10[%dma_start3A_45, %dma_start3A_46] : memref<200x64xi32, #tpu.memory_space<vmem>> -> memref<96x64xi32, #tpu.memory_space<vmem>>
      %dma_start3A_48 = arith.constant 104 : i32
      %dma_start3A_49 = tpu.memref_slice %arg7[%add3A_35, %dma_start3A_48] : memref<128x200xi32, #tpu.memory_space<vmem>> -> memref<1x96xi32, #tpu.memory_space<vmem>>
      %dma_start3A_50 = tpu.memref_squeeze %dma_start3A_49 : memref<1x96xi32, #tpu.memory_space<vmem>> -> memref<96xi32, #tpu.memory_space<vmem>>
      %dma_start3A_51 = arith.constant 0 : i32
      %dma_start3A_52 = arith.constant 0 : i32
      %dma_start3A_53 = tpu.memref_slice %arg2[%dma_start3A_51, %dma_start3A_52] : memref<100352x64xi32, #tpu.memory_space<hbm>> -> memref<100352x64xi32, #tpu.memory_space<hbm>>
      tpu.enqueue_indirect_dma source(%dma_start3A_53 : memref<100352x64xi32, #tpu.memory_space<hbm>>) target(%dma_start3A_47 : memref<96x64xi32, #tpu.memory_space<vmem>>) offsets(%dma_start3A_50 : memref<96xi32, #tpu.memory_space<vmem>>) semaphore(%arg17 : memref<!tpu.dma_semaphore, #tpu.memory_space<semaphore_mem>>)
      %dma_wait3A = arith.constant 0 : i32
      %dma_wait3A_54 = arith.constant 0 : i32
      %dma_wait3A_55 = tpu.memref_slice %arg2[%dma_wait3A, %dma_wait3A_54] : memref<100352x64xi32, #tpu.memory_space<hbm>> -> memref<200x64xi32, #tpu.memory_space<hbm>>
      %dma_wait3A_56 = arith.constant 0 : i32
      %dma_wait3A_57 = arith.constant 0 : i32
      %dma_wait3A_58 = tpu.memref_slice %arg2[%dma_wait3A_56, %dma_wait3A_57] : memref<100352x64xi32, #tpu.memory_space<hbm>> -> memref<200x64xi32, #tpu.memory_space<hbm>>
      tpu.wait_dma2 semaphore(%arg16 : memref<!tpu.dma_semaphore, #tpu.memory_space<semaphore_mem>>) src(%dma_wait3A_58 : memref<200x64xi32, #tpu.memory_space<hbm>>) dst(%arg9 : memref<200x64xi32, #tpu.memory_space<vmem>>)
      %scan3A_59 = arith.constant 0 : i32
      %scan3A_60 = arith.constant 0 : i32
      %scan3A_61 = arith.constant 13 : i32
      %scan3A_62 = arith.addi %scan3A_60, %scan3A_61 : i32
      %scan3A_63 = arith.constant 1 : i32
      %scan3A_64 = scf.for %scan3A_229 = %scan3A_60 to %scan3A_62 step %scan3A_63 iter_args(%scan3A_230 = %scan3A_59) -> (i32)  : i32 {
        %mul3A_231 = arith.constant 16 : i32
        %mul3A_232 = arith.muli %scan3A_229, %mul3A_231 : i32
        %get3A = arith.index_cast %mul3A_31 : i32 to index
        %get3A_233 = arith.index_cast %mul3A_232 : i32 to index
        %get3A_234 = tpu.vector_load %arg8[%get3A, %get3A_233] {strides = array<i32>} : memref<129x200xi32, #tpu.memory_space<vmem>>, vector<16xi32>,
        %mul3A_235 = arith.constant 64 : i32
        %mul3A_236 = vector.broadcast %mul3A_235 : i32 to vector<16xi32>
        %mul3A_237 = arith.muli %get3A_234, %mul3A_236 : vector<16xi32>
        %slice3A = vector.extract_strided_slice %mul3A_237 {offsets = [0], sizes = [1], strides = [1]} : vector<16xi32> to vector<1xi32>
        %squeeze3A = vector.extract %slice3A[0] : i32 from vector<1xi32>
        %mul3A_238 = arith.constant 16 : i32
        %mul3A_239 = arith.muli %scan3A_229, %mul3A_238 : i32
        %add3A_240 = arith.constant 0 : i32
        %add3A_241 = arith.addi %mul3A_239, %add3A_240 : i32
        %swap3A_242 = arith.index_cast %add3A_241 : i32 to index
        %swap3A_243 = memref.load %arg15[%swap3A_242] : memref<208xi32, #tpu.memory_space<smem>>
        memref.store %squeeze3A, %arg15[%swap3A_242] : memref<208xi32, #tpu.memory_space<smem>>
        %slice3A_244 = vector.extract_strided_slice %mul3A_237 {offsets = [1], sizes = [1], strides = [1]} : vector<16xi32> to vector<1xi32>
        %squeeze3A_245 = vector.extract %slice3A_244[0] : i32 from vector<1xi32>
        %mul3A_246 = arith.constant 16 : i32
        %mul3A_247 = arith.muli %scan3A_229, %mul3A_246 : i32
        %add3A_248 = arith.constant 1 : i32
        %add3A_249 = arith.addi %mul3A_247, %add3A_248 : i32
        %swap3A_250 = arith.index_cast %add3A_249 : i32 to index
        %swap3A_251 = memref.load %arg15[%swap3A_250] : memref<208xi32, #tpu.memory_space<smem>>
        memref.store %squeeze3A_245, %arg15[%swap3A_250] : memref<208xi32, #tpu.memory_space<smem>>
        %slice3A_252 = vector.extract_strided_slice %mul3A_237 {offsets = [2], sizes = [1], strides = [1]} : vector<16xi32> to vector<1xi32>
        %squeeze3A_253 = vector.extract %slice3A_252[0] : i32 from vector<1xi32>
        %mul3A_254 = arith.constant 16 : i32
        %mul3A_255 = arith.muli %scan3A_229, %mul3A_254 : i32
        %add3A_256 = arith.constant 2 : i32
        %add3A_257 = arith.addi %mul3A_255, %add3A_256 : i32
        %swap3A_258 = arith.index_cast %add3A_257 : i32 to index
        %swap3A_259 = memref.load %arg15[%swap3A_258] : memref<208xi32, #tpu.memory_space<smem>>
        memref.store %squeeze3A_253, %arg15[%swap3A_258] : memref<208xi32, #tpu.memory_space<smem>>
        %slice3A_260 = vector.extract_strided_slice %mul3A_237 {offsets = [3], sizes = [1], strides = [1]} : vector<16xi32> to vector<1xi32>
        %squeeze3A_261 = vector.extract %slice3A_260[0] : i32 from vector<1xi32>
        %mul3A_262 = arith.constant 16 : i32
        %mul3A_263 = arith.muli %scan3A_229, %mul3A_262 : i32
        %add3A_264 = arith.constant 3 : i32
        %add3A_265 = arith.addi %mul3A_263, %add3A_264 : i32
        %swap3A_266 = arith.index_cast %add3A_265 : i32 to index
        %swap3A_267 = memref.load %arg15[%swap3A_266] : memref<208xi32, #tpu.memory_space<smem>>
        memref.store %squeeze3A_261, %arg15[%swap3A_266] : memref<208xi32, #tpu.memory_space<smem>>
        %slice3A_268 = vector.extract_strided_slice %mul3A_237 {offsets = [4], sizes = [1], strides = [1]} : vector<16xi32> to vector<1xi32>
        %squeeze3A_269 = vector.extract %slice3A_268[0] : i32 from vector<1xi32>
        %mul3A_270 = arith.constant 16 : i32
        %mul3A_271 = arith.muli %scan3A_229, %mul3A_270 : i32
        %add3A_272 = arith.constant 4 : i32
        %add3A_273 = arith.addi %mul3A_271, %add3A_272 : i32
        %swap3A_274 = arith.index_cast %add3A_273 : i32 to index
        %swap3A_275 = memref.load %arg15[%swap3A_274] : memref<208xi32, #tpu.memory_space<smem>>
        memref.store %squeeze3A_269, %arg15[%swap3A_274] : memref<208xi32, #tpu.memory_space<smem>>
        %slice3A_276 = vector.extract_strided_slice %mul3A_237 {offsets = [5], sizes = [1], strides = [1]} : vector<16xi32> to vector<1xi32>
        %squeeze3A_277 = vector.extract %slice3A_276[0] : i32 from vector<1xi32>
        %mul3A_278 = arith.constant 16 : i32
        %mul3A_279 = arith.muli %scan3A_229, %mul3A_278 : i32
        %add3A_280 = arith.constant 5 : i32
        %add3A_281 = arith.addi %mul3A_279, %add3A_280 : i32
        %swap3A_282 = arith.index_cast %add3A_281 : i32 to index
        %swap3A_283 = memref.load %arg15[%swap3A_282] : memref<208xi32, #tpu.memory_space<smem>>
        memref.store %squeeze3A_277, %arg15[%swap3A_282] : memref<208xi32, #tpu.memory_space<smem>>
        %slice3A_284 = vector.extract_strided_slice %mul3A_237 {offsets = [6], sizes = [1], strides = [1]} : vector<16xi32> to vector<1xi32>
        %squeeze3A_285 = vector.extract %slice3A_284[0] : i32 from vector<1xi32>
        %mul3A_286 = arith.constant 16 : i32
        %mul3A_287 = arith.muli %scan3A_229, %mul3A_286 : i32
        %add3A_288 = arith.constant 6 : i32
        %add3A_289 = arith.addi %mul3A_287, %add3A_288 : i32
        %swap3A_290 = arith.index_cast %add3A_289 : i32 to index
        %swap3A_291 = memref.load %arg15[%swap3A_290] : memref<208xi32, #tpu.memory_space<smem>>
        memref.store %squeeze3A_285, %arg15[%swap3A_290] : memref<208xi32, #tpu.memory_space<smem>>
        %slice3A_292 = vector.extract_strided_slice %mul3A_237 {offsets = [7], sizes = [1], strides = [1]} : vector<16xi32> to vector<1xi32>
        %squeeze3A_293 = vector.extract %slice3A_292[0] : i32 from vector<1xi32>
        %mul3A_294 = arith.constant 16 : i32
        %mul3A_295 = arith.muli %scan3A_229, %mul3A_294 : i32
        %add3A_296 = arith.constant 7 : i32
        %add3A_297 = arith.addi %mul3A_295, %add3A_296 : i32
        %swap3A_298 = arith.index_cast %add3A_297 : i32 to index
        %swap3A_299 = memref.load %arg15[%swap3A_298] : memref<208xi32, #tpu.memory_space<smem>>
        memref.store %squeeze3A_293, %arg15[%swap3A_298] : memref<208xi32, #tpu.memory_space<smem>>
        %slice3A_300 = vector.extract_strided_slice %mul3A_237 {offsets = [8], sizes = [1], strides = [1]} : vector<16xi32> to vector<1xi32>
        %squeeze3A_301 = vector.extract %slice3A_300[0] : i32 from vector<1xi32>
        %mul3A_302 = arith.constant 16 : i32
        %mul3A_303 = arith.muli %scan3A_229, %mul3A_302 : i32
        %add3A_304 = arith.constant 8 : i32
        %add3A_305 = arith.addi %mul3A_303, %add3A_304 : i32
        %swap3A_306 = arith.index_cast %add3A_305 : i32 to index
        %swap3A_307 = memref.load %arg15[%swap3A_306] : memref<208xi32, #tpu.memory_space<smem>>
        memref.store %squeeze3A_301, %arg15[%swap3A_306] : memref<208xi32, #tpu.memory_space<smem>>
        %slice3A_308 = vector.extract_strided_slice %mul3A_237 {offsets = [9], sizes = [1], strides = [1]} : vector<16xi32> to vector<1xi32>
        %squeeze3A_309 = vector.extract %slice3A_308[0] : i32 from vector<1xi32>
        %mul3A_310 = arith.constant 16 : i32
        %mul3A_311 = arith.muli %scan3A_229, %mul3A_310 : i32
        %add3A_312 = arith.constant 9 : i32
        %add3A_313 = arith.addi %mul3A_311, %add3A_312 : i32
        %swap3A_314 = arith.index_cast %add3A_313 : i32 to index
        %swap3A_315 = memref.load %arg15[%swap3A_314] : memref<208xi32, #tpu.memory_space<smem>>
        memref.store %squeeze3A_309, %arg15[%swap3A_314] : memref<208xi32, #tpu.memory_space<smem>>
        %slice3A_316 = vector.extract_strided_slice %mul3A_237 {offsets = [10], sizes = [1], strides = [1]} : vector<16xi32> to vector<1xi32>
        %squeeze3A_317 = vector.extract %slice3A_316[0] : i32 from vector<1xi32>
        %mul3A_318 = arith.constant 16 : i32
        %mul3A_319 = arith.muli %scan3A_229, %mul3A_318 : i32
        %add3A_320 = arith.constant 10 : i32
        %add3A_321 = arith.addi %mul3A_319, %add3A_320 : i32
        %swap3A_322 = arith.index_cast %add3A_321 : i32 to index
        %swap3A_323 = memref.load %arg15[%swap3A_322] : memref<208xi32, #tpu.memory_space<smem>>
        memref.store %squeeze3A_317, %arg15[%swap3A_322] : memref<208xi32, #tpu.memory_space<smem>>
        %slice3A_324 = vector.extract_strided_slice %mul3A_237 {offsets = [11], sizes = [1], strides = [1]} : vector<16xi32> to vector<1xi32>
        %squeeze3A_325 = vector.extract %slice3A_324[0] : i32 from vector<1xi32>
        %mul3A_326 = arith.constant 16 : i32
        %mul3A_327 = arith.muli %scan3A_229, %mul3A_326 : i32
        %add3A_328 = arith.constant 11 : i32
        %add3A_329 = arith.addi %mul3A_327, %add3A_328 : i32
        %swap3A_330 = arith.index_cast %add3A_329 : i32 to index
        %swap3A_331 = memref.load %arg15[%swap3A_330] : memref<208xi32, #tpu.memory_space<smem>>
        memref.store %squeeze3A_325, %arg15[%swap3A_330] : memref<208xi32, #tpu.memory_space<smem>>
        %slice3A_332 = vector.extract_strided_slice %mul3A_237 {offsets = [12], sizes = [1], strides = [1]} : vector<16xi32> to vector<1xi32>
        %squeeze3A_333 = vector.extract %slice3A_332[0] : i32 from vector<1xi32>
        %mul3A_334 = arith.constant 16 : i32
        %mul3A_335 = arith.muli %scan3A_229, %mul3A_334 : i32
        %add3A_336 = arith.constant 12 : i32
        %add3A_337 = arith.addi %mul3A_335, %add3A_336 : i32
        %swap3A_338 = arith.index_cast %add3A_337 : i32 to index
        %swap3A_339 = memref.load %arg15[%swap3A_338] : memref<208xi32, #tpu.memory_space<smem>>
        memref.store %squeeze3A_333, %arg15[%swap3A_338] : memref<208xi32, #tpu.memory_space<smem>>
        %slice3A_340 = vector.extract_strided_slice %mul3A_237 {offsets = [13], sizes = [1], strides = [1]} : vector<16xi32> to vector<1xi32>
        %squeeze3A_341 = vector.extract %slice3A_340[0] : i32 from vector<1xi32>
        %mul3A_342 = arith.constant 16 : i32
        %mul3A_343 = arith.muli %scan3A_229, %mul3A_342 : i32
        %add3A_344 = arith.constant 13 : i32
        %add3A_345 = arith.addi %mul3A_343, %add3A_344 : i32
        %swap3A_346 = arith.index_cast %add3A_345 : i32 to index
        %swap3A_347 = memref.load %arg15[%swap3A_346] : memref<208xi32, #tpu.memory_space<smem>>
        memref.store %squeeze3A_341, %arg15[%swap3A_346] : memref<208xi32, #tpu.memory_space<smem>>
        %slice3A_348 = vector.extract_strided_slice %mul3A_237 {offsets = [14], sizes = [1], strides = [1]} : vector<16xi32> to vector<1xi32>
        %squeeze3A_349 = vector.extract %slice3A_348[0] : i32 from vector<1xi32>
        %mul3A_350 = arith.constant 16 : i32
        %mul3A_351 = arith.muli %scan3A_229, %mul3A_350 : i32
        %add3A_352 = arith.constant 14 : i32
        %add3A_353 = arith.addi %mul3A_351, %add3A_352 : i32
        %swap3A_354 = arith.index_cast %add3A_353 : i32 to index
        %swap3A_355 = memref.load %arg15[%swap3A_354] : memref<208xi32, #tpu.memory_space<smem>>
        memref.store %squeeze3A_349, %arg15[%swap3A_354] : memref<208xi32, #tpu.memory_space<smem>>
        %slice3A_356 = vector.extract_strided_slice %mul3A_237 {offsets = [15], sizes = [1], strides = [1]} : vector<16xi32> to vector<1xi32>
        %squeeze3A_357 = vector.extract %slice3A_356[0] : i32 from vector<1xi32>
        %mul3A_358 = arith.constant 16 : i32
        %mul3A_359 = arith.muli %scan3A_229, %mul3A_358 : i32
        %add3A_360 = arith.constant 15 : i32
        %add3A_361 = arith.addi %mul3A_359, %add3A_360 : i32
        %swap3A_362 = arith.index_cast %add3A_361 : i32 to index
        %swap3A_363 = memref.load %arg15[%swap3A_362] : memref<208xi32, #tpu.memory_space<smem>>
        memref.store %squeeze3A_357, %arg15[%swap3A_362] : memref<208xi32, #tpu.memory_space<smem>>
        %scan3A_364 = arith.constant 0 : i32
        scf.yield %scan3A_364 : i32
      }
      %scan3A_65 = arith.constant 13 : i32
      %broadcast_in_dim3A = arith.constant 0.000000e+00 : f32
      %broadcast_in_dim3A_66 = vector.broadcast %broadcast_in_dim3A : f32 to vector<16xf32>
      %broadcast_in_dim3A_67 = arith.constant 0.000000e+00 : f32
      %broadcast_in_dim3A_68 = vector.broadcast %broadcast_in_dim3A_67 : f32 to vector<16xf32>
      %broadcast_in_dim3A_69 = arith.constant 0.000000e+00 : f32
      %broadcast_in_dim3A_70 = vector.broadcast %broadcast_in_dim3A_69 : f32 to vector<16xf32>
      %broadcast_in_dim3A_71 = arith.constant 0.000000e+00 : f32
      %broadcast_in_dim3A_72 = vector.broadcast %broadcast_in_dim3A_71 : f32 to vector<16xf32>
      %broadcast_in_dim3A_73 = arith.constant 0.000000e+00 : f32
      %broadcast_in_dim3A_74 = vector.broadcast %broadcast_in_dim3A_73 : f32 to vector<16xf32>
      %broadcast_in_dim3A_75 = arith.constant 0.000000e+00 : f32
      %broadcast_in_dim3A_76 = vector.broadcast %broadcast_in_dim3A_75 : f32 to vector<16xf32>
      %broadcast_in_dim3A_77 = arith.constant 0.000000e+00 : f32
      %broadcast_in_dim3A_78 = vector.broadcast %broadcast_in_dim3A_77 : f32 to vector<16xf32>
      %broadcast_in_dim3A_79 = arith.constant 0.000000e+00 : f32
      %broadcast_in_dim3A_80 = vector.broadcast %broadcast_in_dim3A_79 : f32 to vector<16xf32>
      %scan3A_81 = arith.constant 0 : i32
      %scan3A_82 = arith.constant 200 : i32
      %scan3A_83 = arith.addi %scan3A_81, %scan3A_82 : i32
      %scan3A_84 = arith.constant 1 : i32
      %scan3A_85:8 = scf.for %scan3A_229 = %scan3A_81 to %scan3A_83 step %scan3A_84 iter_args(%scan3A_230 = %broadcast_in_dim3A_66, %scan3A_231 = %broadcast_in_dim3A_68, %scan3A_232 = %broadcast_in_dim3A_70, %scan3A_233 = %broadcast_in_dim3A_72, %scan3A_234 = %broadcast_in_dim3A_74, %scan3A_235 = %broadcast_in_dim3A_76, %scan3A_236 = %broadcast_in_dim3A_78, %scan3A_237 = %broadcast_in_dim3A_80) -> (vector<16xf32>, vector<16xf32>, vector<16xf32>, vector<16xf32>, vector<16xf32>, vector<16xf32>, vector<16xf32>, vector<16xf32>)  : i32 {
        %get3A = arith.index_cast %scan3A_229 : i32 to index
        %get3A_238 = memref.load %arg15[%get3A] : memref<208xi32, #tpu.memory_space<smem>>
        %get3A_239 = arith.index_cast %scan3A_229 : i32 to index
        %get3A_240 = arith.constant 0 : index
        %get3A_241 = tpu.vector_load %arg9[%get3A_239, %get3A_240] {strides = array<i32>} : memref<200x64xi32, #tpu.memory_space<vmem>>, vector<16xi32>,
        %bitcast3A = vector.bitcast %get3A_241 : vector<16xi32> to vector<32xbf16>
        %add3A_242 = arith.constant 0 : i32
        %add3A_243 = arith.addi %get3A_238, %add3A_242 : i32
        %get3A_244 = arith.index_cast %add3A_243 : i32 to index
        %get3A_245 = tpu.vector_load %arg12[%get3A_244] {strides = array<i32>} : memref<512xi32, #tpu.memory_space<vmem>>, vector<16xi32>,
        %bitcast3A_246 = vector.bitcast %get3A_245 : vector<16xi32> to vector<32xbf16>
        %add3A_247 = arith.addf %bitcast3A, %bitcast3A_246 : vector<32xbf16>
        %max3A = arith.constant 0.000000e+00 : bf16
        %max3A_248 = vector.broadcast %max3A : bf16 to vector<32xbf16>
        %max3A_249 = arith.maximumf %add3A_247, %max3A_248 : vector<32xbf16>
        %unpack3A = tpu.unpack_subelements %max3A_249, 0 {pack_format = #tpu.pack_format<interleaved>} : vector<32xbf16> -> vector<16xf32>
        %unpack3A_250 = tpu.unpack_subelements %max3A_249, 1 {pack_format = #tpu.pack_format<interleaved>} : vector<32xbf16> -> vector<16xf32>
        %add3A_251 = arith.addf %scan3A_230, %unpack3A : vector<16xf32>
        %add3A_252 = arith.addf %scan3A_231, %unpack3A_250 : vector<16xf32>
        %get3A_253 = arith.index_cast %scan3A_229 : i32 to index
        %get3A_254 = arith.constant 16 : index
        %get3A_255 = tpu.vector_load %arg9[%get3A_253, %get3A_254] {strides = array<i32>} : memref<200x64xi32, #tpu.memory_space<vmem>>, vector<16xi32>,
        %bitcast3A_256 = vector.bitcast %get3A_255 : vector<16xi32> to vector<32xbf16>
        %add3A_257 = arith.constant 16 : i32
        %add3A_258 = arith.addi %get3A_238, %add3A_257 : i32
        %get3A_259 = arith.index_cast %add3A_258 : i32 to index
        %get3A_260 = tpu.vector_load %arg12[%get3A_259] {strides = array<i32>} : memref<512xi32, #tpu.memory_space<vmem>>, vector<16xi32>,
        %bitcast3A_261 = vector.bitcast %get3A_260 : vector<16xi32> to vector<32xbf16>
        %add3A_262 = arith.addf %bitcast3A_256, %bitcast3A_261 : vector<32xbf16>
        %max3A_263 = arith.constant 0.000000e+00 : bf16
        %max3A_264 = vector.broadcast %max3A_263 : bf16 to vector<32xbf16>
        %max3A_265 = arith.maximumf %add3A_262, %max3A_264 : vector<32xbf16>
        %unpack3A_266 = tpu.unpack_subelements %max3A_265, 0 {pack_format = #tpu.pack_format<interleaved>} : vector<32xbf16> -> vector<16xf32>
        %unpack3A_267 = tpu.unpack_subelements %max3A_265, 1 {pack_format = #tpu.pack_format<interleaved>} : vector<32xbf16> -> vector<16xf32>
        %add3A_268 = arith.addf %scan3A_232, %unpack3A_266 : vector<16xf32>
        %add3A_269 = arith.addf %scan3A_233, %unpack3A_267 : vector<16xf32>
        %get3A_270 = arith.index_cast %scan3A_229 : i32 to index
        %get3A_271 = arith.constant 32 : index
        %get3A_272 = tpu.vector_load %arg9[%get3A_270, %get3A_271] {strides = array<i32>} : memref<200x64xi32, #tpu.memory_space<vmem>>, vector<16xi32>,
        %bitcast3A_273 = vector.bitcast %get3A_272 : vector<16xi32> to vector<32xbf16>
        %add3A_274 = arith.constant 32 : i32
        %add3A_275 = arith.addi %get3A_238, %add3A_274 : i32
        %get3A_276 = arith.index_cast %add3A_275 : i32 to index
        %get3A_277 = tpu.vector_load %arg12[%get3A_276] {strides = array<i32>} : memref<512xi32, #tpu.memory_space<vmem>>, vector<16xi32>,
        %bitcast3A_278 = vector.bitcast %get3A_277 : vector<16xi32> to vector<32xbf16>
        %add3A_279 = arith.addf %bitcast3A_273, %bitcast3A_278 : vector<32xbf16>
        %max3A_280 = arith.constant 0.000000e+00 : bf16
        %max3A_281 = vector.broadcast %max3A_280 : bf16 to vector<32xbf16>
        %max3A_282 = arith.maximumf %add3A_279, %max3A_281 : vector<32xbf16>
        %unpack3A_283 = tpu.unpack_subelements %max3A_282, 0 {pack_format = #tpu.pack_format<interleaved>} : vector<32xbf16> -> vector<16xf32>
        %unpack3A_284 = tpu.unpack_subelements %max3A_282, 1 {pack_format = #tpu.pack_format<interleaved>} : vector<32xbf16> -> vector<16xf32>
        %add3A_285 = arith.addf %scan3A_234, %unpack3A_283 : vector<16xf32>
        %add3A_286 = arith.addf %scan3A_235, %unpack3A_284 : vector<16xf32>
        %get3A_287 = arith.index_cast %scan3A_229 : i32 to index
        %get3A_288 = arith.constant 48 : index
        %get3A_289 = tpu.vector_load %arg9[%get3A_287, %get3A_288] {strides = array<i32>} : memref<200x64xi32, #tpu.memory_space<vmem>>, vector<16xi32>,
        %bitcast3A_290 = vector.bitcast %get3A_289 : vector<16xi32> to vector<32xbf16>
        %add3A_291 = arith.constant 48 : i32
        %add3A_292 = arith.addi %get3A_238, %add3A_291 : i32
        %get3A_293 = arith.index_cast %add3A_292 : i32 to index
        %get3A_294 = tpu.vector_load %arg12[%get3A_293] {strides = array<i32>} : memref<512xi32, #tpu.memory_space<vmem>>, vector<16xi32>,
        %bitcast3A_295 = vector.bitcast %get3A_294 : vector<16xi32> to vector<32xbf16>
        %add3A_296 = arith.addf %bitcast3A_290, %bitcast3A_295 : vector<32xbf16>
        %max3A_297 = arith.constant 0.000000e+00 : bf16
        %max3A_298 = vector.broadcast %max3A_297 : bf16 to vector<32xbf16>
        %max3A_299 = arith.maximumf %add3A_296, %max3A_298 : vector<32xbf16>
        %unpack3A_300 = tpu.unpack_subelements %max3A_299, 0 {pack_format = #tpu.pack_format<interleaved>} : vector<32xbf16> -> vector<16xf32>
        %unpack3A_301 = tpu.unpack_subelements %max3A_299, 1 {pack_format = #tpu.pack_format<interleaved>} : vector<32xbf16> -> vector<16xf32>
        %add3A_302 = arith.addf %scan3A_236, %unpack3A_300 : vector<16xf32>
        %add3A_303 = arith.addf %scan3A_237, %unpack3A_301 : vector<16xf32>
        scf.yield %add3A_251, %add3A_252, %add3A_268, %add3A_269, %add3A_285, %add3A_286, %add3A_302, %add3A_303 : vector<16xf32>, vector<16xf32>, vector<16xf32>, vector<16xf32>, vector<16xf32>, vector<16xf32>, vector<16xf32>, vector<16xf32>
      }
      %scan3A_86 = arith.constant 200 : i32
      %rem3A = arith.constant 16 : i32
      %rem3A_87 = arith.remsi %mul3A_31, %rem3A : i32
      %mul3A_88 = arith.constant 128 : i32
      %mul3A_89 = arith.muli %rem3A_87, %mul3A_88 : i32
      %add3A_90 = arith.constant 0 : i32
      %add3A_91 = arith.addi %mul3A_89, %add3A_90 : i32
      %swap3A = arith.index_cast %add3A_91 : i32 to index
      %swap3A_92 = tpu.vector_load %arg11[%swap3A] {strides = array<i32>} : memref<2048xf32, #tpu.memory_space<vmem>>, vector<16xf32>,
      tpu.vector_store %arg11[%swap3A], %scan3A_85#0 {strides = array<i32>} : memref<2048xf32, #tpu.memory_space<vmem>>, vector<16xf32>,
      %mul3A_93 = arith.constant 128 : i32
      %mul3A_94 = arith.muli %rem3A_87, %mul3A_93 : i32
      %add3A_95 = arith.constant 16 : i32
      %add3A_96 = arith.addi %mul3A_94, %add3A_95 : i32
      %swap3A_97 = arith.index_cast %add3A_96 : i32 to index
      %swap3A_98 = tpu.vector_load %arg11[%swap3A_97] {strides = array<i32>} : memref<2048xf32, #tpu.memory_space<vmem>>, vector<16xf32>,
      tpu.vector_store %arg11[%swap3A_97], %scan3A_85#1 {strides = array<i32>} : memref<2048xf32, #tpu.memory_space<vmem>>, vector<16xf32>,
      %mul3A_99 = arith.constant 128 : i32
      %mul3A_100 = arith.muli %rem3A_87, %mul3A_99 : i32
      %add3A_101 = arith.constant 32 : i32
      %add3A_102 = arith.addi %mul3A_100, %add3A_101 : i32
      %swap3A_103 = arith.index_cast %add3A_102 : i32 to index
      %swap3A_104 = tpu.vector_load %arg11[%swap3A_103] {strides = array<i32>} : memref<2048xf32, #tpu.memory_space<vmem>>, vector<16xf32>,
      tpu.vector_store %arg11[%swap3A_103], %scan3A_85#2 {strides = array<i32>} : memref<2048xf32, #tpu.memory_space<vmem>>, vector<16xf32>,
      %mul3A_105 = arith.constant 128 : i32
      %mul3A_106 = arith.muli %rem3A_87, %mul3A_105 : i32
      %add3A_107 = arith.constant 48 : i32
      %add3A_108 = arith.addi %mul3A_106, %add3A_107 : i32
      %swap3A_109 = arith.index_cast %add3A_108 : i32 to index
      %swap3A_110 = tpu.vector_load %arg11[%swap3A_109] {strides = array<i32>} : memref<2048xf32, #tpu.memory_space<vmem>>, vector<16xf32>,
      tpu.vector_store %arg11[%swap3A_109], %scan3A_85#3 {strides = array<i32>} : memref<2048xf32, #tpu.memory_space<vmem>>, vector<16xf32>,
      %mul3A_111 = arith.constant 128 : i32
      %mul3A_112 = arith.muli %rem3A_87, %mul3A_111 : i32
      %add3A_113 = arith.constant 64 : i32
      %add3A_114 = arith.addi %mul3A_112, %add3A_113 : i32
      %swap3A_115 = arith.index_cast %add3A_114 : i32 to index
      %swap3A_116 = tpu.vector_load %arg11[%swap3A_115] {strides = array<i32>} : memref<2048xf32, #tpu.memory_space<vmem>>, vector<16xf32>,
      tpu.vector_store %arg11[%swap3A_115], %scan3A_85#4 {strides = array<i32>} : memref<2048xf32, #tpu.memory_space<vmem>>, vector<16xf32>,
      %mul3A_117 = arith.constant 128 : i32
      %mul3A_118 = arith.muli %rem3A_87, %mul3A_117 : i32
      %add3A_119 = arith.constant 80 : i32
      %add3A_120 = arith.addi %mul3A_118, %add3A_119 : i32
      %swap3A_121 = arith.index_cast %add3A_120 : i32 to index
      %swap3A_122 = tpu.vector_load %arg11[%swap3A_121] {strides = array<i32>} : memref<2048xf32, #tpu.memory_space<vmem>>, vector<16xf32>,
      tpu.vector_store %arg11[%swap3A_121], %scan3A_85#5 {strides = array<i32>} : memref<2048xf32, #tpu.memory_space<vmem>>, vector<16xf32>,
      %mul3A_123 = arith.constant 128 : i32
      %mul3A_124 = arith.muli %rem3A_87, %mul3A_123 : i32
      %add3A_125 = arith.constant 96 : i32
      %add3A_126 = arith.addi %mul3A_124, %add3A_125 : i32
      %swap3A_127 = arith.index_cast %add3A_126 : i32 to index
      %swap3A_128 = tpu.vector_load %arg11[%swap3A_127] {strides = array<i32>} : memref<2048xf32, #tpu.memory_space<vmem>>, vector<16xf32>,
      tpu.vector_store %arg11[%swap3A_127], %scan3A_85#6 {strides = array<i32>} : memref<2048xf32, #tpu.memory_space<vmem>>, vector<16xf32>,
      %mul3A_129 = arith.constant 128 : i32
      %mul3A_130 = arith.muli %rem3A_87, %mul3A_129 : i32
      %add3A_131 = arith.constant 112 : i32
      %add3A_132 = arith.addi %mul3A_130, %add3A_131 : i32
      %swap3A_133 = arith.index_cast %add3A_132 : i32 to index
      %swap3A_134 = tpu.vector_load %arg11[%swap3A_133] {strides = array<i32>} : memref<2048xf32, #tpu.memory_space<vmem>>, vector<16xf32>,
      tpu.vector_store %arg11[%swap3A_133], %scan3A_85#7 {strides = array<i32>} : memref<2048xf32, #tpu.memory_space<vmem>>, vector<16xf32>,
      %lt3A = arith.constant 63 : i32
      %lt3A_135 = arith.cmpi slt, %scan3A_28, %lt3A : i32
      %convert_element_type3A = arith.extui %lt3A_135 : i1 to i32
      %cond3A = arith.constant 0 : i32
      %cond3A_136 = arith.cmpi ne, %convert_element_type3A, %cond3A : i32
      scf.if %cond3A_136 {
        %add3A_229 = arith.constant 2 : i32
        %add3A_230 = arith.addi %mul3A_31, %add3A_229 : i32
        %dma_start3A_231 = arith.constant 0 : i32
        %dma_start3A_232 = arith.constant 0 : i32
        %dma_start3A_233 = tpu.memref_slice %arg9[%dma_start3A_231, %dma_start3A_232] : memref<200x64xi32, #tpu.memory_space<vmem>> -> memref<104x64xi32, #tpu.memory_space<vmem>>
        %dma_start3A_234 = arith.constant 0 : i32
        %dma_start3A_235 = tpu.memref_slice %arg7[%add3A_230, %dma_start3A_234] : memref<128x200xi32, #tpu.memory_space<vmem>> -> memref<1x104xi32, #tpu.memory_space<vmem>>
        %dma_start3A_236 = tpu.memref_squeeze %dma_start3A_235 : memref<1x104xi32, #tpu.memory_space<vmem>> -> memref<104xi32, #tpu.memory_space<vmem>>
        %dma_start3A_237 = arith.constant 0 : i32
        %dma_start3A_238 = arith.constant 0 : i32
        %dma_start3A_239 = tpu.memref_slice %arg2[%dma_start3A_237, %dma_start3A_238] : memref<100352x64xi32, #tpu.memory_space<hbm>> -> memref<100352x64xi32, #tpu.memory_space<hbm>>
        tpu.enqueue_indirect_dma source(%dma_start3A_239 : memref<100352x64xi32, #tpu.memory_space<hbm>>) target(%dma_start3A_233 : memref<104x64xi32, #tpu.memory_space<vmem>>) offsets(%dma_start3A_236 : memref<104xi32, #tpu.memory_space<vmem>>) semaphore(%arg16 : memref<!tpu.dma_semaphore, #tpu.memory_space<semaphore_mem>>)
        %dma_start3A_240 = arith.constant 104 : i32
        %dma_start3A_241 = arith.constant 0 : i32
        %dma_start3A_242 = tpu.memref_slice %arg9[%dma_start3A_240, %dma_start3A_241] : memref<200x64xi32, #tpu.memory_space<vmem>> -> memref<96x64xi32, #tpu.memory_space<vmem>>
        %dma_start3A_243 = arith.constant 104 : i32
        %dma_start3A_244 = tpu.memref_slice %arg7[%add3A_230, %dma_start3A_243] : memref<128x200xi32, #tpu.memory_space<vmem>> -> memref<1x96xi32, #tpu.memory_space<vmem>>
        %dma_start3A_245 = tpu.memref_squeeze %dma_start3A_244 : memref<1x96xi32, #tpu.memory_space<vmem>> -> memref<96xi32, #tpu.memory_space<vmem>>
        %dma_start3A_246 = arith.constant 0 : i32
        %dma_start3A_247 = arith.constant 0 : i32
        %dma_start3A_248 = tpu.memref_slice %arg2[%dma_start3A_246, %dma_start3A_247] : memref<100352x64xi32, #tpu.memory_space<hbm>> -> memref<100352x64xi32, #tpu.memory_space<hbm>>
        tpu.enqueue_indirect_dma source(%dma_start3A_248 : memref<100352x64xi32, #tpu.memory_space<hbm>>) target(%dma_start3A_242 : memref<96x64xi32, #tpu.memory_space<vmem>>) offsets(%dma_start3A_245 : memref<96xi32, #tpu.memory_space<vmem>>) semaphore(%arg16 : memref<!tpu.dma_semaphore, #tpu.memory_space<semaphore_mem>>)
      } else {
      }
      %dma_wait3A_137 = arith.constant 0 : i32
      %dma_wait3A_138 = arith.constant 0 : i32
      %dma_wait3A_139 = tpu.memref_slice %arg2[%dma_wait3A_137, %dma_wait3A_138] : memref<100352x64xi32, #tpu.memory_space<hbm>> -> memref<200x64xi32, #tpu.memory_space<hbm>>
      %dma_wait3A_140 = arith.constant 0 : i32
      %dma_wait3A_141 = arith.constant 0 : i32
      %dma_wait3A_142 = tpu.memref_slice %arg2[%dma_wait3A_140, %dma_wait3A_141] : memref<100352x64xi32, #tpu.memory_space<hbm>> -> memref<200x64xi32, #tpu.memory_space<hbm>>
      tpu.wait_dma2 semaphore(%arg17 : memref<!tpu.dma_semaphore, #tpu.memory_space<semaphore_mem>>) src(%dma_wait3A_142 : memref<200x64xi32, #tpu.memory_space<hbm>>) dst(%arg10 : memref<200x64xi32, #tpu.memory_space<vmem>>)
      %scan3A_143 = arith.constant 0 : i32
      %scan3A_144 = arith.constant 0 : i32
      %scan3A_145 = arith.constant 13 : i32
      %scan3A_146 = arith.addi %scan3A_144, %scan3A_145 : i32
      %scan3A_147 = arith.constant 1 : i32
      %scan3A_148 = scf.for %scan3A_229 = %scan3A_144 to %scan3A_146 step %scan3A_147 iter_args(%scan3A_230 = %scan3A_143) -> (i32)  : i32 {
        %mul3A_231 = arith.constant 16 : i32
        %mul3A_232 = arith.muli %scan3A_229, %mul3A_231 : i32
        %get3A = arith.index_cast %add3A_35 : i32 to index
        %get3A_233 = arith.index_cast %mul3A_232 : i32 to index
        %get3A_234 = tpu.vector_load %arg8[%get3A, %get3A_233] {strides = array<i32>} : memref<129x200xi32, #tpu.memory_space<vmem>>, vector<16xi32>,
        %mul3A_235 = arith.constant 64 : i32
        %mul3A_236 = vector.broadcast %mul3A_235 : i32 to vector<16xi32>
        %mul3A_237 = arith.muli %get3A_234, %mul3A_236 : vector<16xi32>
        %slice3A = vector.extract_strided_slice %mul3A_237 {offsets = [0], sizes = [1], strides = [1]} : vector<16xi32> to vector<1xi32>
        %squeeze3A = vector.extract %slice3A[0] : i32 from vector<1xi32>
        %mul3A_238 = arith.constant 16 : i32
        %mul3A_239 = arith.muli %scan3A_229, %mul3A_238 : i32
        %add3A_240 = arith.constant 0 : i32
        %add3A_241 = arith.addi %mul3A_239, %add3A_240 : i32
        %swap3A_242 = arith.index_cast %add3A_241 : i32 to index
        %swap3A_243 = memref.load %arg15[%swap3A_242] : memref<208xi32, #tpu.memory_space<smem>>
        memref.store %squeeze3A, %arg15[%swap3A_242] : memref<208xi32, #tpu.memory_space<smem>>
        %slice3A_244 = vector.extract_strided_slice %mul3A_237 {offsets = [1], sizes = [1], strides = [1]} : vector<16xi32> to vector<1xi32>
        %squeeze3A_245 = vector.extract %slice3A_244[0] : i32 from vector<1xi32>
        %mul3A_246 = arith.constant 16 : i32
        %mul3A_247 = arith.muli %scan3A_229, %mul3A_246 : i32
        %add3A_248 = arith.constant 1 : i32
        %add3A_249 = arith.addi %mul3A_247, %add3A_248 : i32
        %swap3A_250 = arith.index_cast %add3A_249 : i32 to index
        %swap3A_251 = memref.load %arg15[%swap3A_250] : memref<208xi32, #tpu.memory_space<smem>>
        memref.store %squeeze3A_245, %arg15[%swap3A_250] : memref<208xi32, #tpu.memory_space<smem>>
        %slice3A_252 = vector.extract_strided_slice %mul3A_237 {offsets = [2], sizes = [1], strides = [1]} : vector<16xi32> to vector<1xi32>
        %squeeze3A_253 = vector.extract %slice3A_252[0] : i32 from vector<1xi32>
        %mul3A_254 = arith.constant 16 : i32
        %mul3A_255 = arith.muli %scan3A_229, %mul3A_254 : i32
        %add3A_256 = arith.constant 2 : i32
        %add3A_257 = arith.addi %mul3A_255, %add3A_256 : i32
        %swap3A_258 = arith.index_cast %add3A_257 : i32 to index
        %swap3A_259 = memref.load %arg15[%swap3A_258] : memref<208xi32, #tpu.memory_space<smem>>
        memref.store %squeeze3A_253, %arg15[%swap3A_258] : memref<208xi32, #tpu.memory_space<smem>>
        %slice3A_260 = vector.extract_strided_slice %mul3A_237 {offsets = [3], sizes = [1], strides = [1]} : vector<16xi32> to vector<1xi32>
        %squeeze3A_261 = vector.extract %slice3A_260[0] : i32 from vector<1xi32>
        %mul3A_262 = arith.constant 16 : i32
        %mul3A_263 = arith.muli %scan3A_229, %mul3A_262 : i32
        %add3A_264 = arith.constant 3 : i32
        %add3A_265 = arith.addi %mul3A_263, %add3A_264 : i32
        %swap3A_266 = arith.index_cast %add3A_265 : i32 to index
        %swap3A_267 = memref.load %arg15[%swap3A_266] : memref<208xi32, #tpu.memory_space<smem>>
        memref.store %squeeze3A_261, %arg15[%swap3A_266] : memref<208xi32, #tpu.memory_space<smem>>
        %slice3A_268 = vector.extract_strided_slice %mul3A_237 {offsets = [4], sizes = [1], strides = [1]} : vector<16xi32> to vector<1xi32>
        %squeeze3A_269 = vector.extract %slice3A_268[0] : i32 from vector<1xi32>
        %mul3A_270 = arith.constant 16 : i32
        %mul3A_271 = arith.muli %scan3A_229, %mul3A_270 : i32
        %add3A_272 = arith.constant 4 : i32
        %add3A_273 = arith.addi %mul3A_271, %add3A_272 : i32
        %swap3A_274 = arith.index_cast %add3A_273 : i32 to index
        %swap3A_275 = memref.load %arg15[%swap3A_274] : memref<208xi32, #tpu.memory_space<smem>>
        memref.store %squeeze3A_269, %arg15[%swap3A_274] : memref<208xi32, #tpu.memory_space<smem>>
        %slice3A_276 = vector.extract_strided_slice %mul3A_237 {offsets = [5], sizes = [1], strides = [1]} : vector<16xi32> to vector<1xi32>
        %squeeze3A_277 = vector.extract %slice3A_276[0] : i32 from vector<1xi32>
        %mul3A_278 = arith.constant 16 : i32
        %mul3A_279 = arith.muli %scan3A_229, %mul3A_278 : i32
        %add3A_280 = arith.constant 5 : i32
        %add3A_281 = arith.addi %mul3A_279, %add3A_280 : i32
        %swap3A_282 = arith.index_cast %add3A_281 : i32 to index
        %swap3A_283 = memref.load %arg15[%swap3A_282] : memref<208xi32, #tpu.memory_space<smem>>
        memref.store %squeeze3A_277, %arg15[%swap3A_282] : memref<208xi32, #tpu.memory_space<smem>>
        %slice3A_284 = vector.extract_strided_slice %mul3A_237 {offsets = [6], sizes = [1], strides = [1]} : vector<16xi32> to vector<1xi32>
        %squeeze3A_285 = vector.extract %slice3A_284[0] : i32 from vector<1xi32>
        %mul3A_286 = arith.constant 16 : i32
        %mul3A_287 = arith.muli %scan3A_229, %mul3A_286 : i32
        %add3A_288 = arith.constant 6 : i32
        %add3A_289 = arith.addi %mul3A_287, %add3A_288 : i32
        %swap3A_290 = arith.index_cast %add3A_289 : i32 to index
        %swap3A_291 = memref.load %arg15[%swap3A_290] : memref<208xi32, #tpu.memory_space<smem>>
        memref.store %squeeze3A_285, %arg15[%swap3A_290] : memref<208xi32, #tpu.memory_space<smem>>
        %slice3A_292 = vector.extract_strided_slice %mul3A_237 {offsets = [7], sizes = [1], strides = [1]} : vector<16xi32> to vector<1xi32>
        %squeeze3A_293 = vector.extract %slice3A_292[0] : i32 from vector<1xi32>
        %mul3A_294 = arith.constant 16 : i32
        %mul3A_295 = arith.muli %scan3A_229, %mul3A_294 : i32
        %add3A_296 = arith.constant 7 : i32
        %add3A_297 = arith.addi %mul3A_295, %add3A_296 : i32
        %swap3A_298 = arith.index_cast %add3A_297 : i32 to index
        %swap3A_299 = memref.load %arg15[%swap3A_298] : memref<208xi32, #tpu.memory_space<smem>>
        memref.store %squeeze3A_293, %arg15[%swap3A_298] : memref<208xi32, #tpu.memory_space<smem>>
        %slice3A_300 = vector.extract_strided_slice %mul3A_237 {offsets = [8], sizes = [1], strides = [1]} : vector<16xi32> to vector<1xi32>
        %squeeze3A_301 = vector.extract %slice3A_300[0] : i32 from vector<1xi32>
        %mul3A_302 = arith.constant 16 : i32
        %mul3A_303 = arith.muli %scan3A_229, %mul3A_302 : i32
        %add3A_304 = arith.constant 8 : i32
        %add3A_305 = arith.addi %mul3A_303, %add3A_304 : i32
        %swap3A_306 = arith.index_cast %add3A_305 : i32 to index
        %swap3A_307 = memref.load %arg15[%swap3A_306] : memref<208xi32, #tpu.memory_space<smem>>
        memref.store %squeeze3A_301, %arg15[%swap3A_306] : memref<208xi32, #tpu.memory_space<smem>>
        %slice3A_308 = vector.extract_strided_slice %mul3A_237 {offsets = [9], sizes = [1], strides = [1]} : vector<16xi32> to vector<1xi32>
        %squeeze3A_309 = vector.extract %slice3A_308[0] : i32 from vector<1xi32>
        %mul3A_310 = arith.constant 16 : i32
        %mul3A_311 = arith.muli %scan3A_229, %mul3A_310 : i32
        %add3A_312 = arith.constant 9 : i32
        %add3A_313 = arith.addi %mul3A_311, %add3A_312 : i32
        %swap3A_314 = arith.index_cast %add3A_313 : i32 to index
        %swap3A_315 = memref.load %arg15[%swap3A_314] : memref<208xi32, #tpu.memory_space<smem>>
        memref.store %squeeze3A_309, %arg15[%swap3A_314] : memref<208xi32, #tpu.memory_space<smem>>
        %slice3A_316 = vector.extract_strided_slice %mul3A_237 {offsets = [10], sizes = [1], strides = [1]} : vector<16xi32> to vector<1xi32>
        %squeeze3A_317 = vector.extract %slice3A_316[0] : i32 from vector<1xi32>
        %mul3A_318 = arith.constant 16 : i32
        %mul3A_319 = arith.muli %scan3A_229, %mul3A_318 : i32
        %add3A_320 = arith.constant 10 : i32
        %add3A_321 = arith.addi %mul3A_319, %add3A_320 : i32
        %swap3A_322 = arith.index_cast %add3A_321 : i32 to index
        %swap3A_323 = memref.load %arg15[%swap3A_322] : memref<208xi32, #tpu.memory_space<smem>>
        memref.store %squeeze3A_317, %arg15[%swap3A_322] : memref<208xi32, #tpu.memory_space<smem>>
        %slice3A_324 = vector.extract_strided_slice %mul3A_237 {offsets = [11], sizes = [1], strides = [1]} : vector<16xi32> to vector<1xi32>
        %squeeze3A_325 = vector.extract %slice3A_324[0] : i32 from vector<1xi32>
        %mul3A_326 = arith.constant 16 : i32
        %mul3A_327 = arith.muli %scan3A_229, %mul3A_326 : i32
        %add3A_328 = arith.constant 11 : i32
        %add3A_329 = arith.addi %mul3A_327, %add3A_328 : i32
        %swap3A_330 = arith.index_cast %add3A_329 : i32 to index
        %swap3A_331 = memref.load %arg15[%swap3A_330] : memref<208xi32, #tpu.memory_space<smem>>
        memref.store %squeeze3A_325, %arg15[%swap3A_330] : memref<208xi32, #tpu.memory_space<smem>>
        %slice3A_332 = vector.extract_strided_slice %mul3A_237 {offsets = [12], sizes = [1], strides = [1]} : vector<16xi32> to vector<1xi32>
        %squeeze3A_333 = vector.extract %slice3A_332[0] : i32 from vector<1xi32>
        %mul3A_334 = arith.constant 16 : i32
        %mul3A_335 = arith.muli %scan3A_229, %mul3A_334 : i32
        %add3A_336 = arith.constant 12 : i32
        %add3A_337 = arith.addi %mul3A_335, %add3A_336 : i32
        %swap3A_338 = arith.index_cast %add3A_337 : i32 to index
        %swap3A_339 = memref.load %arg15[%swap3A_338] : memref<208xi32, #tpu.memory_space<smem>>
        memref.store %squeeze3A_333, %arg15[%swap3A_338] : memref<208xi32, #tpu.memory_space<smem>>
        %slice3A_340 = vector.extract_strided_slice %mul3A_237 {offsets = [13], sizes = [1], strides = [1]} : vector<16xi32> to vector<1xi32>
        %squeeze3A_341 = vector.extract %slice3A_340[0] : i32 from vector<1xi32>
        %mul3A_342 = arith.constant 16 : i32
        %mul3A_343 = arith.muli %scan3A_229, %mul3A_342 : i32
        %add3A_344 = arith.constant 13 : i32
        %add3A_345 = arith.addi %mul3A_343, %add3A_344 : i32
        %swap3A_346 = arith.index_cast %add3A_345 : i32 to index
        %swap3A_347 = memref.load %arg15[%swap3A_346] : memref<208xi32, #tpu.memory_space<smem>>
        memref.store %squeeze3A_341, %arg15[%swap3A_346] : memref<208xi32, #tpu.memory_space<smem>>
        %slice3A_348 = vector.extract_strided_slice %mul3A_237 {offsets = [14], sizes = [1], strides = [1]} : vector<16xi32> to vector<1xi32>
        %squeeze3A_349 = vector.extract %slice3A_348[0] : i32 from vector<1xi32>
        %mul3A_350 = arith.constant 16 : i32
        %mul3A_351 = arith.muli %scan3A_229, %mul3A_350 : i32
        %add3A_352 = arith.constant 14 : i32
        %add3A_353 = arith.addi %mul3A_351, %add3A_352 : i32
        %swap3A_354 = arith.index_cast %add3A_353 : i32 to index
        %swap3A_355 = memref.load %arg15[%swap3A_354] : memref<208xi32, #tpu.memory_space<smem>>
        memref.store %squeeze3A_349, %arg15[%swap3A_354] : memref<208xi32, #tpu.memory_space<smem>>
        %slice3A_356 = vector.extract_strided_slice %mul3A_237 {offsets = [15], sizes = [1], strides = [1]} : vector<16xi32> to vector<1xi32>
        %squeeze3A_357 = vector.extract %slice3A_356[0] : i32 from vector<1xi32>
        %mul3A_358 = arith.constant 16 : i32
        %mul3A_359 = arith.muli %scan3A_229, %mul3A_358 : i32
        %add3A_360 = arith.constant 15 : i32
        %add3A_361 = arith.addi %mul3A_359, %add3A_360 : i32
        %swap3A_362 = arith.index_cast %add3A_361 : i32 to index
        %swap3A_363 = memref.load %arg15[%swap3A_362] : memref<208xi32, #tpu.memory_space<smem>>
        memref.store %squeeze3A_357, %arg15[%swap3A_362] : memref<208xi32, #tpu.memory_space<smem>>
        %scan3A_364 = arith.constant 0 : i32
        scf.yield %scan3A_364 : i32
      }
      %scan3A_149 = arith.constant 13 : i32
      %broadcast_in_dim3A_150 = arith.constant 0.000000e+00 : f32
      %broadcast_in_dim3A_151 = vector.broadcast %broadcast_in_dim3A_150 : f32 to vector<16xf32>
      %broadcast_in_dim3A_152 = arith.constant 0.000000e+00 : f32
      %broadcast_in_dim3A_153 = vector.broadcast %broadcast_in_dim3A_152 : f32 to vector<16xf32>
      %broadcast_in_dim3A_154 = arith.constant 0.000000e+00 : f32
      %broadcast_in_dim3A_155 = vector.broadcast %broadcast_in_dim3A_154 : f32 to vector<16xf32>
      %broadcast_in_dim3A_156 = arith.constant 0.000000e+00 : f32
      %broadcast_in_dim3A_157 = vector.broadcast %broadcast_in_dim3A_156 : f32 to vector<16xf32>
      %broadcast_in_dim3A_158 = arith.constant 0.000000e+00 : f32
      %broadcast_in_dim3A_159 = vector.broadcast %broadcast_in_dim3A_158 : f32 to vector<16xf32>
      %broadcast_in_dim3A_160 = arith.constant 0.000000e+00 : f32
      %broadcast_in_dim3A_161 = vector.broadcast %broadcast_in_dim3A_160 : f32 to vector<16xf32>
      %broadcast_in_dim3A_162 = arith.constant 0.000000e+00 : f32
      %broadcast_in_dim3A_163 = vector.broadcast %broadcast_in_dim3A_162 : f32 to vector<16xf32>
      %broadcast_in_dim3A_164 = arith.constant 0.000000e+00 : f32
      %broadcast_in_dim3A_165 = vector.broadcast %broadcast_in_dim3A_164 : f32 to vector<16xf32>
      %scan3A_166 = arith.constant 0 : i32
      %scan3A_167 = arith.constant 200 : i32
      %scan3A_168 = arith.addi %scan3A_166, %scan3A_167 : i32
      %scan3A_169 = arith.constant 1 : i32
      %scan3A_170:8 = scf.for %scan3A_229 = %scan3A_166 to %scan3A_168 step %scan3A_169 iter_args(%scan3A_230 = %broadcast_in_dim3A_151, %scan3A_231 = %broadcast_in_dim3A_153, %scan3A_232 = %broadcast_in_dim3A_155, %scan3A_233 = %broadcast_in_dim3A_157, %scan3A_234 = %broadcast_in_dim3A_159, %scan3A_235 = %broadcast_in_dim3A_161, %scan3A_236 = %broadcast_in_dim3A_163, %scan3A_237 = %broadcast_in_dim3A_165) -> (vector<16xf32>, vector<16xf32>, vector<16xf32>, vector<16xf32>, vector<16xf32>, vector<16xf32>, vector<16xf32>, vector<16xf32>)  : i32 {
        %get3A = arith.index_cast %scan3A_229 : i32 to index
        %get3A_238 = memref.load %arg15[%get3A] : memref<208xi32, #tpu.memory_space<smem>>
        %get3A_239 = arith.index_cast %scan3A_229 : i32 to index
        %get3A_240 = arith.constant 0 : index
        %get3A_241 = tpu.vector_load %arg10[%get3A_239, %get3A_240] {strides = array<i32>} : memref<200x64xi32, #tpu.memory_space<vmem>>, vector<16xi32>,
        %bitcast3A = vector.bitcast %get3A_241 : vector<16xi32> to vector<32xbf16>
        %add3A_242 = arith.constant 0 : i32
        %add3A_243 = arith.addi %get3A_238, %add3A_242 : i32
        %get3A_244 = arith.index_cast %add3A_243 : i32 to index
        %get3A_245 = tpu.vector_load %arg12[%get3A_244] {strides = array<i32>} : memref<512xi32, #tpu.memory_space<vmem>>, vector<16xi32>,
        %bitcast3A_246 = vector.bitcast %get3A_245 : vector<16xi32> to vector<32xbf16>
        %add3A_247 = arith.addf %bitcast3A, %bitcast3A_246 : vector<32xbf16>
        %max3A = arith.constant 0.000000e+00 : bf16
        %max3A_248 = vector.broadcast %max3A : bf16 to vector<32xbf16>
        %max3A_249 = arith.maximumf %add3A_247, %max3A_248 : vector<32xbf16>
        %unpack3A = tpu.unpack_subelements %max3A_249, 0 {pack_format = #tpu.pack_format<interleaved>} : vector<32xbf16> -> vector<16xf32>
        %unpack3A_250 = tpu.unpack_subelements %max3A_249, 1 {pack_format = #tpu.pack_format<interleaved>} : vector<32xbf16> -> vector<16xf32>
        %add3A_251 = arith.addf %scan3A_230, %unpack3A : vector<16xf32>
        %add3A_252 = arith.addf %scan3A_231, %unpack3A_250 : vector<16xf32>
        %get3A_253 = arith.index_cast %scan3A_229 : i32 to index
        %get3A_254 = arith.constant 16 : index
        %get3A_255 = tpu.vector_load %arg10[%get3A_253, %get3A_254] {strides = array<i32>} : memref<200x64xi32, #tpu.memory_space<vmem>>, vector<16xi32>,
        %bitcast3A_256 = vector.bitcast %get3A_255 : vector<16xi32> to vector<32xbf16>
        %add3A_257 = arith.constant 16 : i32
        %add3A_258 = arith.addi %get3A_238, %add3A_257 : i32
        %get3A_259 = arith.index_cast %add3A_258 : i32 to index
        %get3A_260 = tpu.vector_load %arg12[%get3A_259] {strides = array<i32>} : memref<512xi32, #tpu.memory_space<vmem>>, vector<16xi32>,
        %bitcast3A_261 = vector.bitcast %get3A_260 : vector<16xi32> to vector<32xbf16>
        %add3A_262 = arith.addf %bitcast3A_256, %bitcast3A_261 : vector<32xbf16>
        %max3A_263 = arith.constant 0.000000e+00 : bf16
        %max3A_264 = vector.broadcast %max3A_263 : bf16 to vector<32xbf16>
        %max3A_265 = arith.maximumf %add3A_262, %max3A_264 : vector<32xbf16>
        %unpack3A_266 = tpu.unpack_subelements %max3A_265, 0 {pack_format = #tpu.pack_format<interleaved>} : vector<32xbf16> -> vector<16xf32>
        %unpack3A_267 = tpu.unpack_subelements %max3A_265, 1 {pack_format = #tpu.pack_format<interleaved>} : vector<32xbf16> -> vector<16xf32>
        %add3A_268 = arith.addf %scan3A_232, %unpack3A_266 : vector<16xf32>
        %add3A_269 = arith.addf %scan3A_233, %unpack3A_267 : vector<16xf32>
        %get3A_270 = arith.index_cast %scan3A_229 : i32 to index
        %get3A_271 = arith.constant 32 : index
        %get3A_272 = tpu.vector_load %arg10[%get3A_270, %get3A_271] {strides = array<i32>} : memref<200x64xi32, #tpu.memory_space<vmem>>, vector<16xi32>,
        %bitcast3A_273 = vector.bitcast %get3A_272 : vector<16xi32> to vector<32xbf16>
        %add3A_274 = arith.constant 32 : i32
        %add3A_275 = arith.addi %get3A_238, %add3A_274 : i32
        %get3A_276 = arith.index_cast %add3A_275 : i32 to index
        %get3A_277 = tpu.vector_load %arg12[%get3A_276] {strides = array<i32>} : memref<512xi32, #tpu.memory_space<vmem>>, vector<16xi32>,
        %bitcast3A_278 = vector.bitcast %get3A_277 : vector<16xi32> to vector<32xbf16>
        %add3A_279 = arith.addf %bitcast3A_273, %bitcast3A_278 : vector<32xbf16>
        %max3A_280 = arith.constant 0.000000e+00 : bf16
        %max3A_281 = vector.broadcast %max3A_280 : bf16 to vector<32xbf16>
        %max3A_282 = arith.maximumf %add3A_279, %max3A_281 : vector<32xbf16>
        %unpack3A_283 = tpu.unpack_subelements %max3A_282, 0 {pack_format = #tpu.pack_format<interleaved>} : vector<32xbf16> -> vector<16xf32>
        %unpack3A_284 = tpu.unpack_subelements %max3A_282, 1 {pack_format = #tpu.pack_format<interleaved>} : vector<32xbf16> -> vector<16xf32>
        %add3A_285 = arith.addf %scan3A_234, %unpack3A_283 : vector<16xf32>
        %add3A_286 = arith.addf %scan3A_235, %unpack3A_284 : vector<16xf32>
        %get3A_287 = arith.index_cast %scan3A_229 : i32 to index
        %get3A_288 = arith.constant 48 : index
        %get3A_289 = tpu.vector_load %arg10[%get3A_287, %get3A_288] {strides = array<i32>} : memref<200x64xi32, #tpu.memory_space<vmem>>, vector<16xi32>,
        %bitcast3A_290 = vector.bitcast %get3A_289 : vector<16xi32> to vector<32xbf16>
        %add3A_291 = arith.constant 48 : i32
        %add3A_292 = arith.addi %get3A_238, %add3A_291 : i32
        %get3A_293 = arith.index_cast %add3A_292 : i32 to index
        %get3A_294 = tpu.vector_load %arg12[%get3A_293] {strides = array<i32>} : memref<512xi32, #tpu.memory_space<vmem>>, vector<16xi32>,
        %bitcast3A_295 = vector.bitcast %get3A_294 : vector<16xi32> to vector<32xbf16>
        %add3A_296 = arith.addf %bitcast3A_290, %bitcast3A_295 : vector<32xbf16>
        %max3A_297 = arith.constant 0.000000e+00 : bf16
        %max3A_298 = vector.broadcast %max3A_297 : bf16 to vector<32xbf16>
        %max3A_299 = arith.maximumf %add3A_296, %max3A_298 : vector<32xbf16>
        %unpack3A_300 = tpu.unpack_subelements %max3A_299, 0 {pack_format = #tpu.pack_format<interleaved>} : vector<32xbf16> -> vector<16xf32>
        %unpack3A_301 = tpu.unpack_subelements %max3A_299, 1 {pack_format = #tpu.pack_format<interleaved>} : vector<32xbf16> -> vector<16xf32>
        %add3A_302 = arith.addf %scan3A_236, %unpack3A_300 : vector<16xf32>
        %add3A_303 = arith.addf %scan3A_237, %unpack3A_301 : vector<16xf32>
        scf.yield %add3A_251, %add3A_252, %add3A_268, %add3A_269, %add3A_285, %add3A_286, %add3A_302, %add3A_303 : vector<16xf32>, vector<16xf32>, vector<16xf32>, vector<16xf32>, vector<16xf32>, vector<16xf32>, vector<16xf32>, vector<16xf32>
      }
      %scan3A_171 = arith.constant 200 : i32
      %rem3A_172 = arith.constant 16 : i32
      %rem3A_173 = arith.remsi %add3A_35, %rem3A_172 : i32
      %mul3A_174 = arith.constant 128 : i32
      %mul3A_175 = arith.muli %rem3A_173, %mul3A_174 : i32
      %add3A_176 = arith.constant 0 : i32
      %add3A_177 = arith.addi %mul3A_175, %add3A_176 : i32
      %swap3A_178 = arith.index_cast %add3A_177 : i32 to index
      %swap3A_179 = tpu.vector_load %arg11[%swap3A_178] {strides = array<i32>} : memref<2048xf32, #tpu.memory_space<vmem>>, vector<16xf32>,
      tpu.vector_store %arg11[%swap3A_178], %scan3A_170#0 {strides = array<i32>} : memref<2048xf32, #tpu.memory_space<vmem>>, vector<16xf32>,
      %mul3A_180 = arith.constant 128 : i32
      %mul3A_181 = arith.muli %rem3A_173, %mul3A_180 : i32
      %add3A_182 = arith.constant 16 : i32
      %add3A_183 = arith.addi %mul3A_181, %add3A_182 : i32
      %swap3A_184 = arith.index_cast %add3A_183 : i32 to index
      %swap3A_185 = tpu.vector_load %arg11[%swap3A_184] {strides = array<i32>} : memref<2048xf32, #tpu.memory_space<vmem>>, vector<16xf32>,
      tpu.vector_store %arg11[%swap3A_184], %scan3A_170#1 {strides = array<i32>} : memref<2048xf32, #tpu.memory_space<vmem>>, vector<16xf32>,
      %mul3A_186 = arith.constant 128 : i32
      %mul3A_187 = arith.muli %rem3A_173, %mul3A_186 : i32
      %add3A_188 = arith.constant 32 : i32
      %add3A_189 = arith.addi %mul3A_187, %add3A_188 : i32
      %swap3A_190 = arith.index_cast %add3A_189 : i32 to index
      %swap3A_191 = tpu.vector_load %arg11[%swap3A_190] {strides = array<i32>} : memref<2048xf32, #tpu.memory_space<vmem>>, vector<16xf32>,
      tpu.vector_store %arg11[%swap3A_190], %scan3A_170#2 {strides = array<i32>} : memref<2048xf32, #tpu.memory_space<vmem>>, vector<16xf32>,
      %mul3A_192 = arith.constant 128 : i32
      %mul3A_193 = arith.muli %rem3A_173, %mul3A_192 : i32
      %add3A_194 = arith.constant 48 : i32
      %add3A_195 = arith.addi %mul3A_193, %add3A_194 : i32
      %swap3A_196 = arith.index_cast %add3A_195 : i32 to index
      %swap3A_197 = tpu.vector_load %arg11[%swap3A_196] {strides = array<i32>} : memref<2048xf32, #tpu.memory_space<vmem>>, vector<16xf32>,
      tpu.vector_store %arg11[%swap3A_196], %scan3A_170#3 {strides = array<i32>} : memref<2048xf32, #tpu.memory_space<vmem>>, vector<16xf32>,
      %mul3A_198 = arith.constant 128 : i32
      %mul3A_199 = arith.muli %rem3A_173, %mul3A_198 : i32
      %add3A_200 = arith.constant 64 : i32
      %add3A_201 = arith.addi %mul3A_199, %add3A_200 : i32
      %swap3A_202 = arith.index_cast %add3A_201 : i32 to index
      %swap3A_203 = tpu.vector_load %arg11[%swap3A_202] {strides = array<i32>} : memref<2048xf32, #tpu.memory_space<vmem>>, vector<16xf32>,
      tpu.vector_store %arg11[%swap3A_202], %scan3A_170#4 {strides = array<i32>} : memref<2048xf32, #tpu.memory_space<vmem>>, vector<16xf32>,
      %mul3A_204 = arith.constant 128 : i32
      %mul3A_205 = arith.muli %rem3A_173, %mul3A_204 : i32
      %add3A_206 = arith.constant 80 : i32
      %add3A_207 = arith.addi %mul3A_205, %add3A_206 : i32
      %swap3A_208 = arith.index_cast %add3A_207 : i32 to index
      %swap3A_209 = tpu.vector_load %arg11[%swap3A_208] {strides = array<i32>} : memref<2048xf32, #tpu.memory_space<vmem>>, vector<16xf32>,
      tpu.vector_store %arg11[%swap3A_208], %scan3A_170#5 {strides = array<i32>} : memref<2048xf32, #tpu.memory_space<vmem>>, vector<16xf32>,
      %mul3A_210 = arith.constant 128 : i32
      %mul3A_211 = arith.muli %rem3A_173, %mul3A_210 : i32
      %add3A_212 = arith.constant 96 : i32
      %add3A_213 = arith.addi %mul3A_211, %add3A_212 : i32
      %swap3A_214 = arith.index_cast %add3A_213 : i32 to index
      %swap3A_215 = tpu.vector_load %arg11[%swap3A_214] {strides = array<i32>} : memref<2048xf32, #tpu.memory_space<vmem>>, vector<16xf32>,
      tpu.vector_store %arg11[%swap3A_214], %scan3A_170#6 {strides = array<i32>} : memref<2048xf32, #tpu.memory_space<vmem>>, vector<16xf32>,
      %mul3A_216 = arith.constant 128 : i32
      %mul3A_217 = arith.muli %rem3A_173, %mul3A_216 : i32
      %add3A_218 = arith.constant 112 : i32
      %add3A_219 = arith.addi %mul3A_217, %add3A_218 : i32
      %swap3A_220 = arith.index_cast %add3A_219 : i32 to index
      %swap3A_221 = tpu.vector_load %arg11[%swap3A_220] {strides = array<i32>} : memref<2048xf32, #tpu.memory_space<vmem>>, vector<16xf32>,
      tpu.vector_store %arg11[%swap3A_220], %scan3A_170#7 {strides = array<i32>} : memref<2048xf32, #tpu.memory_space<vmem>>, vector<16xf32>,
      %rem3A_222 = arith.constant 16 : i32
      %rem3A_223 = arith.remsi %add3A_35, %rem3A_222 : i32
      %eq3A = arith.constant 15 : i32
      %eq3A_224 = arith.cmpi eq, %rem3A_223, %eq3A : i32
      %convert_element_type3A_225 = arith.extui %eq3A_224 : i1 to i32
      %cond3A_226 = arith.constant 0 : i32
      %cond3A_227 = arith.cmpi ne, %convert_element_type3A_225, %cond3A_226 : i32
      scf.if %cond3A_227 {
        %add3A_229 = arith.addi %mul3A_2, %add3A_35 : i32
        %sub3A = arith.constant 15 : i32
        %sub3A_230 = arith.subi %add3A_229, %sub3A : i32
        %mul3A_231 = arith.constant 128 : i32
        %mul3A_232 = arith.muli %sub3A_230, %mul3A_231 : i32
        "tpu.region"() ({
          %run_scoped3A = tpu.sem_alloc : memref<!tpu.dma_semaphore, #tpu.memory_space<semaphore_mem>>
          %dma_start3A_233 = tpu.memref_slice %arg6[%mul3A_232] : memref<524288xf32, #tpu.memory_space<hbm>> -> memref<2048xf32, #tpu.memory_space<hbm>>
          %dma_start3A_234 = tpu.memref_slice %arg6[%mul3A_232] : memref<524288xf32, #tpu.memory_space<hbm>> -> memref<2048xf32, #tpu.memory_space<hbm>>
          tpu.enqueue_dma source(%arg11 : memref<2048xf32, #tpu.memory_space<vmem>>) target(%dma_start3A_234 : memref<2048xf32, #tpu.memory_space<hbm>>) target_semaphore(%run_scoped3A : memref<!tpu.dma_semaphore, #tpu.memory_space<semaphore_mem>>)
          %dma_wait3A_235 = tpu.memref_slice %arg6[%mul3A_232] : memref<524288xf32, #tpu.memory_space<hbm>> -> memref<2048xf32, #tpu.memory_space<hbm>>
          %dma_wait3A_236 = tpu.memref_slice %arg6[%mul3A_232] : memref<524288xf32, #tpu.memory_space<hbm>> -> memref<2048xf32, #tpu.memory_space<hbm>>
          tpu.wait_dma2 semaphore(%run_scoped3A : memref<!tpu.dma_semaphore, #tpu.memory_space<semaphore_mem>>) src(%arg11 : memref<2048xf32, #tpu.memory_space<vmem>>) dst(%dma_wait3A_236 : memref<2048xf32, #tpu.memory_space<hbm>>)
          tpu.yield
        }) : () -> ()
      } else {
      }
      %scan3A_228 = arith.constant 0 : i32
      scf.yield %scan3A_228 : i32
    }
    %scan3A_27 = arith.constant 64 : i32
    return
  }
}

#map = affine_map<(d0, d1) -> (0, 0)>
#map1 = affine_map<(d0, d1) -> (0)>
#map2 = affine_map<(d0, d1) -> (0, 0, 0)>
module attributes {stable_mosaic.version = 14 : i64} {
  func.func @_sc_u_body(%arg0: i32, %arg1: i32, %arg2: memref<100352x64xi32, #tpu.memory_space<hbm>>, %arg3: memref<512xi32, #tpu.memory_space<hbm>>, %arg4: memref<4096x200xi32, #tpu.memory_space<hbm>>, %arg5: memref<4096x200xi32, #tpu.memory_space<hbm>>, %arg6: memref<4096xi32, #tpu.memory_space<hbm>>, %arg7: memref<4096xi32, #tpu.memory_space<hbm>>, %arg8: memref<4096xi32, #tpu.memory_space<hbm>>, %arg9: memref<4096xi32, #tpu.memory_space<hbm>>, %arg10: memref<4096xi32, #tpu.memory_space<hbm>>, %arg11: memref<2x16xf32, #tpu.memory_space<hbm>>, %arg12: memref<7x16xf32, #tpu.memory_space<hbm>>, %arg13: memref<21x16xf32, #tpu.memory_space<hbm>>, %arg14: memref<3439x16xf32, #tpu.memory_space<hbm>>, %arg15: memref<18x16xf32, #tpu.memory_space<hbm>>, %arg16: memref<524288xf32, #tpu.memory_space<hbm>>, %arg17: memref<5x4096x16xf32, #tpu.memory_space<hbm>>, %arg18: memref<128x200xi32, #tpu.memory_space<vmem>>, %arg19: memref<129x200xi32, #tpu.memory_space<vmem>>, %arg20: memref<200x64xi32, #tpu.memory_space<vmem>>, %arg21: memref<200x64xi32, #tpu.memory_space<vmem>>, %arg22: memref<2048xf32, #tpu.memory_space<vmem>>, %arg23: memref<512xi32, #tpu.memory_space<vmem>>, %arg24: memref<128xi32, #tpu.memory_space<vmem>>, %arg25: memref<128x16xf32, #tpu.memory_space<vmem>>, %arg26: memref<208xi32, #tpu.memory_space<smem>>, %arg27: memref<!tpu.dma_semaphore, #tpu.memory_space<semaphore_mem>>, %arg28: memref<!tpu.dma_semaphore, #tpu.memory_space<semaphore_mem>>) attributes {dimension_semantics = [#tpu.dimension_semantics<core_parallel>, #tpu.dimension_semantics<subcore_parallel>], iteration_bounds = array<i64: 2, 16>, scalar_prefetch = 0 : i64, scratch_operands = 11 : i64, tpu.core_type = #tpu.core_type<sc_vector_subcore>, window_params = [{transform_indices = #map}, {transform_indices = #map1}, {transform_indices = #map}, {transform_indices = #map}, {transform_indices = #map1}, {transform_indices = #map1}, {transform_indices = #map1}, {transform_indices = #map1}, {transform_indices = #map1}, {transform_indices = #map}, {transform_indices = #map}, {transform_indices = #map}, {transform_indices = #map}, {transform_indices = #map}, {transform_indices = #map1}, {transform_indices = #map2}]} {
    %mul3A = arith.constant 16 : i32
    %mul3A_0 = arith.muli %arg0, %mul3A : i32
    %add3A = arith.addi %mul3A_0, %arg1 : i32
    %mul3A_1 = arith.constant 128 : i32
    %mul3A_2 = arith.muli %add3A, %mul3A_1 : i32
    "tpu.region"() ({
      %run_scoped3A_61 = tpu.sem_alloc : memref<!tpu.dma_semaphore, #tpu.memory_space<semaphore_mem>>
      %dma_start3A_62 = tpu.memref_slice %arg6[%mul3A_2] : memref<4096xi32, #tpu.memory_space<hbm>> -> memref<128xi32, #tpu.memory_space<hbm>>
      %dma_start3A_63 = tpu.memref_slice %arg6[%mul3A_2] : memref<4096xi32, #tpu.memory_space<hbm>> -> memref<128xi32, #tpu.memory_space<hbm>>
      tpu.enqueue_dma source(%dma_start3A_63 : memref<128xi32, #tpu.memory_space<hbm>>) target(%arg24 : memref<128xi32, #tpu.memory_space<vmem>>) target_semaphore(%run_scoped3A_61 : memref<!tpu.dma_semaphore, #tpu.memory_space<semaphore_mem>>)
      %dma_wait3A_64 = tpu.memref_slice %arg6[%mul3A_2] : memref<4096xi32, #tpu.memory_space<hbm>> -> memref<128xi32, #tpu.memory_space<hbm>>
      %dma_wait3A_65 = tpu.memref_slice %arg6[%mul3A_2] : memref<4096xi32, #tpu.memory_space<hbm>> -> memref<128xi32, #tpu.memory_space<hbm>>
      tpu.wait_dma2 semaphore(%run_scoped3A_61 : memref<!tpu.dma_semaphore, #tpu.memory_space<semaphore_mem>>) src(%dma_wait3A_65 : memref<128xi32, #tpu.memory_space<hbm>>) dst(%arg24 : memref<128xi32, #tpu.memory_space<vmem>>)
      tpu.yield
    }) : () -> ()
    %dma_start3A = arith.constant 0 : i32
    %dma_start3A_3 = arith.constant 0 : i32
    %dma_start3A_4 = tpu.memref_slice %arg11[%dma_start3A, %dma_start3A_3] : memref<2x16xf32, #tpu.memory_space<hbm>> -> memref<2x16xf32, #tpu.memory_space<hbm>>
    tpu.enqueue_indirect_dma source(%dma_start3A_4 : memref<2x16xf32, #tpu.memory_space<hbm>>) target(%arg25 : memref<128x16xf32, #tpu.memory_space<vmem>>) offsets(%arg24 : memref<128xi32, #tpu.memory_space<vmem>>) semaphore(%arg27 : memref<!tpu.dma_semaphore, #tpu.memory_space<semaphore_mem>>)
    %dma_wait3A = arith.constant 0 : i32
    %dma_wait3A_5 = arith.constant 0 : i32
    %dma_wait3A_6 = tpu.memref_slice %arg11[%dma_wait3A, %dma_wait3A_5] : memref<2x16xf32, #tpu.memory_space<hbm>> -> memref<2x16xf32, #tpu.memory_space<hbm>>
    tpu.wait_indirect_dma semaphore(%arg27 : memref<!tpu.dma_semaphore, #tpu.memory_space<semaphore_mem>>) src(%dma_wait3A_6 : memref<2x16xf32, #tpu.memory_space<hbm>>) dst(%arg25 : memref<128x16xf32, #tpu.memory_space<vmem>>)
    %run_scoped3A = arith.constant 0 : i32
    "tpu.region"() ({
      %run_scoped3A_61 = tpu.sem_alloc : memref<!tpu.dma_semaphore, #tpu.memory_space<semaphore_mem>>
      %dma_start3A_62 = arith.constant 0 : i32
      %dma_start3A_63 = tpu.memref_slice %arg17[%run_scoped3A, %mul3A_2, %dma_start3A_62] : memref<5x4096x16xf32, #tpu.memory_space<hbm>> -> memref<1x128x16xf32, #tpu.memory_space<hbm>>
      %dma_start3A_64 = tpu.memref_squeeze %dma_start3A_63 : memref<1x128x16xf32, #tpu.memory_space<hbm>> -> memref<128x16xf32, #tpu.memory_space<hbm>>
      %dma_start3A_65 = arith.constant 0 : i32
      %dma_start3A_66 = tpu.memref_slice %arg17[%run_scoped3A, %mul3A_2, %dma_start3A_65] : memref<5x4096x16xf32, #tpu.memory_space<hbm>> -> memref<1x128x16xf32, #tpu.memory_space<hbm>>
      %dma_start3A_67 = tpu.memref_squeeze %dma_start3A_66 : memref<1x128x16xf32, #tpu.memory_space<hbm>> -> memref<128x16xf32, #tpu.memory_space<hbm>>
      tpu.enqueue_dma source(%arg25 : memref<128x16xf32, #tpu.memory_space<vmem>>) target(%dma_start3A_67 : memref<128x16xf32, #tpu.memory_space<hbm>>) target_semaphore(%run_scoped3A_61 : memref<!tpu.dma_semaphore, #tpu.memory_space<semaphore_mem>>)
      %dma_wait3A_68 = arith.constant 0 : i32
      %dma_wait3A_69 = tpu.memref_slice %arg17[%run_scoped3A, %mul3A_2, %dma_wait3A_68] : memref<5x4096x16xf32, #tpu.memory_space<hbm>> -> memref<1x128x16xf32, #tpu.memory_space<hbm>>
      %dma_wait3A_70 = tpu.memref_squeeze %dma_wait3A_69 : memref<1x128x16xf32, #tpu.memory_space<hbm>> -> memref<128x16xf32, #tpu.memory_space<hbm>>
      %dma_wait3A_71 = arith.constant 0 : i32
      %dma_wait3A_72 = tpu.memref_slice %arg17[%run_scoped3A, %mul3A_2, %dma_wait3A_71] : memref<5x4096x16xf32, #tpu.memory_space<hbm>> -> memref<1x128x16xf32, #tpu.memory_space<hbm>>
      %dma_wait3A_73 = tpu.memref_squeeze %dma_wait3A_72 : memref<1x128x16xf32, #tpu.memory_space<hbm>> -> memref<128x16xf32, #tpu.memory_space<hbm>>
      tpu.wait_dma2 semaphore(%run_scoped3A_61 : memref<!tpu.dma_semaphore, #tpu.memory_space<semaphore_mem>>) src(%arg25 : memref<128x16xf32, #tpu.memory_space<vmem>>) dst(%dma_wait3A_73 : memref<128x16xf32, #tpu.memory_space<hbm>>)
      tpu.yield
    }) : () -> ()
    "tpu.region"() ({
      %run_scoped3A_61 = tpu.sem_alloc : memref<!tpu.dma_semaphore, #tpu.memory_space<semaphore_mem>>
      %dma_start3A_62 = tpu.memref_slice %arg7[%mul3A_2] : memref<4096xi32, #tpu.memory_space<hbm>> -> memref<128xi32, #tpu.memory_space<hbm>>
      %dma_start3A_63 = tpu.memref_slice %arg7[%mul3A_2] : memref<4096xi32, #tpu.memory_space<hbm>> -> memref<128xi32, #tpu.memory_space<hbm>>
      tpu.enqueue_dma source(%dma_start3A_63 : memref<128xi32, #tpu.memory_space<hbm>>) target(%arg24 : memref<128xi32, #tpu.memory_space<vmem>>) target_semaphore(%run_scoped3A_61 : memref<!tpu.dma_semaphore, #tpu.memory_space<semaphore_mem>>)
      %dma_wait3A_64 = tpu.memref_slice %arg7[%mul3A_2] : memref<4096xi32, #tpu.memory_space<hbm>> -> memref<128xi32, #tpu.memory_space<hbm>>
      %dma_wait3A_65 = tpu.memref_slice %arg7[%mul3A_2] : memref<4096xi32, #tpu.memory_space<hbm>> -> memref<128xi32, #tpu.memory_space<hbm>>
      tpu.wait_dma2 semaphore(%run_scoped3A_61 : memref<!tpu.dma_semaphore, #tpu.memory_space<semaphore_mem>>) src(%dma_wait3A_65 : memref<128xi32, #tpu.memory_space<hbm>>) dst(%arg24 : memref<128xi32, #tpu.memory_space<vmem>>)
      tpu.yield
    }) : () -> ()
    %dma_start3A_7 = arith.constant 0 : i32
    %dma_start3A_8 = arith.constant 0 : i32
    %dma_start3A_9 = tpu.memref_slice %arg12[%dma_start3A_7, %dma_start3A_8] : memref<7x16xf32, #tpu.memory_space<hbm>> -> memref<7x16xf32, #tpu.memory_space<hbm>>
    tpu.enqueue_indirect_dma source(%dma_start3A_9 : memref<7x16xf32, #tpu.memory_space<hbm>>) target(%arg25 : memref<128x16xf32, #tpu.memory_space<vmem>>) offsets(%arg24 : memref<128xi32, #tpu.memory_space<vmem>>) semaphore(%arg27 : memref<!tpu.dma_semaphore, #tpu.memory_space<semaphore_mem>>)
    %dma_wait3A_10 = arith.constant 0 : i32
    %dma_wait3A_11 = arith.constant 0 : i32
    %dma_wait3A_12 = tpu.memref_slice %arg12[%dma_wait3A_10, %dma_wait3A_11] : memref<7x16xf32, #tpu.memory_space<hbm>> -> memref<7x16xf32, #tpu.memory_space<hbm>>
    tpu.wait_indirect_dma semaphore(%arg27 : memref<!tpu.dma_semaphore, #tpu.memory_space<semaphore_mem>>) src(%dma_wait3A_12 : memref<7x16xf32, #tpu.memory_space<hbm>>) dst(%arg25 : memref<128x16xf32, #tpu.memory_space<vmem>>)
    %run_scoped3A_13 = arith.constant 1 : i32
    "tpu.region"() ({
      %run_scoped3A_61 = tpu.sem_alloc : memref<!tpu.dma_semaphore, #tpu.memory_space<semaphore_mem>>
      %dma_start3A_62 = arith.constant 0 : i32
      %dma_start3A_63 = tpu.memref_slice %arg17[%run_scoped3A_13, %mul3A_2, %dma_start3A_62] : memref<5x4096x16xf32, #tpu.memory_space<hbm>> -> memref<1x128x16xf32, #tpu.memory_space<hbm>>
      %dma_start3A_64 = tpu.memref_squeeze %dma_start3A_63 : memref<1x128x16xf32, #tpu.memory_space<hbm>> -> memref<128x16xf32, #tpu.memory_space<hbm>>
      %dma_start3A_65 = arith.constant 0 : i32
      %dma_start3A_66 = tpu.memref_slice %arg17[%run_scoped3A_13, %mul3A_2, %dma_start3A_65] : memref<5x4096x16xf32, #tpu.memory_space<hbm>> -> memref<1x128x16xf32, #tpu.memory_space<hbm>>
      %dma_start3A_67 = tpu.memref_squeeze %dma_start3A_66 : memref<1x128x16xf32, #tpu.memory_space<hbm>> -> memref<128x16xf32, #tpu.memory_space<hbm>>
      tpu.enqueue_dma source(%arg25 : memref<128x16xf32, #tpu.memory_space<vmem>>) target(%dma_start3A_67 : memref<128x16xf32, #tpu.memory_space<hbm>>) target_semaphore(%run_scoped3A_61 : memref<!tpu.dma_semaphore, #tpu.memory_space<semaphore_mem>>)
      %dma_wait3A_68 = arith.constant 0 : i32
      %dma_wait3A_69 = tpu.memref_slice %arg17[%run_scoped3A_13, %mul3A_2, %dma_wait3A_68] : memref<5x4096x16xf32, #tpu.memory_space<hbm>> -> memref<1x128x16xf32, #tpu.memory_space<hbm>>
      %dma_wait3A_70 = tpu.memref_squeeze %dma_wait3A_69 : memref<1x128x16xf32, #tpu.memory_space<hbm>> -> memref<128x16xf32, #tpu.memory_space<hbm>>
      %dma_wait3A_71 = arith.constant 0 : i32
      %dma_wait3A_72 = tpu.memref_slice %arg17[%run_scoped3A_13, %mul3A_2, %dma_wait3A_71] : memref<5x4096x16xf32, #tpu.memory_space<hbm>> -> memref<1x128x16xf32, #tpu.memory_space<hbm>>
      %dma_wait3A_73 = tpu.memref_squeeze %dma_wait3A_72 : memref<1x128x16xf32, #tpu.memory_space<hbm>> -> memref<128x16xf32, #tpu.memory_space<hbm>>
      tpu.wait_dma2 semaphore(%run_scoped3A_61 : memref<!tpu.dma_semaphore, #tpu.memory_space<semaphore_mem>>) src(%arg25 : memref<128x16xf32, #tpu.memory_space<vmem>>) dst(%dma_wait3A_73 : memref<128x16xf32, #tpu.memory_space<hbm>>)
      tpu.yield
    }) : () -> ()
    "tpu.region"() ({
      %run_scoped3A_61 = tpu.sem_alloc : memref<!tpu.dma_semaphore, #tpu.memory_space<semaphore_mem>>
      %dma_start3A_62 = tpu.memref_slice %arg8[%mul3A_2] : memref<4096xi32, #tpu.memory_space<hbm>> -> memref<128xi32, #tpu.memory_space<hbm>>
      %dma_start3A_63 = tpu.memref_slice %arg8[%mul3A_2] : memref<4096xi32, #tpu.memory_space<hbm>> -> memref<128xi32, #tpu.memory_space<hbm>>
      tpu.enqueue_dma source(%dma_start3A_63 : memref<128xi32, #tpu.memory_space<hbm>>) target(%arg24 : memref<128xi32, #tpu.memory_space<vmem>>) target_semaphore(%run_scoped3A_61 : memref<!tpu.dma_semaphore, #tpu.memory_space<semaphore_mem>>)
      %dma_wait3A_64 = tpu.memref_slice %arg8[%mul3A_2] : memref<4096xi32, #tpu.memory_space<hbm>> -> memref<128xi32, #tpu.memory_space<hbm>>
      %dma_wait3A_65 = tpu.memref_slice %arg8[%mul3A_2] : memref<4096xi32, #tpu.memory_space<hbm>> -> memref<128xi32, #tpu.memory_space<hbm>>
      tpu.wait_dma2 semaphore(%run_scoped3A_61 : memref<!tpu.dma_semaphore, #tpu.memory_space<semaphore_mem>>) src(%dma_wait3A_65 : memref<128xi32, #tpu.memory_space<hbm>>) dst(%arg24 : memref<128xi32, #tpu.memory_space<vmem>>)
      tpu.yield
    }) : () -> ()
    %dma_start3A_14 = arith.constant 0 : i32
    %dma_start3A_15 = arith.constant 0 : i32
    %dma_start3A_16 = tpu.memref_slice %arg13[%dma_start3A_14, %dma_start3A_15] : memref<21x16xf32, #tpu.memory_space<hbm>> -> memref<21x16xf32, #tpu.memory_space<hbm>>
    tpu.enqueue_indirect_dma source(%dma_start3A_16 : memref<21x16xf32, #tpu.memory_space<hbm>>) target(%arg25 : memref<128x16xf32, #tpu.memory_space<vmem>>) offsets(%arg24 : memref<128xi32, #tpu.memory_space<vmem>>) semaphore(%arg27 : memref<!tpu.dma_semaphore, #tpu.memory_space<semaphore_mem>>)
    %dma_wait3A_17 = arith.constant 0 : i32
    %dma_wait3A_18 = arith.constant 0 : i32
    %dma_wait3A_19 = tpu.memref_slice %arg13[%dma_wait3A_17, %dma_wait3A_18] : memref<21x16xf32, #tpu.memory_space<hbm>> -> memref<21x16xf32, #tpu.memory_space<hbm>>
    tpu.wait_indirect_dma semaphore(%arg27 : memref<!tpu.dma_semaphore, #tpu.memory_space<semaphore_mem>>) src(%dma_wait3A_19 : memref<21x16xf32, #tpu.memory_space<hbm>>) dst(%arg25 : memref<128x16xf32, #tpu.memory_space<vmem>>)
    %run_scoped3A_20 = arith.constant 2 : i32
    "tpu.region"() ({
      %run_scoped3A_61 = tpu.sem_alloc : memref<!tpu.dma_semaphore, #tpu.memory_space<semaphore_mem>>
      %dma_start3A_62 = arith.constant 0 : i32
      %dma_start3A_63 = tpu.memref_slice %arg17[%run_scoped3A_20, %mul3A_2, %dma_start3A_62] : memref<5x4096x16xf32, #tpu.memory_space<hbm>> -> memref<1x128x16xf32, #tpu.memory_space<hbm>>
      %dma_start3A_64 = tpu.memref_squeeze %dma_start3A_63 : memref<1x128x16xf32, #tpu.memory_space<hbm>> -> memref<128x16xf32, #tpu.memory_space<hbm>>
      %dma_start3A_65 = arith.constant 0 : i32
      %dma_start3A_66 = tpu.memref_slice %arg17[%run_scoped3A_20, %mul3A_2, %dma_start3A_65] : memref<5x4096x16xf32, #tpu.memory_space<hbm>> -> memref<1x128x16xf32, #tpu.memory_space<hbm>>
      %dma_start3A_67 = tpu.memref_squeeze %dma_start3A_66 : memref<1x128x16xf32, #tpu.memory_space<hbm>> -> memref<128x16xf32, #tpu.memory_space<hbm>>
      tpu.enqueue_dma source(%arg25 : memref<128x16xf32, #tpu.memory_space<vmem>>) target(%dma_start3A_67 : memref<128x16xf32, #tpu.memory_space<hbm>>) target_semaphore(%run_scoped3A_61 : memref<!tpu.dma_semaphore, #tpu.memory_space<semaphore_mem>>)
      %dma_wait3A_68 = arith.constant 0 : i32
      %dma_wait3A_69 = tpu.memref_slice %arg17[%run_scoped3A_20, %mul3A_2, %dma_wait3A_68] : memref<5x4096x16xf32, #tpu.memory_space<hbm>> -> memref<1x128x16xf32, #tpu.memory_space<hbm>>
      %dma_wait3A_70 = tpu.memref_squeeze %dma_wait3A_69 : memref<1x128x16xf32, #tpu.memory_space<hbm>> -> memref<128x16xf32, #tpu.memory_space<hbm>>
      %dma_wait3A_71 = arith.constant 0 : i32
      %dma_wait3A_72 = tpu.memref_slice %arg17[%run_scoped3A_20, %mul3A_2, %dma_wait3A_71] : memref<5x4096x16xf32, #tpu.memory_space<hbm>> -> memref<1x128x16xf32, #tpu.memory_space<hbm>>
      %dma_wait3A_73 = tpu.memref_squeeze %dma_wait3A_72 : memref<1x128x16xf32, #tpu.memory_space<hbm>> -> memref<128x16xf32, #tpu.memory_space<hbm>>
      tpu.wait_dma2 semaphore(%run_scoped3A_61 : memref<!tpu.dma_semaphore, #tpu.memory_space<semaphore_mem>>) src(%arg25 : memref<128x16xf32, #tpu.memory_space<vmem>>) dst(%dma_wait3A_73 : memref<128x16xf32, #tpu.memory_space<hbm>>)
      tpu.yield
    }) : () -> ()
    "tpu.region"() ({
      %run_scoped3A_61 = tpu.sem_alloc : memref<!tpu.dma_semaphore, #tpu.memory_space<semaphore_mem>>
      %dma_start3A_62 = tpu.memref_slice %arg9[%mul3A_2] : memref<4096xi32, #tpu.memory_space<hbm>> -> memref<128xi32, #tpu.memory_space<hbm>>
      %dma_start3A_63 = tpu.memref_slice %arg9[%mul3A_2] : memref<4096xi32, #tpu.memory_space<hbm>> -> memref<128xi32, #tpu.memory_space<hbm>>
      tpu.enqueue_dma source(%dma_start3A_63 : memref<128xi32, #tpu.memory_space<hbm>>) target(%arg24 : memref<128xi32, #tpu.memory_space<vmem>>) target_semaphore(%run_scoped3A_61 : memref<!tpu.dma_semaphore, #tpu.memory_space<semaphore_mem>>)
      %dma_wait3A_64 = tpu.memref_slice %arg9[%mul3A_2] : memref<4096xi32, #tpu.memory_space<hbm>> -> memref<128xi32, #tpu.memory_space<hbm>>
      %dma_wait3A_65 = tpu.memref_slice %arg9[%mul3A_2] : memref<4096xi32, #tpu.memory_space<hbm>> -> memref<128xi32, #tpu.memory_space<hbm>>
      tpu.wait_dma2 semaphore(%run_scoped3A_61 : memref<!tpu.dma_semaphore, #tpu.memory_space<semaphore_mem>>) src(%dma_wait3A_65 : memref<128xi32, #tpu.memory_space<hbm>>) dst(%arg24 : memref<128xi32, #tpu.memory_space<vmem>>)
      tpu.yield
    }) : () -> ()
    %dma_start3A_21 = arith.constant 0 : i32
    %dma_start3A_22 = arith.constant 0 : i32
    %dma_start3A_23 = tpu.memref_slice %arg14[%dma_start3A_21, %dma_start3A_22] : memref<3439x16xf32, #tpu.memory_space<hbm>> -> memref<3439x16xf32, #tpu.memory_space<hbm>>
    tpu.enqueue_indirect_dma source(%dma_start3A_23 : memref<3439x16xf32, #tpu.memory_space<hbm>>) target(%arg25 : memref<128x16xf32, #tpu.memory_space<vmem>>) offsets(%arg24 : memref<128xi32, #tpu.memory_space<vmem>>) semaphore(%arg27 : memref<!tpu.dma_semaphore, #tpu.memory_space<semaphore_mem>>)
    %dma_wait3A_24 = arith.constant 0 : i32
    %dma_wait3A_25 = arith.constant 0 : i32
    %dma_wait3A_26 = tpu.memref_slice %arg14[%dma_wait3A_24, %dma_wait3A_25] : memref<3439x16xf32, #tpu.memory_space<hbm>> -> memref<3439x16xf32, #tpu.memory_space<hbm>>
    tpu.wait_indirect_dma semaphore(%arg27 : memref<!tpu.dma_semaphore, #tpu.memory_space<semaphore_mem>>) src(%dma_wait3A_26 : memref<3439x16xf32, #tpu.memory_space<hbm>>) dst(%arg25 : memref<128x16xf32, #tpu.memory_space<vmem>>)
    %run_scoped3A_27 = arith.constant 3 : i32
    "tpu.region"() ({
      %run_scoped3A_61 = tpu.sem_alloc : memref<!tpu.dma_semaphore, #tpu.memory_space<semaphore_mem>>
      %dma_start3A_62 = arith.constant 0 : i32
      %dma_start3A_63 = tpu.memref_slice %arg17[%run_scoped3A_27, %mul3A_2, %dma_start3A_62] : memref<5x4096x16xf32, #tpu.memory_space<hbm>> -> memref<1x128x16xf32, #tpu.memory_space<hbm>>
      %dma_start3A_64 = tpu.memref_squeeze %dma_start3A_63 : memref<1x128x16xf32, #tpu.memory_space<hbm>> -> memref<128x16xf32, #tpu.memory_space<hbm>>
      %dma_start3A_65 = arith.constant 0 : i32
      %dma_start3A_66 = tpu.memref_slice %arg17[%run_scoped3A_27, %mul3A_2, %dma_start3A_65] : memref<5x4096x16xf32, #tpu.memory_space<hbm>> -> memref<1x128x16xf32, #tpu.memory_space<hbm>>
      %dma_start3A_67 = tpu.memref_squeeze %dma_start3A_66 : memref<1x128x16xf32, #tpu.memory_space<hbm>> -> memref<128x16xf32, #tpu.memory_space<hbm>>
      tpu.enqueue_dma source(%arg25 : memref<128x16xf32, #tpu.memory_space<vmem>>) target(%dma_start3A_67 : memref<128x16xf32, #tpu.memory_space<hbm>>) target_semaphore(%run_scoped3A_61 : memref<!tpu.dma_semaphore, #tpu.memory_space<semaphore_mem>>)
      %dma_wait3A_68 = arith.constant 0 : i32
      %dma_wait3A_69 = tpu.memref_slice %arg17[%run_scoped3A_27, %mul3A_2, %dma_wait3A_68] : memref<5x4096x16xf32, #tpu.memory_space<hbm>> -> memref<1x128x16xf32, #tpu.memory_space<hbm>>
      %dma_wait3A_70 = tpu.memref_squeeze %dma_wait3A_69 : memref<1x128x16xf32, #tpu.memory_space<hbm>> -> memref<128x16xf32, #tpu.memory_space<hbm>>
      %dma_wait3A_71 = arith.constant 0 : i32
      %dma_wait3A_72 = tpu.memref_slice %arg17[%run_scoped3A_27, %mul3A_2, %dma_wait3A_71] : memref<5x4096x16xf32, #tpu.memory_space<hbm>> -> memref<1x128x16xf32, #tpu.memory_space<hbm>>
      %dma_wait3A_73 = tpu.memref_squeeze %dma_wait3A_72 : memref<1x128x16xf32, #tpu.memory_space<hbm>> -> memref<128x16xf32, #tpu.memory_space<hbm>>
      tpu.wait_dma2 semaphore(%run_scoped3A_61 : memref<!tpu.dma_semaphore, #tpu.memory_space<semaphore_mem>>) src(%arg25 : memref<128x16xf32, #tpu.memory_space<vmem>>) dst(%dma_wait3A_73 : memref<128x16xf32, #tpu.memory_space<hbm>>)
      tpu.yield
    }) : () -> ()
    "tpu.region"() ({
      %run_scoped3A_61 = tpu.sem_alloc : memref<!tpu.dma_semaphore, #tpu.memory_space<semaphore_mem>>
      %dma_start3A_62 = tpu.memref_slice %arg10[%mul3A_2] : memref<4096xi32, #tpu.memory_space<hbm>> -> memref<128xi32, #tpu.memory_space<hbm>>
      %dma_start3A_63 = tpu.memref_slice %arg10[%mul3A_2] : memref<4096xi32, #tpu.memory_space<hbm>> -> memref<128xi32, #tpu.memory_space<hbm>>
      tpu.enqueue_dma source(%dma_start3A_63 : memref<128xi32, #tpu.memory_space<hbm>>) target(%arg24 : memref<128xi32, #tpu.memory_space<vmem>>) target_semaphore(%run_scoped3A_61 : memref<!tpu.dma_semaphore, #tpu.memory_space<semaphore_mem>>)
      %dma_wait3A_64 = tpu.memref_slice %arg10[%mul3A_2] : memref<4096xi32, #tpu.memory_space<hbm>> -> memref<128xi32, #tpu.memory_space<hbm>>
      %dma_wait3A_65 = tpu.memref_slice %arg10[%mul3A_2] : memref<4096xi32, #tpu.memory_space<hbm>> -> memref<128xi32, #tpu.memory_space<hbm>>
      tpu.wait_dma2 semaphore(%run_scoped3A_61 : memref<!tpu.dma_semaphore, #tpu.memory_space<semaphore_mem>>) src(%dma_wait3A_65 : memref<128xi32, #tpu.memory_space<hbm>>) dst(%arg24 : memref<128xi32, #tpu.memory_space<vmem>>)
      tpu.yield
    }) : () -> ()
    %dma_start3A_28 = arith.constant 0 : i32
    %dma_start3A_29 = arith.constant 0 : i32
    %dma_start3A_30 = tpu.memref_slice %arg15[%dma_start3A_28, %dma_start3A_29] : memref<18x16xf32, #tpu.memory_space<hbm>> -> memref<18x16xf32, #tpu.memory_space<hbm>>
    tpu.enqueue_indirect_dma source(%dma_start3A_30 : memref<18x16xf32, #tpu.memory_space<hbm>>) target(%arg25 : memref<128x16xf32, #tpu.memory_space<vmem>>) offsets(%arg24 : memref<128xi32, #tpu.memory_space<vmem>>) semaphore(%arg27 : memref<!tpu.dma_semaphore, #tpu.memory_space<semaphore_mem>>)
    %dma_wait3A_31 = arith.constant 0 : i32
    %dma_wait3A_32 = arith.constant 0 : i32
    %dma_wait3A_33 = tpu.memref_slice %arg15[%dma_wait3A_31, %dma_wait3A_32] : memref<18x16xf32, #tpu.memory_space<hbm>> -> memref<18x16xf32, #tpu.memory_space<hbm>>
    tpu.wait_indirect_dma semaphore(%arg27 : memref<!tpu.dma_semaphore, #tpu.memory_space<semaphore_mem>>) src(%dma_wait3A_33 : memref<18x16xf32, #tpu.memory_space<hbm>>) dst(%arg25 : memref<128x16xf32, #tpu.memory_space<vmem>>)
    %run_scoped3A_34 = arith.constant 4 : i32
    "tpu.region"() ({
      %run_scoped3A_61 = tpu.sem_alloc : memref<!tpu.dma_semaphore, #tpu.memory_space<semaphore_mem>>
      %dma_start3A_62 = arith.constant 0 : i32
      %dma_start3A_63 = tpu.memref_slice %arg17[%run_scoped3A_34, %mul3A_2, %dma_start3A_62] : memref<5x4096x16xf32, #tpu.memory_space<hbm>> -> memref<1x128x16xf32, #tpu.memory_space<hbm>>
      %dma_start3A_64 = tpu.memref_squeeze %dma_start3A_63 : memref<1x128x16xf32, #tpu.memory_space<hbm>> -> memref<128x16xf32, #tpu.memory_space<hbm>>
      %dma_start3A_65 = arith.constant 0 : i32
      %dma_start3A_66 = tpu.memref_slice %arg17[%run_scoped3A_34, %mul3A_2, %dma_start3A_65] : memref<5x4096x16xf32, #tpu.memory_space<hbm>> -> memref<1x128x16xf32, #tpu.memory_space<hbm>>
      %dma_start3A_67 = tpu.memref_squeeze %dma_start3A_66 : memref<1x128x16xf32, #tpu.memory_space<hbm>> -> memref<128x16xf32, #tpu.memory_space<hbm>>
      tpu.enqueue_dma source(%arg25 : memref<128x16xf32, #tpu.memory_space<vmem>>) target(%dma_start3A_67 : memref<128x16xf32, #tpu.memory_space<hbm>>) target_semaphore(%run_scoped3A_61 : memref<!tpu.dma_semaphore, #tpu.memory_space<semaphore_mem>>)
      %dma_wait3A_68 = arith.constant 0 : i32
      %dma_wait3A_69 = tpu.memref_slice %arg17[%run_scoped3A_34, %mul3A_2, %dma_wait3A_68] : memref<5x4096x16xf32, #tpu.memory_space<hbm>> -> memref<1x128x16xf32, #tpu.memory_space<hbm>>
      %dma_wait3A_70 = tpu.memref_squeeze %dma_wait3A_69 : memref<1x128x16xf32, #tpu.memory_space<hbm>> -> memref<128x16xf32, #tpu.memory_space<hbm>>
      %dma_wait3A_71 = arith.constant 0 : i32
      %dma_wait3A_72 = tpu.memref_slice %arg17[%run_scoped3A_34, %mul3A_2, %dma_wait3A_71] : memref<5x4096x16xf32, #tpu.memory_space<hbm>> -> memref<1x128x16xf32, #tpu.memory_space<hbm>>
      %dma_wait3A_73 = tpu.memref_squeeze %dma_wait3A_72 : memref<1x128x16xf32, #tpu.memory_space<hbm>> -> memref<128x16xf32, #tpu.memory_space<hbm>>
      tpu.wait_dma2 semaphore(%run_scoped3A_61 : memref<!tpu.dma_semaphore, #tpu.memory_space<semaphore_mem>>) src(%arg25 : memref<128x16xf32, #tpu.memory_space<vmem>>) dst(%dma_wait3A_73 : memref<128x16xf32, #tpu.memory_space<hbm>>)
      tpu.yield
    }) : () -> ()
    "tpu.region"() ({
      %run_scoped3A_61 = tpu.sem_alloc : memref<!tpu.dma_semaphore, #tpu.memory_space<semaphore_mem>>
      tpu.enqueue_dma source(%arg3 : memref<512xi32, #tpu.memory_space<hbm>>) target(%arg23 : memref<512xi32, #tpu.memory_space<vmem>>) target_semaphore(%run_scoped3A_61 : memref<!tpu.dma_semaphore, #tpu.memory_space<semaphore_mem>>)
      tpu.wait_dma2 semaphore(%run_scoped3A_61 : memref<!tpu.dma_semaphore, #tpu.memory_space<semaphore_mem>>) src(%arg3 : memref<512xi32, #tpu.memory_space<hbm>>) dst(%arg23 : memref<512xi32, #tpu.memory_space<vmem>>)
      tpu.yield
    }) : () -> ()
    "tpu.region"() ({
      %run_scoped3A_61 = tpu.sem_alloc : memref<!tpu.dma_semaphore, #tpu.memory_space<semaphore_mem>>
      %dma_start3A_62 = arith.constant 0 : i32
      %dma_start3A_63 = tpu.memref_slice %arg4[%mul3A_2, %dma_start3A_62] : memref<4096x200xi32, #tpu.memory_space<hbm>> -> memref<128x200xi32, #tpu.memory_space<hbm>>
      %dma_start3A_64 = arith.constant 0 : i32
      %dma_start3A_65 = tpu.memref_slice %arg4[%mul3A_2, %dma_start3A_64] : memref<4096x200xi32, #tpu.memory_space<hbm>> -> memref<128x200xi32, #tpu.memory_space<hbm>>
      tpu.enqueue_dma source(%dma_start3A_65 : memref<128x200xi32, #tpu.memory_space<hbm>>) target(%arg18 : memref<128x200xi32, #tpu.memory_space<vmem>>) target_semaphore(%run_scoped3A_61 : memref<!tpu.dma_semaphore, #tpu.memory_space<semaphore_mem>>)
      %dma_wait3A_66 = arith.constant 0 : i32
      %dma_wait3A_67 = tpu.memref_slice %arg4[%mul3A_2, %dma_wait3A_66] : memref<4096x200xi32, #tpu.memory_space<hbm>> -> memref<128x200xi32, #tpu.memory_space<hbm>>
      %dma_wait3A_68 = arith.constant 0 : i32
      %dma_wait3A_69 = tpu.memref_slice %arg4[%mul3A_2, %dma_wait3A_68] : memref<4096x200xi32, #tpu.memory_space<hbm>> -> memref<128x200xi32, #tpu.memory_space<hbm>>
      tpu.wait_dma2 semaphore(%run_scoped3A_61 : memref<!tpu.dma_semaphore, #tpu.memory_space<semaphore_mem>>) src(%dma_wait3A_69 : memref<128x200xi32, #tpu.memory_space<hbm>>) dst(%arg18 : memref<128x200xi32, #tpu.memory_space<vmem>>)
      tpu.yield
    }) : () -> ()
    "tpu.region"() ({
      %run_scoped3A_61 = tpu.sem_alloc : memref<!tpu.dma_semaphore, #tpu.memory_space<semaphore_mem>>
      %dma_start3A_62 = arith.constant 0 : i32
      %dma_start3A_63 = arith.constant 0 : i32
      %dma_start3A_64 = tpu.memref_slice %arg19[%dma_start3A_62, %dma_start3A_63] : memref<129x200xi32, #tpu.memory_space<vmem>> -> memref<128x200xi32, #tpu.memory_space<vmem>>
      %dma_start3A_65 = arith.constant 0 : i32
      %dma_start3A_66 = tpu.memref_slice %arg5[%mul3A_2, %dma_start3A_65] : memref<4096x200xi32, #tpu.memory_space<hbm>> -> memref<128x200xi32, #tpu.memory_space<hbm>>
      %dma_start3A_67 = arith.constant 0 : i32
      %dma_start3A_68 = arith.constant 0 : i32
      %dma_start3A_69 = tpu.memref_slice %arg19[%dma_start3A_67, %dma_start3A_68] : memref<129x200xi32, #tpu.memory_space<vmem>> -> memref<128x200xi32, #tpu.memory_space<vmem>>
      %dma_start3A_70 = arith.constant 0 : i32
      %dma_start3A_71 = tpu.memref_slice %arg5[%mul3A_2, %dma_start3A_70] : memref<4096x200xi32, #tpu.memory_space<hbm>> -> memref<128x200xi32, #tpu.memory_space<hbm>>
      tpu.enqueue_dma source(%dma_start3A_71 : memref<128x200xi32, #tpu.memory_space<hbm>>) target(%dma_start3A_69 : memref<128x200xi32, #tpu.memory_space<vmem>>) target_semaphore(%run_scoped3A_61 : memref<!tpu.dma_semaphore, #tpu.memory_space<semaphore_mem>>)
      %dma_wait3A_72 = arith.constant 0 : i32
      %dma_wait3A_73 = arith.constant 0 : i32
      %dma_wait3A_74 = tpu.memref_slice %arg19[%dma_wait3A_72, %dma_wait3A_73] : memref<129x200xi32, #tpu.memory_space<vmem>> -> memref<128x200xi32, #tpu.memory_space<vmem>>
      %dma_wait3A_75 = arith.constant 0 : i32
      %dma_wait3A_76 = tpu.memref_slice %arg5[%mul3A_2, %dma_wait3A_75] : memref<4096x200xi32, #tpu.memory_space<hbm>> -> memref<128x200xi32, #tpu.memory_space<hbm>>
      %dma_wait3A_77 = arith.constant 0 : i32
      %dma_wait3A_78 = arith.constant 0 : i32
      %dma_wait3A_79 = tpu.memref_slice %arg19[%dma_wait3A_77, %dma_wait3A_78] : memref<129x200xi32, #tpu.memory_space<vmem>> -> memref<128x200xi32, #tpu.memory_space<vmem>>
      %dma_wait3A_80 = arith.constant 0 : i32
      %dma_wait3A_81 = tpu.memref_slice %arg5[%mul3A_2, %dma_wait3A_80] : memref<4096x200xi32, #tpu.memory_space<hbm>> -> memref<128x200xi32, #tpu.memory_space<hbm>>
      tpu.wait_dma2 semaphore(%run_scoped3A_61 : memref<!tpu.dma_semaphore, #tpu.memory_space<semaphore_mem>>) src(%dma_wait3A_81 : memref<128x200xi32, #tpu.memory_space<hbm>>) dst(%dma_wait3A_79 : memref<128x200xi32, #tpu.memory_space<vmem>>)
      tpu.yield
    }) : () -> ()
    %dma_start3A_35 = arith.constant 0 : i32
    %dma_start3A_36 = arith.constant 0 : i32
    %dma_start3A_37 = arith.constant 0 : i32
    %dma_start3A_38 = tpu.memref_slice %arg20[%dma_start3A_36, %dma_start3A_37] : memref<200x64xi32, #tpu.memory_space<vmem>> -> memref<104x64xi32, #tpu.memory_space<vmem>>
    %dma_start3A_39 = arith.constant 0 : i32
    %dma_start3A_40 = tpu.memref_slice %arg18[%dma_start3A_35, %dma_start3A_39] : memref<128x200xi32, #tpu.memory_space<vmem>> -> memref<1x104xi32, #tpu.memory_space<vmem>>
    %dma_start3A_41 = tpu.memref_squeeze %dma_start3A_40 : memref<1x104xi32, #tpu.memory_space<vmem>> -> memref<104xi32, #tpu.memory_space<vmem>>
    %dma_start3A_42 = arith.constant 0 : i32
    %dma_start3A_43 = arith.constant 0 : i32
    %dma_start3A_44 = tpu.memref_slice %arg2[%dma_start3A_42, %dma_start3A_43] : memref<100352x64xi32, #tpu.memory_space<hbm>> -> memref<100352x64xi32, #tpu.memory_space<hbm>>
    tpu.enqueue_indirect_dma source(%dma_start3A_44 : memref<100352x64xi32, #tpu.memory_space<hbm>>) target(%dma_start3A_38 : memref<104x64xi32, #tpu.memory_space<vmem>>) offsets(%dma_start3A_41 : memref<104xi32, #tpu.memory_space<vmem>>) semaphore(%arg27 : memref<!tpu.dma_semaphore, #tpu.memory_space<semaphore_mem>>)
    %dma_start3A_45 = arith.constant 0 : i32
    %dma_start3A_46 = arith.constant 104 : i32
    %dma_start3A_47 = arith.constant 0 : i32
    %dma_start3A_48 = tpu.memref_slice %arg20[%dma_start3A_46, %dma_start3A_47] : memref<200x64xi32, #tpu.memory_space<vmem>> -> memref<96x64xi32, #tpu.memory_space<vmem>>
    %dma_start3A_49 = arith.constant 104 : i32
    %dma_start3A_50 = tpu.memref_slice %arg18[%dma_start3A_45, %dma_start3A_49] : memref<128x200xi32, #tpu.memory_space<vmem>> -> memref<1x96xi32, #tpu.memory_space<vmem>>
    %dma_start3A_51 = tpu.memref_squeeze %dma_start3A_50 : memref<1x96xi32, #tpu.memory_space<vmem>> -> memref<96xi32, #tpu.memory_space<vmem>>
    %dma_start3A_52 = arith.constant 0 : i32
    %dma_start3A_53 = arith.constant 0 : i32
    %dma_start3A_54 = tpu.memref_slice %arg2[%dma_start3A_52, %dma_start3A_53] : memref<100352x64xi32, #tpu.memory_space<hbm>> -> memref<100352x64xi32, #tpu.memory_space<hbm>>
    tpu.enqueue_indirect_dma source(%dma_start3A_54 : memref<100352x64xi32, #tpu.memory_space<hbm>>) target(%dma_start3A_48 : memref<96x64xi32, #tpu.memory_space<vmem>>) offsets(%dma_start3A_51 : memref<96xi32, #tpu.memory_space<vmem>>) semaphore(%arg27 : memref<!tpu.dma_semaphore, #tpu.memory_space<semaphore_mem>>)
    %scan3A = arith.constant 0 : i32
    %scan3A_55 = arith.constant 0 : i32
    %scan3A_56 = arith.constant 64 : i32
    %scan3A_57 = arith.addi %scan3A_55, %scan3A_56 : i32
    %scan3A_58 = arith.constant 1 : i32
    %scan3A_59 = scf.for %scan3A_61 = %scan3A_55 to %scan3A_57 step %scan3A_58 iter_args(%scan3A_62 = %scan3A) -> (i32)  : i32 {
      %mul3A_63 = arith.constant 2 : i32
      %mul3A_64 = arith.muli %mul3A_63, %scan3A_61 : i32
      %mul3A_65 = arith.constant 2 : i32
      %mul3A_66 = arith.muli %mul3A_65, %scan3A_61 : i32
      %add3A_67 = arith.constant 1 : i32
      %add3A_68 = arith.addi %mul3A_66, %add3A_67 : i32
      %dma_start3A_69 = arith.constant 0 : i32
      %dma_start3A_70 = arith.constant 0 : i32
      %dma_start3A_71 = tpu.memref_slice %arg21[%dma_start3A_69, %dma_start3A_70] : memref<200x64xi32, #tpu.memory_space<vmem>> -> memref<104x64xi32, #tpu.memory_space<vmem>>
      %dma_start3A_72 = arith.constant 0 : i32
      %dma_start3A_73 = tpu.memref_slice %arg18[%add3A_68, %dma_start3A_72] : memref<128x200xi32, #tpu.memory_space<vmem>> -> memref<1x104xi32, #tpu.memory_space<vmem>>
      %dma_start3A_74 = tpu.memref_squeeze %dma_start3A_73 : memref<1x104xi32, #tpu.memory_space<vmem>> -> memref<104xi32, #tpu.memory_space<vmem>>
      %dma_start3A_75 = arith.constant 0 : i32
      %dma_start3A_76 = arith.constant 0 : i32
      %dma_start3A_77 = tpu.memref_slice %arg2[%dma_start3A_75, %dma_start3A_76] : memref<100352x64xi32, #tpu.memory_space<hbm>> -> memref<100352x64xi32, #tpu.memory_space<hbm>>
      tpu.enqueue_indirect_dma source(%dma_start3A_77 : memref<100352x64xi32, #tpu.memory_space<hbm>>) target(%dma_start3A_71 : memref<104x64xi32, #tpu.memory_space<vmem>>) offsets(%dma_start3A_74 : memref<104xi32, #tpu.memory_space<vmem>>) semaphore(%arg28 : memref<!tpu.dma_semaphore, #tpu.memory_space<semaphore_mem>>)
      %dma_start3A_78 = arith.constant 104 : i32
      %dma_start3A_79 = arith.constant 0 : i32
      %dma_start3A_80 = tpu.memref_slice %arg21[%dma_start3A_78, %dma_start3A_79] : memref<200x64xi32, #tpu.memory_space<vmem>> -> memref<96x64xi32, #tpu.memory_space<vmem>>
      %dma_start3A_81 = arith.constant 104 : i32
      %dma_start3A_82 = tpu.memref_slice %arg18[%add3A_68, %dma_start3A_81] : memref<128x200xi32, #tpu.memory_space<vmem>> -> memref<1x96xi32, #tpu.memory_space<vmem>>
      %dma_start3A_83 = tpu.memref_squeeze %dma_start3A_82 : memref<1x96xi32, #tpu.memory_space<vmem>> -> memref<96xi32, #tpu.memory_space<vmem>>
      %dma_start3A_84 = arith.constant 0 : i32
      %dma_start3A_85 = arith.constant 0 : i32
      %dma_start3A_86 = tpu.memref_slice %arg2[%dma_start3A_84, %dma_start3A_85] : memref<100352x64xi32, #tpu.memory_space<hbm>> -> memref<100352x64xi32, #tpu.memory_space<hbm>>
      tpu.enqueue_indirect_dma source(%dma_start3A_86 : memref<100352x64xi32, #tpu.memory_space<hbm>>) target(%dma_start3A_80 : memref<96x64xi32, #tpu.memory_space<vmem>>) offsets(%dma_start3A_83 : memref<96xi32, #tpu.memory_space<vmem>>) semaphore(%arg28 : memref<!tpu.dma_semaphore, #tpu.memory_space<semaphore_mem>>)
      %dma_wait3A_87 = arith.constant 0 : i32
      %dma_wait3A_88 = arith.constant 0 : i32
      %dma_wait3A_89 = tpu.memref_slice %arg2[%dma_wait3A_87, %dma_wait3A_88] : memref<100352x64xi32, #tpu.memory_space<hbm>> -> memref<200x64xi32, #tpu.memory_space<hbm>>
      %dma_wait3A_90 = arith.constant 0 : i32
      %dma_wait3A_91 = arith.constant 0 : i32
      %dma_wait3A_92 = tpu.memref_slice %arg2[%dma_wait3A_90, %dma_wait3A_91] : memref<100352x64xi32, #tpu.memory_space<hbm>> -> memref<200x64xi32, #tpu.memory_space<hbm>>
      tpu.wait_dma2 semaphore(%arg27 : memref<!tpu.dma_semaphore, #tpu.memory_space<semaphore_mem>>) src(%dma_wait3A_92 : memref<200x64xi32, #tpu.memory_space<hbm>>) dst(%arg20 : memref<200x64xi32, #tpu.memory_space<vmem>>)
      %scan3A_93 = arith.constant 0 : i32
      %scan3A_94 = arith.constant 0 : i32
      %scan3A_95 = arith.constant 13 : i32
      %scan3A_96 = arith.addi %scan3A_94, %scan3A_95 : i32
      %scan3A_97 = arith.constant 1 : i32
      %scan3A_98 = scf.for %scan3A_263 = %scan3A_94 to %scan3A_96 step %scan3A_97 iter_args(%scan3A_264 = %scan3A_93) -> (i32)  : i32 {
        %mul3A_265 = arith.constant 16 : i32
        %mul3A_266 = arith.muli %scan3A_263, %mul3A_265 : i32
        %get3A = arith.index_cast %mul3A_64 : i32 to index
        %get3A_267 = arith.index_cast %mul3A_266 : i32 to index
        %get3A_268 = tpu.vector_load %arg19[%get3A, %get3A_267] {strides = array<i32>} : memref<129x200xi32, #tpu.memory_space<vmem>>, vector<16xi32>,
        %mul3A_269 = arith.constant 64 : i32
        %mul3A_270 = vector.broadcast %mul3A_269 : i32 to vector<16xi32>
        %mul3A_271 = arith.muli %get3A_268, %mul3A_270 : vector<16xi32>
        %slice3A = vector.extract_strided_slice %mul3A_271 {offsets = [0], sizes = [1], strides = [1]} : vector<16xi32> to vector<1xi32>
        %squeeze3A = vector.extract %slice3A[0] : i32 from vector<1xi32>
        %mul3A_272 = arith.constant 16 : i32
        %mul3A_273 = arith.muli %scan3A_263, %mul3A_272 : i32
        %add3A_274 = arith.constant 0 : i32
        %add3A_275 = arith.addi %mul3A_273, %add3A_274 : i32
        %swap3A_276 = arith.index_cast %add3A_275 : i32 to index
        %swap3A_277 = memref.load %arg26[%swap3A_276] : memref<208xi32, #tpu.memory_space<smem>>
        memref.store %squeeze3A, %arg26[%swap3A_276] : memref<208xi32, #tpu.memory_space<smem>>
        %slice3A_278 = vector.extract_strided_slice %mul3A_271 {offsets = [1], sizes = [1], strides = [1]} : vector<16xi32> to vector<1xi32>
        %squeeze3A_279 = vector.extract %slice3A_278[0] : i32 from vector<1xi32>
        %mul3A_280 = arith.constant 16 : i32
        %mul3A_281 = arith.muli %scan3A_263, %mul3A_280 : i32
        %add3A_282 = arith.constant 1 : i32
        %add3A_283 = arith.addi %mul3A_281, %add3A_282 : i32
        %swap3A_284 = arith.index_cast %add3A_283 : i32 to index
        %swap3A_285 = memref.load %arg26[%swap3A_284] : memref<208xi32, #tpu.memory_space<smem>>
        memref.store %squeeze3A_279, %arg26[%swap3A_284] : memref<208xi32, #tpu.memory_space<smem>>
        %slice3A_286 = vector.extract_strided_slice %mul3A_271 {offsets = [2], sizes = [1], strides = [1]} : vector<16xi32> to vector<1xi32>
        %squeeze3A_287 = vector.extract %slice3A_286[0] : i32 from vector<1xi32>
        %mul3A_288 = arith.constant 16 : i32
        %mul3A_289 = arith.muli %scan3A_263, %mul3A_288 : i32
        %add3A_290 = arith.constant 2 : i32
        %add3A_291 = arith.addi %mul3A_289, %add3A_290 : i32
        %swap3A_292 = arith.index_cast %add3A_291 : i32 to index
        %swap3A_293 = memref.load %arg26[%swap3A_292] : memref<208xi32, #tpu.memory_space<smem>>
        memref.store %squeeze3A_287, %arg26[%swap3A_292] : memref<208xi32, #tpu.memory_space<smem>>
        %slice3A_294 = vector.extract_strided_slice %mul3A_271 {offsets = [3], sizes = [1], strides = [1]} : vector<16xi32> to vector<1xi32>
        %squeeze3A_295 = vector.extract %slice3A_294[0] : i32 from vector<1xi32>
        %mul3A_296 = arith.constant 16 : i32
        %mul3A_297 = arith.muli %scan3A_263, %mul3A_296 : i32
        %add3A_298 = arith.constant 3 : i32
        %add3A_299 = arith.addi %mul3A_297, %add3A_298 : i32
        %swap3A_300 = arith.index_cast %add3A_299 : i32 to index
        %swap3A_301 = memref.load %arg26[%swap3A_300] : memref<208xi32, #tpu.memory_space<smem>>
        memref.store %squeeze3A_295, %arg26[%swap3A_300] : memref<208xi32, #tpu.memory_space<smem>>
        %slice3A_302 = vector.extract_strided_slice %mul3A_271 {offsets = [4], sizes = [1], strides = [1]} : vector<16xi32> to vector<1xi32>
        %squeeze3A_303 = vector.extract %slice3A_302[0] : i32 from vector<1xi32>
        %mul3A_304 = arith.constant 16 : i32
        %mul3A_305 = arith.muli %scan3A_263, %mul3A_304 : i32
        %add3A_306 = arith.constant 4 : i32
        %add3A_307 = arith.addi %mul3A_305, %add3A_306 : i32
        %swap3A_308 = arith.index_cast %add3A_307 : i32 to index
        %swap3A_309 = memref.load %arg26[%swap3A_308] : memref<208xi32, #tpu.memory_space<smem>>
        memref.store %squeeze3A_303, %arg26[%swap3A_308] : memref<208xi32, #tpu.memory_space<smem>>
        %slice3A_310 = vector.extract_strided_slice %mul3A_271 {offsets = [5], sizes = [1], strides = [1]} : vector<16xi32> to vector<1xi32>
        %squeeze3A_311 = vector.extract %slice3A_310[0] : i32 from vector<1xi32>
        %mul3A_312 = arith.constant 16 : i32
        %mul3A_313 = arith.muli %scan3A_263, %mul3A_312 : i32
        %add3A_314 = arith.constant 5 : i32
        %add3A_315 = arith.addi %mul3A_313, %add3A_314 : i32
        %swap3A_316 = arith.index_cast %add3A_315 : i32 to index
        %swap3A_317 = memref.load %arg26[%swap3A_316] : memref<208xi32, #tpu.memory_space<smem>>
        memref.store %squeeze3A_311, %arg26[%swap3A_316] : memref<208xi32, #tpu.memory_space<smem>>
        %slice3A_318 = vector.extract_strided_slice %mul3A_271 {offsets = [6], sizes = [1], strides = [1]} : vector<16xi32> to vector<1xi32>
        %squeeze3A_319 = vector.extract %slice3A_318[0] : i32 from vector<1xi32>
        %mul3A_320 = arith.constant 16 : i32
        %mul3A_321 = arith.muli %scan3A_263, %mul3A_320 : i32
        %add3A_322 = arith.constant 6 : i32
        %add3A_323 = arith.addi %mul3A_321, %add3A_322 : i32
        %swap3A_324 = arith.index_cast %add3A_323 : i32 to index
        %swap3A_325 = memref.load %arg26[%swap3A_324] : memref<208xi32, #tpu.memory_space<smem>>
        memref.store %squeeze3A_319, %arg26[%swap3A_324] : memref<208xi32, #tpu.memory_space<smem>>
        %slice3A_326 = vector.extract_strided_slice %mul3A_271 {offsets = [7], sizes = [1], strides = [1]} : vector<16xi32> to vector<1xi32>
        %squeeze3A_327 = vector.extract %slice3A_326[0] : i32 from vector<1xi32>
        %mul3A_328 = arith.constant 16 : i32
        %mul3A_329 = arith.muli %scan3A_263, %mul3A_328 : i32
        %add3A_330 = arith.constant 7 : i32
        %add3A_331 = arith.addi %mul3A_329, %add3A_330 : i32
        %swap3A_332 = arith.index_cast %add3A_331 : i32 to index
        %swap3A_333 = memref.load %arg26[%swap3A_332] : memref<208xi32, #tpu.memory_space<smem>>
        memref.store %squeeze3A_327, %arg26[%swap3A_332] : memref<208xi32, #tpu.memory_space<smem>>
        %slice3A_334 = vector.extract_strided_slice %mul3A_271 {offsets = [8], sizes = [1], strides = [1]} : vector<16xi32> to vector<1xi32>
        %squeeze3A_335 = vector.extract %slice3A_334[0] : i32 from vector<1xi32>
        %mul3A_336 = arith.constant 16 : i32
        %mul3A_337 = arith.muli %scan3A_263, %mul3A_336 : i32
        %add3A_338 = arith.constant 8 : i32
        %add3A_339 = arith.addi %mul3A_337, %add3A_338 : i32
        %swap3A_340 = arith.index_cast %add3A_339 : i32 to index
        %swap3A_341 = memref.load %arg26[%swap3A_340] : memref<208xi32, #tpu.memory_space<smem>>
        memref.store %squeeze3A_335, %arg26[%swap3A_340] : memref<208xi32, #tpu.memory_space<smem>>
        %slice3A_342 = vector.extract_strided_slice %mul3A_271 {offsets = [9], sizes = [1], strides = [1]} : vector<16xi32> to vector<1xi32>
        %squeeze3A_343 = vector.extract %slice3A_342[0] : i32 from vector<1xi32>
        %mul3A_344 = arith.constant 16 : i32
        %mul3A_345 = arith.muli %scan3A_263, %mul3A_344 : i32
        %add3A_346 = arith.constant 9 : i32
        %add3A_347 = arith.addi %mul3A_345, %add3A_346 : i32
        %swap3A_348 = arith.index_cast %add3A_347 : i32 to index
        %swap3A_349 = memref.load %arg26[%swap3A_348] : memref<208xi32, #tpu.memory_space<smem>>
        memref.store %squeeze3A_343, %arg26[%swap3A_348] : memref<208xi32, #tpu.memory_space<smem>>
        %slice3A_350 = vector.extract_strided_slice %mul3A_271 {offsets = [10], sizes = [1], strides = [1]} : vector<16xi32> to vector<1xi32>
        %squeeze3A_351 = vector.extract %slice3A_350[0] : i32 from vector<1xi32>
        %mul3A_352 = arith.constant 16 : i32
        %mul3A_353 = arith.muli %scan3A_263, %mul3A_352 : i32
        %add3A_354 = arith.constant 10 : i32
        %add3A_355 = arith.addi %mul3A_353, %add3A_354 : i32
        %swap3A_356 = arith.index_cast %add3A_355 : i32 to index
        %swap3A_357 = memref.load %arg26[%swap3A_356] : memref<208xi32, #tpu.memory_space<smem>>
        memref.store %squeeze3A_351, %arg26[%swap3A_356] : memref<208xi32, #tpu.memory_space<smem>>
        %slice3A_358 = vector.extract_strided_slice %mul3A_271 {offsets = [11], sizes = [1], strides = [1]} : vector<16xi32> to vector<1xi32>
        %squeeze3A_359 = vector.extract %slice3A_358[0] : i32 from vector<1xi32>
        %mul3A_360 = arith.constant 16 : i32
        %mul3A_361 = arith.muli %scan3A_263, %mul3A_360 : i32
        %add3A_362 = arith.constant 11 : i32
        %add3A_363 = arith.addi %mul3A_361, %add3A_362 : i32
        %swap3A_364 = arith.index_cast %add3A_363 : i32 to index
        %swap3A_365 = memref.load %arg26[%swap3A_364] : memref<208xi32, #tpu.memory_space<smem>>
        memref.store %squeeze3A_359, %arg26[%swap3A_364] : memref<208xi32, #tpu.memory_space<smem>>
        %slice3A_366 = vector.extract_strided_slice %mul3A_271 {offsets = [12], sizes = [1], strides = [1]} : vector<16xi32> to vector<1xi32>
        %squeeze3A_367 = vector.extract %slice3A_366[0] : i32 from vector<1xi32>
        %mul3A_368 = arith.constant 16 : i32
        %mul3A_369 = arith.muli %scan3A_263, %mul3A_368 : i32
        %add3A_370 = arith.constant 12 : i32
        %add3A_371 = arith.addi %mul3A_369, %add3A_370 : i32
        %swap3A_372 = arith.index_cast %add3A_371 : i32 to index
        %swap3A_373 = memref.load %arg26[%swap3A_372] : memref<208xi32, #tpu.memory_space<smem>>
        memref.store %squeeze3A_367, %arg26[%swap3A_372] : memref<208xi32, #tpu.memory_space<smem>>
        %slice3A_374 = vector.extract_strided_slice %mul3A_271 {offsets = [13], sizes = [1], strides = [1]} : vector<16xi32> to vector<1xi32>
        %squeeze3A_375 = vector.extract %slice3A_374[0] : i32 from vector<1xi32>
        %mul3A_376 = arith.constant 16 : i32
        %mul3A_377 = arith.muli %scan3A_263, %mul3A_376 : i32
        %add3A_378 = arith.constant 13 : i32
        %add3A_379 = arith.addi %mul3A_377, %add3A_378 : i32
        %swap3A_380 = arith.index_cast %add3A_379 : i32 to index
        %swap3A_381 = memref.load %arg26[%swap3A_380] : memref<208xi32, #tpu.memory_space<smem>>
        memref.store %squeeze3A_375, %arg26[%swap3A_380] : memref<208xi32, #tpu.memory_space<smem>>
        %slice3A_382 = vector.extract_strided_slice %mul3A_271 {offsets = [14], sizes = [1], strides = [1]} : vector<16xi32> to vector<1xi32>
        %squeeze3A_383 = vector.extract %slice3A_382[0] : i32 from vector<1xi32>
        %mul3A_384 = arith.constant 16 : i32
        %mul3A_385 = arith.muli %scan3A_263, %mul3A_384 : i32
        %add3A_386 = arith.constant 14 : i32
        %add3A_387 = arith.addi %mul3A_385, %add3A_386 : i32
        %swap3A_388 = arith.index_cast %add3A_387 : i32 to index
        %swap3A_389 = memref.load %arg26[%swap3A_388] : memref<208xi32, #tpu.memory_space<smem>>
        memref.store %squeeze3A_383, %arg26[%swap3A_388] : memref<208xi32, #tpu.memory_space<smem>>
        %slice3A_390 = vector.extract_strided_slice %mul3A_271 {offsets = [15], sizes = [1], strides = [1]} : vector<16xi32> to vector<1xi32>
        %squeeze3A_391 = vector.extract %slice3A_390[0] : i32 from vector<1xi32>
        %mul3A_392 = arith.constant 16 : i32
        %mul3A_393 = arith.muli %scan3A_263, %mul3A_392 : i32
        %add3A_394 = arith.constant 15 : i32
        %add3A_395 = arith.addi %mul3A_393, %add3A_394 : i32
        %swap3A_396 = arith.index_cast %add3A_395 : i32 to index
        %swap3A_397 = memref.load %arg26[%swap3A_396] : memref<208xi32, #tpu.memory_space<smem>>
        memref.store %squeeze3A_391, %arg26[%swap3A_396] : memref<208xi32, #tpu.memory_space<smem>>
        %scan3A_398 = arith.constant 0 : i32
        scf.yield %scan3A_398 : i32
      }
      %scan3A_99 = arith.constant 13 : i32
      %broadcast_in_dim3A = arith.constant 0.000000e+00 : f32
      %broadcast_in_dim3A_100 = vector.broadcast %broadcast_in_dim3A : f32 to vector<16xf32>
      %broadcast_in_dim3A_101 = arith.constant 0.000000e+00 : f32
      %broadcast_in_dim3A_102 = vector.broadcast %broadcast_in_dim3A_101 : f32 to vector<16xf32>
      %broadcast_in_dim3A_103 = arith.constant 0.000000e+00 : f32
      %broadcast_in_dim3A_104 = vector.broadcast %broadcast_in_dim3A_103 : f32 to vector<16xf32>
      %broadcast_in_dim3A_105 = arith.constant 0.000000e+00 : f32
      %broadcast_in_dim3A_106 = vector.broadcast %broadcast_in_dim3A_105 : f32 to vector<16xf32>
      %broadcast_in_dim3A_107 = arith.constant 0.000000e+00 : f32
      %broadcast_in_dim3A_108 = vector.broadcast %broadcast_in_dim3A_107 : f32 to vector<16xf32>
      %broadcast_in_dim3A_109 = arith.constant 0.000000e+00 : f32
      %broadcast_in_dim3A_110 = vector.broadcast %broadcast_in_dim3A_109 : f32 to vector<16xf32>
      %broadcast_in_dim3A_111 = arith.constant 0.000000e+00 : f32
      %broadcast_in_dim3A_112 = vector.broadcast %broadcast_in_dim3A_111 : f32 to vector<16xf32>
      %broadcast_in_dim3A_113 = arith.constant 0.000000e+00 : f32
      %broadcast_in_dim3A_114 = vector.broadcast %broadcast_in_dim3A_113 : f32 to vector<16xf32>
      %scan3A_115 = arith.constant 0 : i32
      %scan3A_116 = arith.constant 200 : i32
      %scan3A_117 = arith.addi %scan3A_115, %scan3A_116 : i32
      %scan3A_118 = arith.constant 1 : i32
      %scan3A_119:8 = scf.for %scan3A_263 = %scan3A_115 to %scan3A_117 step %scan3A_118 iter_args(%scan3A_264 = %broadcast_in_dim3A_100, %scan3A_265 = %broadcast_in_dim3A_102, %scan3A_266 = %broadcast_in_dim3A_104, %scan3A_267 = %broadcast_in_dim3A_106, %scan3A_268 = %broadcast_in_dim3A_108, %scan3A_269 = %broadcast_in_dim3A_110, %scan3A_270 = %broadcast_in_dim3A_112, %scan3A_271 = %broadcast_in_dim3A_114) -> (vector<16xf32>, vector<16xf32>, vector<16xf32>, vector<16xf32>, vector<16xf32>, vector<16xf32>, vector<16xf32>, vector<16xf32>)  : i32 {
        %get3A = arith.index_cast %scan3A_263 : i32 to index
        %get3A_272 = memref.load %arg26[%get3A] : memref<208xi32, #tpu.memory_space<smem>>
        %get3A_273 = arith.index_cast %scan3A_263 : i32 to index
        %get3A_274 = arith.constant 0 : index
        %get3A_275 = tpu.vector_load %arg20[%get3A_273, %get3A_274] {strides = array<i32>} : memref<200x64xi32, #tpu.memory_space<vmem>>, vector<16xi32>,
        %bitcast3A = vector.bitcast %get3A_275 : vector<16xi32> to vector<32xbf16>
        %add3A_276 = arith.constant 0 : i32
        %add3A_277 = arith.addi %get3A_272, %add3A_276 : i32
        %get3A_278 = arith.index_cast %add3A_277 : i32 to index
        %get3A_279 = tpu.vector_load %arg23[%get3A_278] {strides = array<i32>} : memref<512xi32, #tpu.memory_space<vmem>>, vector<16xi32>,
        %bitcast3A_280 = vector.bitcast %get3A_279 : vector<16xi32> to vector<32xbf16>
        %add3A_281 = arith.addf %bitcast3A, %bitcast3A_280 : vector<32xbf16>
        %max3A = arith.constant 0.000000e+00 : bf16
        %max3A_282 = vector.broadcast %max3A : bf16 to vector<32xbf16>
        %max3A_283 = arith.maximumf %add3A_281, %max3A_282 : vector<32xbf16>
        %unpack3A = tpu.unpack_subelements %max3A_283, 0 {pack_format = #tpu.pack_format<interleaved>} : vector<32xbf16> -> vector<16xf32>
        %unpack3A_284 = tpu.unpack_subelements %max3A_283, 1 {pack_format = #tpu.pack_format<interleaved>} : vector<32xbf16> -> vector<16xf32>
        %add3A_285 = arith.addf %scan3A_264, %unpack3A : vector<16xf32>
        %add3A_286 = arith.addf %scan3A_265, %unpack3A_284 : vector<16xf32>
        %get3A_287 = arith.index_cast %scan3A_263 : i32 to index
        %get3A_288 = arith.constant 16 : index
        %get3A_289 = tpu.vector_load %arg20[%get3A_287, %get3A_288] {strides = array<i32>} : memref<200x64xi32, #tpu.memory_space<vmem>>, vector<16xi32>,
        %bitcast3A_290 = vector.bitcast %get3A_289 : vector<16xi32> to vector<32xbf16>
        %add3A_291 = arith.constant 16 : i32
        %add3A_292 = arith.addi %get3A_272, %add3A_291 : i32
        %get3A_293 = arith.index_cast %add3A_292 : i32 to index
        %get3A_294 = tpu.vector_load %arg23[%get3A_293] {strides = array<i32>} : memref<512xi32, #tpu.memory_space<vmem>>, vector<16xi32>,
        %bitcast3A_295 = vector.bitcast %get3A_294 : vector<16xi32> to vector<32xbf16>
        %add3A_296 = arith.addf %bitcast3A_290, %bitcast3A_295 : vector<32xbf16>
        %max3A_297 = arith.constant 0.000000e+00 : bf16
        %max3A_298 = vector.broadcast %max3A_297 : bf16 to vector<32xbf16>
        %max3A_299 = arith.maximumf %add3A_296, %max3A_298 : vector<32xbf16>
        %unpack3A_300 = tpu.unpack_subelements %max3A_299, 0 {pack_format = #tpu.pack_format<interleaved>} : vector<32xbf16> -> vector<16xf32>
        %unpack3A_301 = tpu.unpack_subelements %max3A_299, 1 {pack_format = #tpu.pack_format<interleaved>} : vector<32xbf16> -> vector<16xf32>
        %add3A_302 = arith.addf %scan3A_266, %unpack3A_300 : vector<16xf32>
        %add3A_303 = arith.addf %scan3A_267, %unpack3A_301 : vector<16xf32>
        %get3A_304 = arith.index_cast %scan3A_263 : i32 to index
        %get3A_305 = arith.constant 32 : index
        %get3A_306 = tpu.vector_load %arg20[%get3A_304, %get3A_305] {strides = array<i32>} : memref<200x64xi32, #tpu.memory_space<vmem>>, vector<16xi32>,
        %bitcast3A_307 = vector.bitcast %get3A_306 : vector<16xi32> to vector<32xbf16>
        %add3A_308 = arith.constant 32 : i32
        %add3A_309 = arith.addi %get3A_272, %add3A_308 : i32
        %get3A_310 = arith.index_cast %add3A_309 : i32 to index
        %get3A_311 = tpu.vector_load %arg23[%get3A_310] {strides = array<i32>} : memref<512xi32, #tpu.memory_space<vmem>>, vector<16xi32>,
        %bitcast3A_312 = vector.bitcast %get3A_311 : vector<16xi32> to vector<32xbf16>
        %add3A_313 = arith.addf %bitcast3A_307, %bitcast3A_312 : vector<32xbf16>
        %max3A_314 = arith.constant 0.000000e+00 : bf16
        %max3A_315 = vector.broadcast %max3A_314 : bf16 to vector<32xbf16>
        %max3A_316 = arith.maximumf %add3A_313, %max3A_315 : vector<32xbf16>
        %unpack3A_317 = tpu.unpack_subelements %max3A_316, 0 {pack_format = #tpu.pack_format<interleaved>} : vector<32xbf16> -> vector<16xf32>
        %unpack3A_318 = tpu.unpack_subelements %max3A_316, 1 {pack_format = #tpu.pack_format<interleaved>} : vector<32xbf16> -> vector<16xf32>
        %add3A_319 = arith.addf %scan3A_268, %unpack3A_317 : vector<16xf32>
        %add3A_320 = arith.addf %scan3A_269, %unpack3A_318 : vector<16xf32>
        %get3A_321 = arith.index_cast %scan3A_263 : i32 to index
        %get3A_322 = arith.constant 48 : index
        %get3A_323 = tpu.vector_load %arg20[%get3A_321, %get3A_322] {strides = array<i32>} : memref<200x64xi32, #tpu.memory_space<vmem>>, vector<16xi32>,
        %bitcast3A_324 = vector.bitcast %get3A_323 : vector<16xi32> to vector<32xbf16>
        %add3A_325 = arith.constant 48 : i32
        %add3A_326 = arith.addi %get3A_272, %add3A_325 : i32
        %get3A_327 = arith.index_cast %add3A_326 : i32 to index
        %get3A_328 = tpu.vector_load %arg23[%get3A_327] {strides = array<i32>} : memref<512xi32, #tpu.memory_space<vmem>>, vector<16xi32>,
        %bitcast3A_329 = vector.bitcast %get3A_328 : vector<16xi32> to vector<32xbf16>
        %add3A_330 = arith.addf %bitcast3A_324, %bitcast3A_329 : vector<32xbf16>
        %max3A_331 = arith.constant 0.000000e+00 : bf16
        %max3A_332 = vector.broadcast %max3A_331 : bf16 to vector<32xbf16>
        %max3A_333 = arith.maximumf %add3A_330, %max3A_332 : vector<32xbf16>
        %unpack3A_334 = tpu.unpack_subelements %max3A_333, 0 {pack_format = #tpu.pack_format<interleaved>} : vector<32xbf16> -> vector<16xf32>
        %unpack3A_335 = tpu.unpack_subelements %max3A_333, 1 {pack_format = #tpu.pack_format<interleaved>} : vector<32xbf16> -> vector<16xf32>
        %add3A_336 = arith.addf %scan3A_270, %unpack3A_334 : vector<16xf32>
        %add3A_337 = arith.addf %scan3A_271, %unpack3A_335 : vector<16xf32>
        scf.yield %add3A_285, %add3A_286, %add3A_302, %add3A_303, %add3A_319, %add3A_320, %add3A_336, %add3A_337 : vector<16xf32>, vector<16xf32>, vector<16xf32>, vector<16xf32>, vector<16xf32>, vector<16xf32>, vector<16xf32>, vector<16xf32>
      }
      %scan3A_120 = arith.constant 200 : i32
      %rem3A = arith.constant 16 : i32
      %rem3A_121 = arith.remsi %mul3A_64, %rem3A : i32
      %mul3A_122 = arith.constant 128 : i32
      %mul3A_123 = arith.muli %rem3A_121, %mul3A_122 : i32
      %add3A_124 = arith.constant 0 : i32
      %add3A_125 = arith.addi %mul3A_123, %add3A_124 : i32
      %swap3A = arith.index_cast %add3A_125 : i32 to index
      %swap3A_126 = tpu.vector_load %arg22[%swap3A] {strides = array<i32>} : memref<2048xf32, #tpu.memory_space<vmem>>, vector<16xf32>,
      tpu.vector_store %arg22[%swap3A], %scan3A_119#0 {strides = array<i32>} : memref<2048xf32, #tpu.memory_space<vmem>>, vector<16xf32>,
      %mul3A_127 = arith.constant 128 : i32
      %mul3A_128 = arith.muli %rem3A_121, %mul3A_127 : i32
      %add3A_129 = arith.constant 16 : i32
      %add3A_130 = arith.addi %mul3A_128, %add3A_129 : i32
      %swap3A_131 = arith.index_cast %add3A_130 : i32 to index
      %swap3A_132 = tpu.vector_load %arg22[%swap3A_131] {strides = array<i32>} : memref<2048xf32, #tpu.memory_space<vmem>>, vector<16xf32>,
      tpu.vector_store %arg22[%swap3A_131], %scan3A_119#1 {strides = array<i32>} : memref<2048xf32, #tpu.memory_space<vmem>>, vector<16xf32>,
      %mul3A_133 = arith.constant 128 : i32
      %mul3A_134 = arith.muli %rem3A_121, %mul3A_133 : i32
      %add3A_135 = arith.constant 32 : i32
      %add3A_136 = arith.addi %mul3A_134, %add3A_135 : i32
      %swap3A_137 = arith.index_cast %add3A_136 : i32 to index
      %swap3A_138 = tpu.vector_load %arg22[%swap3A_137] {strides = array<i32>} : memref<2048xf32, #tpu.memory_space<vmem>>, vector<16xf32>,
      tpu.vector_store %arg22[%swap3A_137], %scan3A_119#2 {strides = array<i32>} : memref<2048xf32, #tpu.memory_space<vmem>>, vector<16xf32>,
      %mul3A_139 = arith.constant 128 : i32
      %mul3A_140 = arith.muli %rem3A_121, %mul3A_139 : i32
      %add3A_141 = arith.constant 48 : i32
      %add3A_142 = arith.addi %mul3A_140, %add3A_141 : i32
      %swap3A_143 = arith.index_cast %add3A_142 : i32 to index
      %swap3A_144 = tpu.vector_load %arg22[%swap3A_143] {strides = array<i32>} : memref<2048xf32, #tpu.memory_space<vmem>>, vector<16xf32>,
      tpu.vector_store %arg22[%swap3A_143], %scan3A_119#3 {strides = array<i32>} : memref<2048xf32, #tpu.memory_space<vmem>>, vector<16xf32>,
      %mul3A_145 = arith.constant 128 : i32
      %mul3A_146 = arith.muli %rem3A_121, %mul3A_145 : i32
      %add3A_147 = arith.constant 64 : i32
      %add3A_148 = arith.addi %mul3A_146, %add3A_147 : i32
      %swap3A_149 = arith.index_cast %add3A_148 : i32 to index
      %swap3A_150 = tpu.vector_load %arg22[%swap3A_149] {strides = array<i32>} : memref<2048xf32, #tpu.memory_space<vmem>>, vector<16xf32>,
      tpu.vector_store %arg22[%swap3A_149], %scan3A_119#4 {strides = array<i32>} : memref<2048xf32, #tpu.memory_space<vmem>>, vector<16xf32>,
      %mul3A_151 = arith.constant 128 : i32
      %mul3A_152 = arith.muli %rem3A_121, %mul3A_151 : i32
      %add3A_153 = arith.constant 80 : i32
      %add3A_154 = arith.addi %mul3A_152, %add3A_153 : i32
      %swap3A_155 = arith.index_cast %add3A_154 : i32 to index
      %swap3A_156 = tpu.vector_load %arg22[%swap3A_155] {strides = array<i32>} : memref<2048xf32, #tpu.memory_space<vmem>>, vector<16xf32>,
      tpu.vector_store %arg22[%swap3A_155], %scan3A_119#5 {strides = array<i32>} : memref<2048xf32, #tpu.memory_space<vmem>>, vector<16xf32>,
      %mul3A_157 = arith.constant 128 : i32
      %mul3A_158 = arith.muli %rem3A_121, %mul3A_157 : i32
      %add3A_159 = arith.constant 96 : i32
      %add3A_160 = arith.addi %mul3A_158, %add3A_159 : i32
      %swap3A_161 = arith.index_cast %add3A_160 : i32 to index
      %swap3A_162 = tpu.vector_load %arg22[%swap3A_161] {strides = array<i32>} : memref<2048xf32, #tpu.memory_space<vmem>>, vector<16xf32>,
      tpu.vector_store %arg22[%swap3A_161], %scan3A_119#6 {strides = array<i32>} : memref<2048xf32, #tpu.memory_space<vmem>>, vector<16xf32>,
      %mul3A_163 = arith.constant 128 : i32
      %mul3A_164 = arith.muli %rem3A_121, %mul3A_163 : i32
      %add3A_165 = arith.constant 112 : i32
      %add3A_166 = arith.addi %mul3A_164, %add3A_165 : i32
      %swap3A_167 = arith.index_cast %add3A_166 : i32 to index
      %swap3A_168 = tpu.vector_load %arg22[%swap3A_167] {strides = array<i32>} : memref<2048xf32, #tpu.memory_space<vmem>>, vector<16xf32>,
      tpu.vector_store %arg22[%swap3A_167], %scan3A_119#7 {strides = array<i32>} : memref<2048xf32, #tpu.memory_space<vmem>>, vector<16xf32>,
      %lt3A = arith.constant 63 : i32
      %lt3A_169 = arith.cmpi slt, %scan3A_61, %lt3A : i32
      %convert_element_type3A = arith.extui %lt3A_169 : i1 to i32
      %cond3A = arith.constant 0 : i32
      %cond3A_170 = arith.cmpi ne, %convert_element_type3A, %cond3A : i32
      scf.if %cond3A_170 {
        %add3A_263 = arith.constant 2 : i32
        %add3A_264 = arith.addi %mul3A_64, %add3A_263 : i32
        %dma_start3A_265 = arith.constant 0 : i32
        %dma_start3A_266 = arith.constant 0 : i32
        %dma_start3A_267 = tpu.memref_slice %arg20[%dma_start3A_265, %dma_start3A_266] : memref<200x64xi32, #tpu.memory_space<vmem>> -> memref<104x64xi32, #tpu.memory_space<vmem>>
        %dma_start3A_268 = arith.constant 0 : i32
        %dma_start3A_269 = tpu.memref_slice %arg18[%add3A_264, %dma_start3A_268] : memref<128x200xi32, #tpu.memory_space<vmem>> -> memref<1x104xi32, #tpu.memory_space<vmem>>
        %dma_start3A_270 = tpu.memref_squeeze %dma_start3A_269 : memref<1x104xi32, #tpu.memory_space<vmem>> -> memref<104xi32, #tpu.memory_space<vmem>>
        %dma_start3A_271 = arith.constant 0 : i32
        %dma_start3A_272 = arith.constant 0 : i32
        %dma_start3A_273 = tpu.memref_slice %arg2[%dma_start3A_271, %dma_start3A_272] : memref<100352x64xi32, #tpu.memory_space<hbm>> -> memref<100352x64xi32, #tpu.memory_space<hbm>>
        tpu.enqueue_indirect_dma source(%dma_start3A_273 : memref<100352x64xi32, #tpu.memory_space<hbm>>) target(%dma_start3A_267 : memref<104x64xi32, #tpu.memory_space<vmem>>) offsets(%dma_start3A_270 : memref<104xi32, #tpu.memory_space<vmem>>) semaphore(%arg27 : memref<!tpu.dma_semaphore, #tpu.memory_space<semaphore_mem>>)
        %dma_start3A_274 = arith.constant 104 : i32
        %dma_start3A_275 = arith.constant 0 : i32
        %dma_start3A_276 = tpu.memref_slice %arg20[%dma_start3A_274, %dma_start3A_275] : memref<200x64xi32, #tpu.memory_space<vmem>> -> memref<96x64xi32, #tpu.memory_space<vmem>>
        %dma_start3A_277 = arith.constant 104 : i32
        %dma_start3A_278 = tpu.memref_slice %arg18[%add3A_264, %dma_start3A_277] : memref<128x200xi32, #tpu.memory_space<vmem>> -> memref<1x96xi32, #tpu.memory_space<vmem>>
        %dma_start3A_279 = tpu.memref_squeeze %dma_start3A_278 : memref<1x96xi32, #tpu.memory_space<vmem>> -> memref<96xi32, #tpu.memory_space<vmem>>
        %dma_start3A_280 = arith.constant 0 : i32
        %dma_start3A_281 = arith.constant 0 : i32
        %dma_start3A_282 = tpu.memref_slice %arg2[%dma_start3A_280, %dma_start3A_281] : memref<100352x64xi32, #tpu.memory_space<hbm>> -> memref<100352x64xi32, #tpu.memory_space<hbm>>
        tpu.enqueue_indirect_dma source(%dma_start3A_282 : memref<100352x64xi32, #tpu.memory_space<hbm>>) target(%dma_start3A_276 : memref<96x64xi32, #tpu.memory_space<vmem>>) offsets(%dma_start3A_279 : memref<96xi32, #tpu.memory_space<vmem>>) semaphore(%arg27 : memref<!tpu.dma_semaphore, #tpu.memory_space<semaphore_mem>>)
      } else {
      }
      %dma_wait3A_171 = arith.constant 0 : i32
      %dma_wait3A_172 = arith.constant 0 : i32
      %dma_wait3A_173 = tpu.memref_slice %arg2[%dma_wait3A_171, %dma_wait3A_172] : memref<100352x64xi32, #tpu.memory_space<hbm>> -> memref<200x64xi32, #tpu.memory_space<hbm>>
      %dma_wait3A_174 = arith.constant 0 : i32
      %dma_wait3A_175 = arith.constant 0 : i32
      %dma_wait3A_176 = tpu.memref_slice %arg2[%dma_wait3A_174, %dma_wait3A_175] : memref<100352x64xi32, #tpu.memory_space<hbm>> -> memref<200x64xi32, #tpu.memory_space<hbm>>
      tpu.wait_dma2 semaphore(%arg28 : memref<!tpu.dma_semaphore, #tpu.memory_space<semaphore_mem>>) src(%dma_wait3A_176 : memref<200x64xi32, #tpu.memory_space<hbm>>) dst(%arg21 : memref<200x64xi32, #tpu.memory_space<vmem>>)
      %scan3A_177 = arith.constant 0 : i32
      %scan3A_178 = arith.constant 0 : i32
      %scan3A_179 = arith.constant 13 : i32
      %scan3A_180 = arith.addi %scan3A_178, %scan3A_179 : i32
      %scan3A_181 = arith.constant 1 : i32
      %scan3A_182 = scf.for %scan3A_263 = %scan3A_178 to %scan3A_180 step %scan3A_181 iter_args(%scan3A_264 = %scan3A_177) -> (i32)  : i32 {
        %mul3A_265 = arith.constant 16 : i32
        %mul3A_266 = arith.muli %scan3A_263, %mul3A_265 : i32
        %get3A = arith.index_cast %add3A_68 : i32 to index
        %get3A_267 = arith.index_cast %mul3A_266 : i32 to index
        %get3A_268 = tpu.vector_load %arg19[%get3A, %get3A_267] {strides = array<i32>} : memref<129x200xi32, #tpu.memory_space<vmem>>, vector<16xi32>,
        %mul3A_269 = arith.constant 64 : i32
        %mul3A_270 = vector.broadcast %mul3A_269 : i32 to vector<16xi32>
        %mul3A_271 = arith.muli %get3A_268, %mul3A_270 : vector<16xi32>
        %slice3A = vector.extract_strided_slice %mul3A_271 {offsets = [0], sizes = [1], strides = [1]} : vector<16xi32> to vector<1xi32>
        %squeeze3A = vector.extract %slice3A[0] : i32 from vector<1xi32>
        %mul3A_272 = arith.constant 16 : i32
        %mul3A_273 = arith.muli %scan3A_263, %mul3A_272 : i32
        %add3A_274 = arith.constant 0 : i32
        %add3A_275 = arith.addi %mul3A_273, %add3A_274 : i32
        %swap3A_276 = arith.index_cast %add3A_275 : i32 to index
        %swap3A_277 = memref.load %arg26[%swap3A_276] : memref<208xi32, #tpu.memory_space<smem>>
        memref.store %squeeze3A, %arg26[%swap3A_276] : memref<208xi32, #tpu.memory_space<smem>>
        %slice3A_278 = vector.extract_strided_slice %mul3A_271 {offsets = [1], sizes = [1], strides = [1]} : vector<16xi32> to vector<1xi32>
        %squeeze3A_279 = vector.extract %slice3A_278[0] : i32 from vector<1xi32>
        %mul3A_280 = arith.constant 16 : i32
        %mul3A_281 = arith.muli %scan3A_263, %mul3A_280 : i32
        %add3A_282 = arith.constant 1 : i32
        %add3A_283 = arith.addi %mul3A_281, %add3A_282 : i32
        %swap3A_284 = arith.index_cast %add3A_283 : i32 to index
        %swap3A_285 = memref.load %arg26[%swap3A_284] : memref<208xi32, #tpu.memory_space<smem>>
        memref.store %squeeze3A_279, %arg26[%swap3A_284] : memref<208xi32, #tpu.memory_space<smem>>
        %slice3A_286 = vector.extract_strided_slice %mul3A_271 {offsets = [2], sizes = [1], strides = [1]} : vector<16xi32> to vector<1xi32>
        %squeeze3A_287 = vector.extract %slice3A_286[0] : i32 from vector<1xi32>
        %mul3A_288 = arith.constant 16 : i32
        %mul3A_289 = arith.muli %scan3A_263, %mul3A_288 : i32
        %add3A_290 = arith.constant 2 : i32
        %add3A_291 = arith.addi %mul3A_289, %add3A_290 : i32
        %swap3A_292 = arith.index_cast %add3A_291 : i32 to index
        %swap3A_293 = memref.load %arg26[%swap3A_292] : memref<208xi32, #tpu.memory_space<smem>>
        memref.store %squeeze3A_287, %arg26[%swap3A_292] : memref<208xi32, #tpu.memory_space<smem>>
        %slice3A_294 = vector.extract_strided_slice %mul3A_271 {offsets = [3], sizes = [1], strides = [1]} : vector<16xi32> to vector<1xi32>
        %squeeze3A_295 = vector.extract %slice3A_294[0] : i32 from vector<1xi32>
        %mul3A_296 = arith.constant 16 : i32
        %mul3A_297 = arith.muli %scan3A_263, %mul3A_296 : i32
        %add3A_298 = arith.constant 3 : i32
        %add3A_299 = arith.addi %mul3A_297, %add3A_298 : i32
        %swap3A_300 = arith.index_cast %add3A_299 : i32 to index
        %swap3A_301 = memref.load %arg26[%swap3A_300] : memref<208xi32, #tpu.memory_space<smem>>
        memref.store %squeeze3A_295, %arg26[%swap3A_300] : memref<208xi32, #tpu.memory_space<smem>>
        %slice3A_302 = vector.extract_strided_slice %mul3A_271 {offsets = [4], sizes = [1], strides = [1]} : vector<16xi32> to vector<1xi32>
        %squeeze3A_303 = vector.extract %slice3A_302[0] : i32 from vector<1xi32>
        %mul3A_304 = arith.constant 16 : i32
        %mul3A_305 = arith.muli %scan3A_263, %mul3A_304 : i32
        %add3A_306 = arith.constant 4 : i32
        %add3A_307 = arith.addi %mul3A_305, %add3A_306 : i32
        %swap3A_308 = arith.index_cast %add3A_307 : i32 to index
        %swap3A_309 = memref.load %arg26[%swap3A_308] : memref<208xi32, #tpu.memory_space<smem>>
        memref.store %squeeze3A_303, %arg26[%swap3A_308] : memref<208xi32, #tpu.memory_space<smem>>
        %slice3A_310 = vector.extract_strided_slice %mul3A_271 {offsets = [5], sizes = [1], strides = [1]} : vector<16xi32> to vector<1xi32>
        %squeeze3A_311 = vector.extract %slice3A_310[0] : i32 from vector<1xi32>
        %mul3A_312 = arith.constant 16 : i32
        %mul3A_313 = arith.muli %scan3A_263, %mul3A_312 : i32
        %add3A_314 = arith.constant 5 : i32
        %add3A_315 = arith.addi %mul3A_313, %add3A_314 : i32
        %swap3A_316 = arith.index_cast %add3A_315 : i32 to index
        %swap3A_317 = memref.load %arg26[%swap3A_316] : memref<208xi32, #tpu.memory_space<smem>>
        memref.store %squeeze3A_311, %arg26[%swap3A_316] : memref<208xi32, #tpu.memory_space<smem>>
        %slice3A_318 = vector.extract_strided_slice %mul3A_271 {offsets = [6], sizes = [1], strides = [1]} : vector<16xi32> to vector<1xi32>
        %squeeze3A_319 = vector.extract %slice3A_318[0] : i32 from vector<1xi32>
        %mul3A_320 = arith.constant 16 : i32
        %mul3A_321 = arith.muli %scan3A_263, %mul3A_320 : i32
        %add3A_322 = arith.constant 6 : i32
        %add3A_323 = arith.addi %mul3A_321, %add3A_322 : i32
        %swap3A_324 = arith.index_cast %add3A_323 : i32 to index
        %swap3A_325 = memref.load %arg26[%swap3A_324] : memref<208xi32, #tpu.memory_space<smem>>
        memref.store %squeeze3A_319, %arg26[%swap3A_324] : memref<208xi32, #tpu.memory_space<smem>>
        %slice3A_326 = vector.extract_strided_slice %mul3A_271 {offsets = [7], sizes = [1], strides = [1]} : vector<16xi32> to vector<1xi32>
        %squeeze3A_327 = vector.extract %slice3A_326[0] : i32 from vector<1xi32>
        %mul3A_328 = arith.constant 16 : i32
        %mul3A_329 = arith.muli %scan3A_263, %mul3A_328 : i32
        %add3A_330 = arith.constant 7 : i32
        %add3A_331 = arith.addi %mul3A_329, %add3A_330 : i32
        %swap3A_332 = arith.index_cast %add3A_331 : i32 to index
        %swap3A_333 = memref.load %arg26[%swap3A_332] : memref<208xi32, #tpu.memory_space<smem>>
        memref.store %squeeze3A_327, %arg26[%swap3A_332] : memref<208xi32, #tpu.memory_space<smem>>
        %slice3A_334 = vector.extract_strided_slice %mul3A_271 {offsets = [8], sizes = [1], strides = [1]} : vector<16xi32> to vector<1xi32>
        %squeeze3A_335 = vector.extract %slice3A_334[0] : i32 from vector<1xi32>
        %mul3A_336 = arith.constant 16 : i32
        %mul3A_337 = arith.muli %scan3A_263, %mul3A_336 : i32
        %add3A_338 = arith.constant 8 : i32
        %add3A_339 = arith.addi %mul3A_337, %add3A_338 : i32
        %swap3A_340 = arith.index_cast %add3A_339 : i32 to index
        %swap3A_341 = memref.load %arg26[%swap3A_340] : memref<208xi32, #tpu.memory_space<smem>>
        memref.store %squeeze3A_335, %arg26[%swap3A_340] : memref<208xi32, #tpu.memory_space<smem>>
        %slice3A_342 = vector.extract_strided_slice %mul3A_271 {offsets = [9], sizes = [1], strides = [1]} : vector<16xi32> to vector<1xi32>
        %squeeze3A_343 = vector.extract %slice3A_342[0] : i32 from vector<1xi32>
        %mul3A_344 = arith.constant 16 : i32
        %mul3A_345 = arith.muli %scan3A_263, %mul3A_344 : i32
        %add3A_346 = arith.constant 9 : i32
        %add3A_347 = arith.addi %mul3A_345, %add3A_346 : i32
        %swap3A_348 = arith.index_cast %add3A_347 : i32 to index
        %swap3A_349 = memref.load %arg26[%swap3A_348] : memref<208xi32, #tpu.memory_space<smem>>
        memref.store %squeeze3A_343, %arg26[%swap3A_348] : memref<208xi32, #tpu.memory_space<smem>>
        %slice3A_350 = vector.extract_strided_slice %mul3A_271 {offsets = [10], sizes = [1], strides = [1]} : vector<16xi32> to vector<1xi32>
        %squeeze3A_351 = vector.extract %slice3A_350[0] : i32 from vector<1xi32>
        %mul3A_352 = arith.constant 16 : i32
        %mul3A_353 = arith.muli %scan3A_263, %mul3A_352 : i32
        %add3A_354 = arith.constant 10 : i32
        %add3A_355 = arith.addi %mul3A_353, %add3A_354 : i32
        %swap3A_356 = arith.index_cast %add3A_355 : i32 to index
        %swap3A_357 = memref.load %arg26[%swap3A_356] : memref<208xi32, #tpu.memory_space<smem>>
        memref.store %squeeze3A_351, %arg26[%swap3A_356] : memref<208xi32, #tpu.memory_space<smem>>
        %slice3A_358 = vector.extract_strided_slice %mul3A_271 {offsets = [11], sizes = [1], strides = [1]} : vector<16xi32> to vector<1xi32>
        %squeeze3A_359 = vector.extract %slice3A_358[0] : i32 from vector<1xi32>
        %mul3A_360 = arith.constant 16 : i32
        %mul3A_361 = arith.muli %scan3A_263, %mul3A_360 : i32
        %add3A_362 = arith.constant 11 : i32
        %add3A_363 = arith.addi %mul3A_361, %add3A_362 : i32
        %swap3A_364 = arith.index_cast %add3A_363 : i32 to index
        %swap3A_365 = memref.load %arg26[%swap3A_364] : memref<208xi32, #tpu.memory_space<smem>>
        memref.store %squeeze3A_359, %arg26[%swap3A_364] : memref<208xi32, #tpu.memory_space<smem>>
        %slice3A_366 = vector.extract_strided_slice %mul3A_271 {offsets = [12], sizes = [1], strides = [1]} : vector<16xi32> to vector<1xi32>
        %squeeze3A_367 = vector.extract %slice3A_366[0] : i32 from vector<1xi32>
        %mul3A_368 = arith.constant 16 : i32
        %mul3A_369 = arith.muli %scan3A_263, %mul3A_368 : i32
        %add3A_370 = arith.constant 12 : i32
        %add3A_371 = arith.addi %mul3A_369, %add3A_370 : i32
        %swap3A_372 = arith.index_cast %add3A_371 : i32 to index
        %swap3A_373 = memref.load %arg26[%swap3A_372] : memref<208xi32, #tpu.memory_space<smem>>
        memref.store %squeeze3A_367, %arg26[%swap3A_372] : memref<208xi32, #tpu.memory_space<smem>>
        %slice3A_374 = vector.extract_strided_slice %mul3A_271 {offsets = [13], sizes = [1], strides = [1]} : vector<16xi32> to vector<1xi32>
        %squeeze3A_375 = vector.extract %slice3A_374[0] : i32 from vector<1xi32>
        %mul3A_376 = arith.constant 16 : i32
        %mul3A_377 = arith.muli %scan3A_263, %mul3A_376 : i32
        %add3A_378 = arith.constant 13 : i32
        %add3A_379 = arith.addi %mul3A_377, %add3A_378 : i32
        %swap3A_380 = arith.index_cast %add3A_379 : i32 to index
        %swap3A_381 = memref.load %arg26[%swap3A_380] : memref<208xi32, #tpu.memory_space<smem>>
        memref.store %squeeze3A_375, %arg26[%swap3A_380] : memref<208xi32, #tpu.memory_space<smem>>
        %slice3A_382 = vector.extract_strided_slice %mul3A_271 {offsets = [14], sizes = [1], strides = [1]} : vector<16xi32> to vector<1xi32>
        %squeeze3A_383 = vector.extract %slice3A_382[0] : i32 from vector<1xi32>
        %mul3A_384 = arith.constant 16 : i32
        %mul3A_385 = arith.muli %scan3A_263, %mul3A_384 : i32
        %add3A_386 = arith.constant 14 : i32
        %add3A_387 = arith.addi %mul3A_385, %add3A_386 : i32
        %swap3A_388 = arith.index_cast %add3A_387 : i32 to index
        %swap3A_389 = memref.load %arg26[%swap3A_388] : memref<208xi32, #tpu.memory_space<smem>>
        memref.store %squeeze3A_383, %arg26[%swap3A_388] : memref<208xi32, #tpu.memory_space<smem>>
        %slice3A_390 = vector.extract_strided_slice %mul3A_271 {offsets = [15], sizes = [1], strides = [1]} : vector<16xi32> to vector<1xi32>
        %squeeze3A_391 = vector.extract %slice3A_390[0] : i32 from vector<1xi32>
        %mul3A_392 = arith.constant 16 : i32
        %mul3A_393 = arith.muli %scan3A_263, %mul3A_392 : i32
        %add3A_394 = arith.constant 15 : i32
        %add3A_395 = arith.addi %mul3A_393, %add3A_394 : i32
        %swap3A_396 = arith.index_cast %add3A_395 : i32 to index
        %swap3A_397 = memref.load %arg26[%swap3A_396] : memref<208xi32, #tpu.memory_space<smem>>
        memref.store %squeeze3A_391, %arg26[%swap3A_396] : memref<208xi32, #tpu.memory_space<smem>>
        %scan3A_398 = arith.constant 0 : i32
        scf.yield %scan3A_398 : i32
      }
      %scan3A_183 = arith.constant 13 : i32
      %broadcast_in_dim3A_184 = arith.constant 0.000000e+00 : f32
      %broadcast_in_dim3A_185 = vector.broadcast %broadcast_in_dim3A_184 : f32 to vector<16xf32>
      %broadcast_in_dim3A_186 = arith.constant 0.000000e+00 : f32
      %broadcast_in_dim3A_187 = vector.broadcast %broadcast_in_dim3A_186 : f32 to vector<16xf32>
      %broadcast_in_dim3A_188 = arith.constant 0.000000e+00 : f32
      %broadcast_in_dim3A_189 = vector.broadcast %broadcast_in_dim3A_188 : f32 to vector<16xf32>
      %broadcast_in_dim3A_190 = arith.constant 0.000000e+00 : f32
      %broadcast_in_dim3A_191 = vector.broadcast %broadcast_in_dim3A_190 : f32 to vector<16xf32>
      %broadcast_in_dim3A_192 = arith.constant 0.000000e+00 : f32
      %broadcast_in_dim3A_193 = vector.broadcast %broadcast_in_dim3A_192 : f32 to vector<16xf32>
      %broadcast_in_dim3A_194 = arith.constant 0.000000e+00 : f32
      %broadcast_in_dim3A_195 = vector.broadcast %broadcast_in_dim3A_194 : f32 to vector<16xf32>
      %broadcast_in_dim3A_196 = arith.constant 0.000000e+00 : f32
      %broadcast_in_dim3A_197 = vector.broadcast %broadcast_in_dim3A_196 : f32 to vector<16xf32>
      %broadcast_in_dim3A_198 = arith.constant 0.000000e+00 : f32
      %broadcast_in_dim3A_199 = vector.broadcast %broadcast_in_dim3A_198 : f32 to vector<16xf32>
      %scan3A_200 = arith.constant 0 : i32
      %scan3A_201 = arith.constant 200 : i32
      %scan3A_202 = arith.addi %scan3A_200, %scan3A_201 : i32
      %scan3A_203 = arith.constant 1 : i32
      %scan3A_204:8 = scf.for %scan3A_263 = %scan3A_200 to %scan3A_202 step %scan3A_203 iter_args(%scan3A_264 = %broadcast_in_dim3A_185, %scan3A_265 = %broadcast_in_dim3A_187, %scan3A_266 = %broadcast_in_dim3A_189, %scan3A_267 = %broadcast_in_dim3A_191, %scan3A_268 = %broadcast_in_dim3A_193, %scan3A_269 = %broadcast_in_dim3A_195, %scan3A_270 = %broadcast_in_dim3A_197, %scan3A_271 = %broadcast_in_dim3A_199) -> (vector<16xf32>, vector<16xf32>, vector<16xf32>, vector<16xf32>, vector<16xf32>, vector<16xf32>, vector<16xf32>, vector<16xf32>)  : i32 {
        %get3A = arith.index_cast %scan3A_263 : i32 to index
        %get3A_272 = memref.load %arg26[%get3A] : memref<208xi32, #tpu.memory_space<smem>>
        %get3A_273 = arith.index_cast %scan3A_263 : i32 to index
        %get3A_274 = arith.constant 0 : index
        %get3A_275 = tpu.vector_load %arg21[%get3A_273, %get3A_274] {strides = array<i32>} : memref<200x64xi32, #tpu.memory_space<vmem>>, vector<16xi32>,
        %bitcast3A = vector.bitcast %get3A_275 : vector<16xi32> to vector<32xbf16>
        %add3A_276 = arith.constant 0 : i32
        %add3A_277 = arith.addi %get3A_272, %add3A_276 : i32
        %get3A_278 = arith.index_cast %add3A_277 : i32 to index
        %get3A_279 = tpu.vector_load %arg23[%get3A_278] {strides = array<i32>} : memref<512xi32, #tpu.memory_space<vmem>>, vector<16xi32>,
        %bitcast3A_280 = vector.bitcast %get3A_279 : vector<16xi32> to vector<32xbf16>
        %add3A_281 = arith.addf %bitcast3A, %bitcast3A_280 : vector<32xbf16>
        %max3A = arith.constant 0.000000e+00 : bf16
        %max3A_282 = vector.broadcast %max3A : bf16 to vector<32xbf16>
        %max3A_283 = arith.maximumf %add3A_281, %max3A_282 : vector<32xbf16>
        %unpack3A = tpu.unpack_subelements %max3A_283, 0 {pack_format = #tpu.pack_format<interleaved>} : vector<32xbf16> -> vector<16xf32>
        %unpack3A_284 = tpu.unpack_subelements %max3A_283, 1 {pack_format = #tpu.pack_format<interleaved>} : vector<32xbf16> -> vector<16xf32>
        %add3A_285 = arith.addf %scan3A_264, %unpack3A : vector<16xf32>
        %add3A_286 = arith.addf %scan3A_265, %unpack3A_284 : vector<16xf32>
        %get3A_287 = arith.index_cast %scan3A_263 : i32 to index
        %get3A_288 = arith.constant 16 : index
        %get3A_289 = tpu.vector_load %arg21[%get3A_287, %get3A_288] {strides = array<i32>} : memref<200x64xi32, #tpu.memory_space<vmem>>, vector<16xi32>,
        %bitcast3A_290 = vector.bitcast %get3A_289 : vector<16xi32> to vector<32xbf16>
        %add3A_291 = arith.constant 16 : i32
        %add3A_292 = arith.addi %get3A_272, %add3A_291 : i32
        %get3A_293 = arith.index_cast %add3A_292 : i32 to index
        %get3A_294 = tpu.vector_load %arg23[%get3A_293] {strides = array<i32>} : memref<512xi32, #tpu.memory_space<vmem>>, vector<16xi32>,
        %bitcast3A_295 = vector.bitcast %get3A_294 : vector<16xi32> to vector<32xbf16>
        %add3A_296 = arith.addf %bitcast3A_290, %bitcast3A_295 : vector<32xbf16>
        %max3A_297 = arith.constant 0.000000e+00 : bf16
        %max3A_298 = vector.broadcast %max3A_297 : bf16 to vector<32xbf16>
        %max3A_299 = arith.maximumf %add3A_296, %max3A_298 : vector<32xbf16>
        %unpack3A_300 = tpu.unpack_subelements %max3A_299, 0 {pack_format = #tpu.pack_format<interleaved>} : vector<32xbf16> -> vector<16xf32>
        %unpack3A_301 = tpu.unpack_subelements %max3A_299, 1 {pack_format = #tpu.pack_format<interleaved>} : vector<32xbf16> -> vector<16xf32>
        %add3A_302 = arith.addf %scan3A_266, %unpack3A_300 : vector<16xf32>
        %add3A_303 = arith.addf %scan3A_267, %unpack3A_301 : vector<16xf32>
        %get3A_304 = arith.index_cast %scan3A_263 : i32 to index
        %get3A_305 = arith.constant 32 : index
        %get3A_306 = tpu.vector_load %arg21[%get3A_304, %get3A_305] {strides = array<i32>} : memref<200x64xi32, #tpu.memory_space<vmem>>, vector<16xi32>,
        %bitcast3A_307 = vector.bitcast %get3A_306 : vector<16xi32> to vector<32xbf16>
        %add3A_308 = arith.constant 32 : i32
        %add3A_309 = arith.addi %get3A_272, %add3A_308 : i32
        %get3A_310 = arith.index_cast %add3A_309 : i32 to index
        %get3A_311 = tpu.vector_load %arg23[%get3A_310] {strides = array<i32>} : memref<512xi32, #tpu.memory_space<vmem>>, vector<16xi32>,
        %bitcast3A_312 = vector.bitcast %get3A_311 : vector<16xi32> to vector<32xbf16>
        %add3A_313 = arith.addf %bitcast3A_307, %bitcast3A_312 : vector<32xbf16>
        %max3A_314 = arith.constant 0.000000e+00 : bf16
        %max3A_315 = vector.broadcast %max3A_314 : bf16 to vector<32xbf16>
        %max3A_316 = arith.maximumf %add3A_313, %max3A_315 : vector<32xbf16>
        %unpack3A_317 = tpu.unpack_subelements %max3A_316, 0 {pack_format = #tpu.pack_format<interleaved>} : vector<32xbf16> -> vector<16xf32>
        %unpack3A_318 = tpu.unpack_subelements %max3A_316, 1 {pack_format = #tpu.pack_format<interleaved>} : vector<32xbf16> -> vector<16xf32>
        %add3A_319 = arith.addf %scan3A_268, %unpack3A_317 : vector<16xf32>
        %add3A_320 = arith.addf %scan3A_269, %unpack3A_318 : vector<16xf32>
        %get3A_321 = arith.index_cast %scan3A_263 : i32 to index
        %get3A_322 = arith.constant 48 : index
        %get3A_323 = tpu.vector_load %arg21[%get3A_321, %get3A_322] {strides = array<i32>} : memref<200x64xi32, #tpu.memory_space<vmem>>, vector<16xi32>,
        %bitcast3A_324 = vector.bitcast %get3A_323 : vector<16xi32> to vector<32xbf16>
        %add3A_325 = arith.constant 48 : i32
        %add3A_326 = arith.addi %get3A_272, %add3A_325 : i32
        %get3A_327 = arith.index_cast %add3A_326 : i32 to index
        %get3A_328 = tpu.vector_load %arg23[%get3A_327] {strides = array<i32>} : memref<512xi32, #tpu.memory_space<vmem>>, vector<16xi32>,
        %bitcast3A_329 = vector.bitcast %get3A_328 : vector<16xi32> to vector<32xbf16>
        %add3A_330 = arith.addf %bitcast3A_324, %bitcast3A_329 : vector<32xbf16>
        %max3A_331 = arith.constant 0.000000e+00 : bf16
        %max3A_332 = vector.broadcast %max3A_331 : bf16 to vector<32xbf16>
        %max3A_333 = arith.maximumf %add3A_330, %max3A_332 : vector<32xbf16>
        %unpack3A_334 = tpu.unpack_subelements %max3A_333, 0 {pack_format = #tpu.pack_format<interleaved>} : vector<32xbf16> -> vector<16xf32>
        %unpack3A_335 = tpu.unpack_subelements %max3A_333, 1 {pack_format = #tpu.pack_format<interleaved>} : vector<32xbf16> -> vector<16xf32>
        %add3A_336 = arith.addf %scan3A_270, %unpack3A_334 : vector<16xf32>
        %add3A_337 = arith.addf %scan3A_271, %unpack3A_335 : vector<16xf32>
        scf.yield %add3A_285, %add3A_286, %add3A_302, %add3A_303, %add3A_319, %add3A_320, %add3A_336, %add3A_337 : vector<16xf32>, vector<16xf32>, vector<16xf32>, vector<16xf32>, vector<16xf32>, vector<16xf32>, vector<16xf32>, vector<16xf32>
      }
      %scan3A_205 = arith.constant 200 : i32
      %rem3A_206 = arith.constant 16 : i32
      %rem3A_207 = arith.remsi %add3A_68, %rem3A_206 : i32
      %mul3A_208 = arith.constant 128 : i32
      %mul3A_209 = arith.muli %rem3A_207, %mul3A_208 : i32
      %add3A_210 = arith.constant 0 : i32
      %add3A_211 = arith.addi %mul3A_209, %add3A_210 : i32
      %swap3A_212 = arith.index_cast %add3A_211 : i32 to index
      %swap3A_213 = tpu.vector_load %arg22[%swap3A_212] {strides = array<i32>} : memref<2048xf32, #tpu.memory_space<vmem>>, vector<16xf32>,
      tpu.vector_store %arg22[%swap3A_212], %scan3A_204#0 {strides = array<i32>} : memref<2048xf32, #tpu.memory_space<vmem>>, vector<16xf32>,
      %mul3A_214 = arith.constant 128 : i32
      %mul3A_215 = arith.muli %rem3A_207, %mul3A_214 : i32
      %add3A_216 = arith.constant 16 : i32
      %add3A_217 = arith.addi %mul3A_215, %add3A_216 : i32
      %swap3A_218 = arith.index_cast %add3A_217 : i32 to index
      %swap3A_219 = tpu.vector_load %arg22[%swap3A_218] {strides = array<i32>} : memref<2048xf32, #tpu.memory_space<vmem>>, vector<16xf32>,
      tpu.vector_store %arg22[%swap3A_218], %scan3A_204#1 {strides = array<i32>} : memref<2048xf32, #tpu.memory_space<vmem>>, vector<16xf32>,
      %mul3A_220 = arith.constant 128 : i32
      %mul3A_221 = arith.muli %rem3A_207, %mul3A_220 : i32
      %add3A_222 = arith.constant 32 : i32
      %add3A_223 = arith.addi %mul3A_221, %add3A_222 : i32
      %swap3A_224 = arith.index_cast %add3A_223 : i32 to index
      %swap3A_225 = tpu.vector_load %arg22[%swap3A_224] {strides = array<i32>} : memref<2048xf32, #tpu.memory_space<vmem>>, vector<16xf32>,
      tpu.vector_store %arg22[%swap3A_224], %scan3A_204#2 {strides = array<i32>} : memref<2048xf32, #tpu.memory_space<vmem>>, vector<16xf32>,
      %mul3A_226 = arith.constant 128 : i32
      %mul3A_227 = arith.muli %rem3A_207, %mul3A_226 : i32
      %add3A_228 = arith.constant 48 : i32
      %add3A_229 = arith.addi %mul3A_227, %add3A_228 : i32
      %swap3A_230 = arith.index_cast %add3A_229 : i32 to index
      %swap3A_231 = tpu.vector_load %arg22[%swap3A_230] {strides = array<i32>} : memref<2048xf32, #tpu.memory_space<vmem>>, vector<16xf32>,
      tpu.vector_store %arg22[%swap3A_230], %scan3A_204#3 {strides = array<i32>} : memref<2048xf32, #tpu.memory_space<vmem>>, vector<16xf32>,
      %mul3A_232 = arith.constant 128 : i32
      %mul3A_233 = arith.muli %rem3A_207, %mul3A_232 : i32
      %add3A_234 = arith.constant 64 : i32
      %add3A_235 = arith.addi %mul3A_233, %add3A_234 : i32
      %swap3A_236 = arith.index_cast %add3A_235 : i32 to index
      %swap3A_237 = tpu.vector_load %arg22[%swap3A_236] {strides = array<i32>} : memref<2048xf32, #tpu.memory_space<vmem>>, vector<16xf32>,
      tpu.vector_store %arg22[%swap3A_236], %scan3A_204#4 {strides = array<i32>} : memref<2048xf32, #tpu.memory_space<vmem>>, vector<16xf32>,
      %mul3A_238 = arith.constant 128 : i32
      %mul3A_239 = arith.muli %rem3A_207, %mul3A_238 : i32
      %add3A_240 = arith.constant 80 : i32
      %add3A_241 = arith.addi %mul3A_239, %add3A_240 : i32
      %swap3A_242 = arith.index_cast %add3A_241 : i32 to index
      %swap3A_243 = tpu.vector_load %arg22[%swap3A_242] {strides = array<i32>} : memref<2048xf32, #tpu.memory_space<vmem>>, vector<16xf32>,
      tpu.vector_store %arg22[%swap3A_242], %scan3A_204#5 {strides = array<i32>} : memref<2048xf32, #tpu.memory_space<vmem>>, vector<16xf32>,
      %mul3A_244 = arith.constant 128 : i32
      %mul3A_245 = arith.muli %rem3A_207, %mul3A_244 : i32
      %add3A_246 = arith.constant 96 : i32
      %add3A_247 = arith.addi %mul3A_245, %add3A_246 : i32
      %swap3A_248 = arith.index_cast %add3A_247 : i32 to index
      %swap3A_249 = tpu.vector_load %arg22[%swap3A_248] {strides = array<i32>} : memref<2048xf32, #tpu.memory_space<vmem>>, vector<16xf32>,
      tpu.vector_store %arg22[%swap3A_248], %scan3A_204#6 {strides = array<i32>} : memref<2048xf32, #tpu.memory_space<vmem>>, vector<16xf32>,
      %mul3A_250 = arith.constant 128 : i32
      %mul3A_251 = arith.muli %rem3A_207, %mul3A_250 : i32
      %add3A_252 = arith.constant 112 : i32
      %add3A_253 = arith.addi %mul3A_251, %add3A_252 : i32
      %swap3A_254 = arith.index_cast %add3A_253 : i32 to index
      %swap3A_255 = tpu.vector_load %arg22[%swap3A_254] {strides = array<i32>} : memref<2048xf32, #tpu.memory_space<vmem>>, vector<16xf32>,
      tpu.vector_store %arg22[%swap3A_254], %scan3A_204#7 {strides = array<i32>} : memref<2048xf32, #tpu.memory_space<vmem>>, vector<16xf32>,
      %rem3A_256 = arith.constant 16 : i32
      %rem3A_257 = arith.remsi %add3A_68, %rem3A_256 : i32
      %eq3A = arith.constant 15 : i32
      %eq3A_258 = arith.cmpi eq, %rem3A_257, %eq3A : i32
      %convert_element_type3A_259 = arith.extui %eq3A_258 : i1 to i32
      %cond3A_260 = arith.constant 0 : i32
      %cond3A_261 = arith.cmpi ne, %convert_element_type3A_259, %cond3A_260 : i32
      scf.if %cond3A_261 {
        %add3A_263 = arith.addi %mul3A_2, %add3A_68 : i32
        %sub3A = arith.constant 15 : i32
        %sub3A_264 = arith.subi %add3A_263, %sub3A : i32
        %mul3A_265 = arith.constant 128 : i32
        %mul3A_266 = arith.muli %sub3A_264, %mul3A_265 : i32
        "tpu.region"() ({
          %run_scoped3A_267 = tpu.sem_alloc : memref<!tpu.dma_semaphore, #tpu.memory_space<semaphore_mem>>
          %dma_start3A_268 = tpu.memref_slice %arg16[%mul3A_266] : memref<524288xf32, #tpu.memory_space<hbm>> -> memref<2048xf32, #tpu.memory_space<hbm>>
          %dma_start3A_269 = tpu.memref_slice %arg16[%mul3A_266] : memref<524288xf32, #tpu.memory_space<hbm>> -> memref<2048xf32, #tpu.memory_space<hbm>>
          tpu.enqueue_dma source(%arg22 : memref<2048xf32, #tpu.memory_space<vmem>>) target(%dma_start3A_269 : memref<2048xf32, #tpu.memory_space<hbm>>) target_semaphore(%run_scoped3A_267 : memref<!tpu.dma_semaphore, #tpu.memory_space<semaphore_mem>>)
          %dma_wait3A_270 = tpu.memref_slice %arg16[%mul3A_266] : memref<524288xf32, #tpu.memory_space<hbm>> -> memref<2048xf32, #tpu.memory_space<hbm>>
          %dma_wait3A_271 = tpu.memref_slice %arg16[%mul3A_266] : memref<524288xf32, #tpu.memory_space<hbm>> -> memref<2048xf32, #tpu.memory_space<hbm>>
          tpu.wait_dma2 semaphore(%run_scoped3A_267 : memref<!tpu.dma_semaphore, #tpu.memory_space<semaphore_mem>>) src(%arg22 : memref<2048xf32, #tpu.memory_space<vmem>>) dst(%dma_wait3A_271 : memref<2048xf32, #tpu.memory_space<hbm>>)
          tpu.yield
        }) : () -> ()
      } else {
      }
      %scan3A_262 = arith.constant 0 : i32
      scf.yield %scan3A_262 : i32
    }
    %scan3A_60 = arith.constant 64 : i32
    return
  }
}

module attributes {stable_mosaic.version = 14 : i64} {
  func.func @_proj_body(%arg0: i32, %arg1: memref<2048x64xf32, #tpu.memory_space<vmem>>, %arg2: memref<64x128xf32, #tpu.memory_space<vmem>>, %arg3: memref<8x64xf32, #tpu.memory_space<vmem>>, %arg4: memref<64x128xf32, #tpu.memory_space<vmem>>, %arg5: memref<1x128xf32, #tpu.memory_space<vmem>>, %arg6: memref<2048x64xi32, #tpu.memory_space<vmem>>, %arg7: memref<8x64xi32, #tpu.memory_space<vmem>>) attributes {dimension_semantics = [#tpu.dimension_semantics<arbitrary>], iteration_bounds = array<i64: 49>, scalar_prefetch = 0 : i64, scratch_operands = 0 : i64, tpu.core_type = #tpu.core_type<tc>, window_params = [{transform_indices = @transform_0, window_bounds = array<i64: 2048, 64>}, {pipeline_mode = #tpu.pipeline_mode<synchronous>, transform_indices = @transform_1, window_bounds = array<i64: 64, 128>}, {pipeline_mode = #tpu.pipeline_mode<synchronous>, transform_indices = @transform_2, window_bounds = array<i64: 8, 64>}, {pipeline_mode = #tpu.pipeline_mode<synchronous>, transform_indices = @transform_3, window_bounds = array<i64: 64, 128>}, {pipeline_mode = #tpu.pipeline_mode<synchronous>, transform_indices = @transform_4, window_bounds = array<i64: 1, 128>}, {transform_indices = @transform_5, window_bounds = array<i64: 2048, 64>}, {pipeline_mode = #tpu.pipeline_mode<synchronous>, transform_indices = @transform_6, window_bounds = array<i64: 8, 64>}]} {
    %get3A = arith.constant 0 : index
    %get3A_0 = arith.constant 0 : index
    %get3A_1 = vector.load %arg1[%get3A, %get3A_0] : memref<2048x64xf32, #tpu.memory_space<vmem>>, vector<2048x64xf32>
    %get3A_2 = arith.constant 0 : index
    %get3A_3 = arith.constant 0 : index
    %get3A_4 = vector.load %arg2[%get3A_2, %get3A_3] : memref<64x128xf32, #tpu.memory_space<vmem>>, vector<64x128xf32>
    %dot_general3A = arith.constant dense<0.000000e+00> : vector<2048x128xf32>
    %dot_general3A_5 = tpu.matmul %get3A_1, %get3A_4, %dot_general3A {dimension_numbers = #tpu.dot_dimension_numbers<[1], [0], [0], [1], [0, 0, 1, 1], [], []>, transpose_lhs_hint = false} : vector<2048x64xf32>, vector<64x128xf32>, vector<2048x128xf32> -> vector<2048x128xf32>
    %mul3A = arith.constant 5.000000e-03 : f32
    %mul3A_6 = vector.broadcast %mul3A : f32 to vector<2048x128xf32>
    %mul3A_7 = arith.mulf %dot_general3A_5, %mul3A_6 : vector<2048x128xf32>
    %slice3A = vector.extract_strided_slice %mul3A_7 {offsets = [0, 0], sizes = [2048, 64], strides = [1, 1]} : vector<2048x128xf32> to vector<2048x64xf32>
    %convert_element_type3A = arith.truncf %slice3A : vector<2048x64xf32> to vector<2048x64xbf16>
    %bitcast_convert_type3A = tpu.bitcast %convert_element_type3A : vector<2048x64xbf16> -> vector<2048x64xi16>
    %convert_element_type3A_8 = arith.extui %bitcast_convert_type3A : vector<2048x64xi16> to vector<2048x64xi32>
    %slice3A_9 = vector.extract_strided_slice %mul3A_7 {offsets = [0, 64], sizes = [2048, 64], strides = [1, 1]} : vector<2048x128xf32> to vector<2048x64xf32>
    %convert_element_type3A_10 = arith.truncf %slice3A_9 : vector<2048x64xf32> to vector<2048x64xbf16>
    %bitcast_convert_type3A_11 = tpu.bitcast %convert_element_type3A_10 : vector<2048x64xbf16> -> vector<2048x64xi16>
    %convert_element_type3A_12 = arith.extui %bitcast_convert_type3A_11 : vector<2048x64xi16> to vector<2048x64xi32>
    %shift_left3A = arith.constant 16 : i32
    %shift_left3A_13 = vector.broadcast %shift_left3A : i32 to vector<2048x64xi32>
    %shift_left3A_14 = arith.shli %convert_element_type3A_12, %shift_left3A_13 : vector<2048x64xi32>
    %or3A = arith.ori %convert_element_type3A_8, %shift_left3A_14 : vector<2048x64xi32>
    %bitcast_convert_type3A_15 = tpu.bitcast %or3A : vector<2048x64xi32> -> vector<2048x64xi32>
    %swap3A = arith.constant 0 : index
    %swap3A_16 = arith.constant 0 : index
    %swap3A_17 = vector.load %arg6[%swap3A, %swap3A_16] : memref<2048x64xi32, #tpu.memory_space<vmem>>, vector<2048x64xi32>
    tpu.vector_store %arg6[%swap3A, %swap3A_16], %bitcast_convert_type3A_15 {strides = array<i32>} : memref<2048x64xi32, #tpu.memory_space<vmem>>, vector<2048x64xi32>,
    %eq3A = arith.constant 0 : i32
    %eq3A_18 = arith.cmpi eq, %arg0, %eq3A : i32
    %convert_element_type3A_19 = arith.extui %eq3A_18 : i1 to i32
    %cond3A = arith.constant 0 : i32
    %cond3A_20 = arith.cmpi ne, %convert_element_type3A_19, %cond3A : i32
    scf.if %cond3A_20 {
      %get3A_21 = arith.constant 0 : index
      %get3A_22 = arith.constant 0 : index
      %get3A_23 = vector.load %arg3[%get3A_21, %get3A_22] : memref<8x64xf32, #tpu.memory_space<vmem>>, vector<8x64xf32>
      %get3A_24 = arith.constant 0 : index
      %get3A_25 = arith.constant 0 : index
      %get3A_26 = vector.load %arg4[%get3A_24, %get3A_25] : memref<64x128xf32, #tpu.memory_space<vmem>>, vector<64x128xf32>
      %dot_general3A_27 = arith.constant dense<0.000000e+00> : vector<8x128xf32>
      %dot_general3A_28 = tpu.matmul %get3A_23, %get3A_26, %dot_general3A_27 {dimension_numbers = #tpu.dot_dimension_numbers<[1], [0], [0], [1], [0, 0, 1, 1], [], []>, transpose_lhs_hint = false} : vector<8x64xf32>, vector<64x128xf32>, vector<8x128xf32> -> vector<8x128xf32>
      %get3A_29 = arith.constant 0 : index
      %get3A_30 = arith.constant 0 : index
      %get3A_31 = vector.load %arg5[%get3A_29, %get3A_30] : memref<1x128xf32, #tpu.memory_space<vmem>>, vector<1x128xf32>
      %add3A = vector.broadcast %get3A_31 : vector<1x128xf32> to vector<8x128xf32>
      %add3A_32 = arith.addf %dot_general3A_28, %add3A : vector<8x128xf32>
      %mul3A_33 = arith.constant 5.000000e-03 : f32
      %mul3A_34 = vector.broadcast %mul3A_33 : f32 to vector<8x128xf32>
      %mul3A_35 = arith.mulf %add3A_32, %mul3A_34 : vector<8x128xf32>
      %slice3A_36 = vector.extract_strided_slice %mul3A_35 {offsets = [0, 0], sizes = [8, 64], strides = [1, 1]} : vector<8x128xf32> to vector<8x64xf32>
      %convert_element_type3A_37 = arith.truncf %slice3A_36 : vector<8x64xf32> to vector<8x64xbf16>
      %bitcast_convert_type3A_38 = tpu.bitcast %convert_element_type3A_37 : vector<8x64xbf16> -> vector<8x64xi16>
      %convert_element_type3A_39 = arith.extui %bitcast_convert_type3A_38 : vector<8x64xi16> to vector<8x64xi32>
      %slice3A_40 = vector.extract_strided_slice %mul3A_35 {offsets = [0, 64], sizes = [8, 64], strides = [1, 1]} : vector<8x128xf32> to vector<8x64xf32>
      %convert_element_type3A_41 = arith.truncf %slice3A_40 : vector<8x64xf32> to vector<8x64xbf16>
      %bitcast_convert_type3A_42 = tpu.bitcast %convert_element_type3A_41 : vector<8x64xbf16> -> vector<8x64xi16>
      %convert_element_type3A_43 = arith.extui %bitcast_convert_type3A_42 : vector<8x64xi16> to vector<8x64xi32>
      %shift_left3A_44 = arith.constant 16 : i32
      %shift_left3A_45 = vector.broadcast %shift_left3A_44 : i32 to vector<8x64xi32>
      %shift_left3A_46 = arith.shli %convert_element_type3A_43, %shift_left3A_45 : vector<8x64xi32>
      %or3A_47 = arith.ori %convert_element_type3A_39, %shift_left3A_46 : vector<8x64xi32>
      %bitcast_convert_type3A_48 = tpu.bitcast %or3A_47 : vector<8x64xi32> -> vector<8x64xi32>
      %swap3A_49 = arith.constant 0 : index
      %swap3A_50 = arith.constant 0 : index
      %swap3A_51 = vector.load %arg7[%swap3A_49, %swap3A_50] : memref<8x64xi32, #tpu.memory_space<vmem>>, vector<8x64xi32>
      tpu.vector_store %arg7[%swap3A_49, %swap3A_50], %bitcast_convert_type3A_48 {strides = array<i32>} : memref<8x64xi32, #tpu.memory_space<vmem>>, vector<8x64xi32>,
    } else {
    }
    return
  }
  func.func @transform_0(%arg0: i32) -> (i32, i32) {
    %c0_i32 = arith.constant 0 : i32
    %c0_i32_0 = arith.constant 0 : i32
    return %arg0, %c0_i32 : i32, i32
  }
  func.func @transform_1(%arg0: i32) -> (i32, i32) {
    %c0_i32 = arith.constant 0 : i32
    %c0_i32_0 = arith.constant 0 : i32
    %c0_i32_1 = arith.constant 0 : i32
    return %c0_i32, %c0_i32_0 : i32, i32
  }
  func.func @transform_2(%arg0: i32) -> (i32, i32) {
    %c0_i32 = arith.constant 0 : i32
    %c0_i32_0 = arith.constant 0 : i32
    %c0_i32_1 = arith.constant 0 : i32
    return %c0_i32, %c0_i32_0 : i32, i32
  }
  func.func @transform_3(%arg0: i32) -> (i32, i32) {
    %c0_i32 = arith.constant 0 : i32
    %c0_i32_0 = arith.constant 0 : i32
    %c0_i32_1 = arith.constant 0 : i32
    return %c0_i32, %c0_i32_0 : i32, i32
  }
  func.func @transform_4(%arg0: i32) -> (i32, i32) {
    %c0_i32 = arith.constant 0 : i32
    %c0_i32_0 = arith.constant 0 : i32
    %c0_i32_1 = arith.constant 0 : i32
    return %c0_i32, %c0_i32_0 : i32, i32
  }
  func.func @transform_5(%arg0: i32) -> (i32, i32) {
    %c0_i32 = arith.constant 0 : i32
    %c0_i32_0 = arith.constant 0 : i32
    return %arg0, %c0_i32 : i32, i32
  }
  func.func @transform_6(%arg0: i32) -> (i32, i32) {
    %c0_i32 = arith.constant 0 : i32
    %c0_i32_0 = arith.constant 0 : i32
    %c0_i32_1 = arith.constant 0 : i32
    return %c0_i32, %c0_i32_0 : i32, i32
  }
}

module attributes {stable_mosaic.version = 14 : i64} {
  func.func @_head_body(%arg0: i32, %arg1: memref<512x128xf32, #tpu.memory_space<vmem>>, %arg2: memref<512x128xf32, #tpu.memory_space<vmem>>, %arg3: memref<5x512x16xf32, #tpu.memory_space<vmem>>, %arg4: memref<512xi32, #tpu.memory_space<vmem>>, %arg5: memref<128x128xf32, #tpu.memory_space<vmem>>, %arg6: memref<128x128xf32, #tpu.memory_space<vmem>>, %arg7: memref<5x16x128xf32, #tpu.memory_space<vmem>>, %arg8: memref<1x128xf32, #tpu.memory_space<vmem>>, %arg9: memref<1x128xf32, #tpu.memory_space<vmem>>, %arg10: memref<1x1xf32, #tpu.memory_space<vmem>>, %arg11: memref<1x1xf32, #tpu.memory_space<vmem>>) attributes {dimension_semantics = [#tpu.dimension_semantics<arbitrary>], iteration_bounds = array<i64: 8>, scalar_prefetch = 0 : i64, scratch_operands = 0 : i64, tpu.core_type = #tpu.core_type<tc>, window_params = [{transform_indices = @transform_0, window_bounds = array<i64: 512, 128>}, {transform_indices = @transform_1, window_bounds = array<i64: 512, 128>}, {transform_indices = @transform_2, window_bounds = array<i64: 5, 512, 16>}, {transform_indices = @transform_3, window_bounds = array<i64: 512>}, {pipeline_mode = #tpu.pipeline_mode<synchronous>, transform_indices = @transform_4, window_bounds = array<i64: 128, 128>}, {pipeline_mode = #tpu.pipeline_mode<synchronous>, transform_indices = @transform_5, window_bounds = array<i64: 128, 128>}, {pipeline_mode = #tpu.pipeline_mode<synchronous>, transform_indices = @transform_6, window_bounds = array<i64: 5, 16, 128>}, {pipeline_mode = #tpu.pipeline_mode<synchronous>, transform_indices = @transform_7, window_bounds = array<i64: 1, 128>}, {pipeline_mode = #tpu.pipeline_mode<synchronous>, transform_indices = @transform_8, window_bounds = array<i64: 1, 128>}, {pipeline_mode = #tpu.pipeline_mode<synchronous>, transform_indices = @transform_9, window_bounds = array<i64: 1, 1>}, {pipeline_mode = #tpu.pipeline_mode<synchronous>, transform_indices = @transform_10, window_bounds = array<i64: 1, 1>}]} {
    %get3A = arith.constant 0 : index
    %get3A_0 = arith.constant 0 : index
    %get3A_1 = vector.load %arg1[%get3A, %get3A_0] : memref<512x128xf32, #tpu.memory_space<vmem>>, vector<512x128xf32>
    %get3A_2 = arith.constant 0 : index
    %get3A_3 = arith.constant 0 : index
    %get3A_4 = vector.load %arg5[%get3A_2, %get3A_3] : memref<128x128xf32, #tpu.memory_space<vmem>>, vector<128x128xf32>
    %dot_general3A = arith.constant dense<0.000000e+00> : vector<512x128xf32>
    %dot_general3A_5 = tpu.matmul %get3A_1, %get3A_4, %dot_general3A {dimension_numbers = #tpu.dot_dimension_numbers<[1], [0], [0], [1], [0, 0, 1, 1], [], []>, transpose_lhs_hint = false} : vector<512x128xf32>, vector<128x128xf32>, vector<512x128xf32> -> vector<512x128xf32>
    %get3A_6 = arith.constant 0 : index
    %get3A_7 = arith.constant 0 : index
    %get3A_8 = vector.load %arg2[%get3A_6, %get3A_7] : memref<512x128xf32, #tpu.memory_space<vmem>>, vector<512x128xf32>
    %get3A_9 = arith.constant 0 : index
    %get3A_10 = arith.constant 0 : index
    %get3A_11 = vector.load %arg6[%get3A_9, %get3A_10] : memref<128x128xf32, #tpu.memory_space<vmem>>, vector<128x128xf32>
    %dot_general3A_12 = arith.constant dense<0.000000e+00> : vector<512x128xf32>
    %dot_general3A_13 = tpu.matmul %get3A_8, %get3A_11, %dot_general3A_12 {dimension_numbers = #tpu.dot_dimension_numbers<[1], [0], [0], [1], [0, 0, 1, 1], [], []>, transpose_lhs_hint = false} : vector<512x128xf32>, vector<128x128xf32>, vector<512x128xf32> -> vector<512x128xf32>
    %add3A = arith.addf %dot_general3A_5, %dot_general3A_13 : vector<512x128xf32>
    %get3A_14 = arith.constant 0 : index
    %get3A_15 = arith.constant 0 : index
    %get3A_16 = arith.constant 0 : index
    %get3A_17 = vector.load %arg3[%get3A_14, %get3A_15, %get3A_16] : memref<5x512x16xf32, #tpu.memory_space<vmem>>, vector<1x512x16xf32>
    %get3A_18 = vector.shape_cast %get3A_17 : vector<1x512x16xf32> to vector<512x16xf32>
    %get3A_19 = arith.constant 0 : index
    %get3A_20 = arith.constant 0 : index
    %get3A_21 = arith.constant 0 : index
    %get3A_22 = vector.load %arg7[%get3A_19, %get3A_20, %get3A_21] : memref<5x16x128xf32, #tpu.memory_space<vmem>>, vector<1x16x128xf32>
    %get3A_23 = vector.shape_cast %get3A_22 : vector<1x16x128xf32> to vector<16x128xf32>
    %dot_general3A_24 = arith.constant dense<0.000000e+00> : vector<512x128xf32>
    %dot_general3A_25 = tpu.matmul %get3A_18, %get3A_23, %dot_general3A_24 {dimension_numbers = #tpu.dot_dimension_numbers<[1], [0], [0], [1], [0, 0, 1, 1], [], []>, transpose_lhs_hint = false} : vector<512x16xf32>, vector<16x128xf32>, vector<512x128xf32> -> vector<512x128xf32>
    %add3A_26 = arith.addf %add3A, %dot_general3A_25 : vector<512x128xf32>
    %get3A_27 = arith.constant 1 : index
    %get3A_28 = arith.constant 0 : index
    %get3A_29 = arith.constant 0 : index
    %get3A_30 = vector.load %arg3[%get3A_27, %get3A_28, %get3A_29] : memref<5x512x16xf32, #tpu.memory_space<vmem>>, vector<1x512x16xf32>
    %get3A_31 = vector.shape_cast %get3A_30 : vector<1x512x16xf32> to vector<512x16xf32>
    %get3A_32 = arith.constant 1 : index
    %get3A_33 = arith.constant 0 : index
    %get3A_34 = arith.constant 0 : index
    %get3A_35 = vector.load %arg7[%get3A_32, %get3A_33, %get3A_34] : memref<5x16x128xf32, #tpu.memory_space<vmem>>, vector<1x16x128xf32>
    %get3A_36 = vector.shape_cast %get3A_35 : vector<1x16x128xf32> to vector<16x128xf32>
    %dot_general3A_37 = arith.constant dense<0.000000e+00> : vector<512x128xf32>
    %dot_general3A_38 = tpu.matmul %get3A_31, %get3A_36, %dot_general3A_37 {dimension_numbers = #tpu.dot_dimension_numbers<[1], [0], [0], [1], [0, 0, 1, 1], [], []>, transpose_lhs_hint = false} : vector<512x16xf32>, vector<16x128xf32>, vector<512x128xf32> -> vector<512x128xf32>
    %add3A_39 = arith.addf %add3A_26, %dot_general3A_38 : vector<512x128xf32>
    %get3A_40 = arith.constant 2 : index
    %get3A_41 = arith.constant 0 : index
    %get3A_42 = arith.constant 0 : index
    %get3A_43 = vector.load %arg3[%get3A_40, %get3A_41, %get3A_42] : memref<5x512x16xf32, #tpu.memory_space<vmem>>, vector<1x512x16xf32>
    %get3A_44 = vector.shape_cast %get3A_43 : vector<1x512x16xf32> to vector<512x16xf32>
    %get3A_45 = arith.constant 2 : index
    %get3A_46 = arith.constant 0 : index
    %get3A_47 = arith.constant 0 : index
    %get3A_48 = vector.load %arg7[%get3A_45, %get3A_46, %get3A_47] : memref<5x16x128xf32, #tpu.memory_space<vmem>>, vector<1x16x128xf32>
    %get3A_49 = vector.shape_cast %get3A_48 : vector<1x16x128xf32> to vector<16x128xf32>
    %dot_general3A_50 = arith.constant dense<0.000000e+00> : vector<512x128xf32>
    %dot_general3A_51 = tpu.matmul %get3A_44, %get3A_49, %dot_general3A_50 {dimension_numbers = #tpu.dot_dimension_numbers<[1], [0], [0], [1], [0, 0, 1, 1], [], []>, transpose_lhs_hint = false} : vector<512x16xf32>, vector<16x128xf32>, vector<512x128xf32> -> vector<512x128xf32>
    %add3A_52 = arith.addf %add3A_39, %dot_general3A_51 : vector<512x128xf32>
    %get3A_53 = arith.constant 3 : index
    %get3A_54 = arith.constant 0 : index
    %get3A_55 = arith.constant 0 : index
    %get3A_56 = vector.load %arg3[%get3A_53, %get3A_54, %get3A_55] : memref<5x512x16xf32, #tpu.memory_space<vmem>>, vector<1x512x16xf32>
    %get3A_57 = vector.shape_cast %get3A_56 : vector<1x512x16xf32> to vector<512x16xf32>
    %get3A_58 = arith.constant 3 : index
    %get3A_59 = arith.constant 0 : index
    %get3A_60 = arith.constant 0 : index
    %get3A_61 = vector.load %arg7[%get3A_58, %get3A_59, %get3A_60] : memref<5x16x128xf32, #tpu.memory_space<vmem>>, vector<1x16x128xf32>
    %get3A_62 = vector.shape_cast %get3A_61 : vector<1x16x128xf32> to vector<16x128xf32>
    %dot_general3A_63 = arith.constant dense<0.000000e+00> : vector<512x128xf32>
    %dot_general3A_64 = tpu.matmul %get3A_57, %get3A_62, %dot_general3A_63 {dimension_numbers = #tpu.dot_dimension_numbers<[1], [0], [0], [1], [0, 0, 1, 1], [], []>, transpose_lhs_hint = false} : vector<512x16xf32>, vector<16x128xf32>, vector<512x128xf32> -> vector<512x128xf32>
    %add3A_65 = arith.addf %add3A_52, %dot_general3A_64 : vector<512x128xf32>
    %get3A_66 = arith.constant 4 : index
    %get3A_67 = arith.constant 0 : index
    %get3A_68 = arith.constant 0 : index
    %get3A_69 = vector.load %arg3[%get3A_66, %get3A_67, %get3A_68] : memref<5x512x16xf32, #tpu.memory_space<vmem>>, vector<1x512x16xf32>
    %get3A_70 = vector.shape_cast %get3A_69 : vector<1x512x16xf32> to vector<512x16xf32>
    %get3A_71 = arith.constant 4 : index
    %get3A_72 = arith.constant 0 : index
    %get3A_73 = arith.constant 0 : index
    %get3A_74 = vector.load %arg7[%get3A_71, %get3A_72, %get3A_73] : memref<5x16x128xf32, #tpu.memory_space<vmem>>, vector<1x16x128xf32>
    %get3A_75 = vector.shape_cast %get3A_74 : vector<1x16x128xf32> to vector<16x128xf32>
    %dot_general3A_76 = arith.constant dense<0.000000e+00> : vector<512x128xf32>
    %dot_general3A_77 = tpu.matmul %get3A_70, %get3A_75, %dot_general3A_76 {dimension_numbers = #tpu.dot_dimension_numbers<[1], [0], [0], [1], [0, 0, 1, 1], [], []>, transpose_lhs_hint = false} : vector<512x16xf32>, vector<16x128xf32>, vector<512x128xf32> -> vector<512x128xf32>
    %add3A_78 = arith.addf %add3A_65, %dot_general3A_77 : vector<512x128xf32>
    %get3A_79 = arith.constant 0 : index
    %get3A_80 = arith.constant 0 : index
    %get3A_81 = vector.load %arg8[%get3A_79, %get3A_80] : memref<1x128xf32, #tpu.memory_space<vmem>>, vector<1x128xf32>
    %add3A_82 = vector.broadcast %get3A_81 : vector<1x128xf32> to vector<512x128xf32>
    %add3A_83 = arith.addf %add3A_78, %add3A_82 : vector<512x128xf32>
    %max3A = arith.constant 0.000000e+00 : f32
    %max3A_84 = vector.broadcast %max3A : f32 to vector<512x128xf32>
    %max3A_85 = arith.maximumf %add3A_83, %max3A_84 : vector<512x128xf32>
    %get3A_86 = arith.constant 0 : index
    %get3A_87 = arith.constant 0 : index
    %get3A_88 = vector.load %arg9[%get3A_86, %get3A_87] : memref<1x128xf32, #tpu.memory_space<vmem>>, vector<1x128xf32>
    %mul3A = vector.broadcast %get3A_88 : vector<1x128xf32> to vector<512x128xf32>
    %mul3A_89 = arith.mulf %max3A_85, %mul3A : vector<512x128xf32>
    %reduce_sum3A = arith.constant dense<0.000000e+00> : vector<512xf32>
    %reduce_sum3A_90 = vector.multi_reduction <add>, %mul3A_89, %reduce_sum3A [1] : vector<512x128xf32> to vector<512xf32>
    %get3A_91 = arith.constant 0 : index
    %get3A_92 = arith.constant 0 : index
    %get3A_93 = vector.load %arg10[%get3A_91, %get3A_92] : memref<1x1xf32, #tpu.memory_space<vmem>>, vector<1x1xf32>
    %get3A_94 = vector.extract %get3A_93[0, 0] : f32 from vector<1x1xf32>
    %add3A_95 = vector.broadcast %get3A_94 : f32 to vector<512xf32>
    %add3A_96 = arith.addf %reduce_sum3A_90, %add3A_95 : vector<512xf32>
    %get3A_97 = arith.constant 0 : index
    %get3A_98 = vector.load %arg4[%get3A_97] : memref<512xi32, #tpu.memory_space<vmem>>, vector<512xi32>
    %convert_element_type3A = arith.sitofp %get3A_98 : vector<512xi32> to vector<512xf32>
    %max3A_99 = arith.constant 0.000000e+00 : f32
    %max3A_100 = vector.broadcast %max3A_99 : f32 to vector<512xf32>
    %max3A_101 = arith.maximumf %add3A_96, %max3A_100 : vector<512xf32>
    %mul3A_102 = arith.mulf %add3A_96, %convert_element_type3A : vector<512xf32>
    %sub3A = arith.subf %max3A_101, %mul3A_102 : vector<512xf32>
    %abs3A = math.absf %add3A_96 : vector<512xf32>
    %neg3A = arith.constant 0.000000e+00 : f32
    %neg3A_103 = vector.broadcast %neg3A : f32 to vector<512xf32>
    %neg3A_104 = arith.subf %neg3A_103, %abs3A : vector<512xf32>
    %exp3A = math.exp %neg3A_104 : vector<512xf32>
    %log1p3A = math.log1p %exp3A : vector<512xf32>
    %add3A_105 = arith.addf %sub3A, %log1p3A : vector<512xf32>
    %reduce_sum3A_106 = vector.shape_cast %add3A_105 : vector<512xf32> to vector<1x512xf32>
    %reduce_sum3A_107 = arith.constant dense<0.000000e+00> : vector<1xf32>
    %reduce_sum3A_108 = vector.multi_reduction <add>, %reduce_sum3A_106, %reduce_sum3A_107 [1] : vector<1x512xf32> to vector<1xf32>
    %reduce_sum3A_109 = vector.shape_cast %reduce_sum3A_108 : vector<1xf32> to vector<1x1xf32>
    %reduce_sum3A_110 = vector.extract %reduce_sum3A_109[0, 0] : f32 from vector<1x1xf32>
    %reshape3A = vector.broadcast %reduce_sum3A_110 : f32 to vector<1x1xf32>
    %mul3A_111 = arith.constant 2.44140625E-4 : f32
    %mul3A_112 = vector.broadcast %mul3A_111 : f32 to vector<1x1xf32>
    %mul3A_113 = arith.mulf %reshape3A, %mul3A_112 : vector<1x1xf32>
    %eq3A = arith.constant 0 : i32
    %eq3A_114 = arith.cmpi eq, %arg0, %eq3A : i32
    %broadcast_in_dim3A = arith.constant 0.000000e+00 : f32
    %broadcast_in_dim3A_115 = vector.broadcast %broadcast_in_dim3A : f32 to vector<1x1xf32>
    %get3A_116 = arith.constant 0 : index
    %get3A_117 = arith.constant 0 : index
    %get3A_118 = vector.load %arg11[%get3A_116, %get3A_117] : memref<1x1xf32, #tpu.memory_space<vmem>>, vector<1x1xf32>
    %select_n3A = arith.select %eq3A_114, %broadcast_in_dim3A_115, %get3A_118 : vector<1x1xf32>
    %add3A_119 = arith.addf %select_n3A, %mul3A_113 : vector<1x1xf32>
    %swap3A = arith.constant 0 : index
    %swap3A_120 = arith.constant 0 : index
    %swap3A_121 = vector.load %arg11[%swap3A, %swap3A_120] : memref<1x1xf32, #tpu.memory_space<vmem>>, vector<1x1xf32>
    tpu.vector_store %arg11[%swap3A, %swap3A_120], %add3A_119 {strides = array<i32>} : memref<1x1xf32, #tpu.memory_space<vmem>>, vector<1x1xf32>,
    return
  }
  func.func @transform_0(%arg0: i32) -> (i32, i32) {
    %c0_i32 = arith.constant 0 : i32
    %c0_i32_0 = arith.constant 0 : i32
    return %arg0, %c0_i32 : i32, i32
  }
  func.func @transform_1(%arg0: i32) -> (i32, i32) {
    %c0_i32 = arith.constant 0 : i32
    %c0_i32_0 = arith.constant 0 : i32
    return %arg0, %c0_i32 : i32, i32
  }
  func.func @transform_2(%arg0: i32) -> (i32, i32, i32) {
    %c0_i32 = arith.constant 0 : i32
    %c0_i32_0 = arith.constant 0 : i32
    %c0_i32_1 = arith.constant 0 : i32
    return %c0_i32, %arg0, %c0_i32_0 : i32, i32, i32
  }
  func.func @transform_3(%arg0: i32) -> i32 {
    %c0_i32 = arith.constant 0 : i32
    return %arg0 : i32
  }
  func.func @transform_4(%arg0: i32) -> (i32, i32) {
    %c0_i32 = arith.constant 0 : i32
    %c0_i32_0 = arith.constant 0 : i32
    %c0_i32_1 = arith.constant 0 : i32
    return %c0_i32, %c0_i32_0 : i32, i32
  }
  func.func @transform_5(%arg0: i32) -> (i32, i32) {
    %c0_i32 = arith.constant 0 : i32
    %c0_i32_0 = arith.constant 0 : i32
    %c0_i32_1 = arith.constant 0 : i32
    return %c0_i32, %c0_i32_0 : i32, i32
  }
  func.func @transform_6(%arg0: i32) -> (i32, i32, i32) {
    %c0_i32 = arith.constant 0 : i32
    %c0_i32_0 = arith.constant 0 : i32
    %c0_i32_1 = arith.constant 0 : i32
    %c0_i32_2 = arith.constant 0 : i32
    return %c0_i32, %c0_i32_0, %c0_i32_1 : i32, i32, i32
  }
  func.func @transform_7(%arg0: i32) -> (i32, i32) {
    %c0_i32 = arith.constant 0 : i32
    %c0_i32_0 = arith.constant 0 : i32
    %c0_i32_1 = arith.constant 0 : i32
    return %c0_i32, %c0_i32_0 : i32, i32
  }
  func.func @transform_8(%arg0: i32) -> (i32, i32) {
    %c0_i32 = arith.constant 0 : i32
    %c0_i32_0 = arith.constant 0 : i32
    %c0_i32_1 = arith.constant 0 : i32
    return %c0_i32, %c0_i32_0 : i32, i32
  }
  func.func @transform_9(%arg0: i32) -> (i32, i32) {
    %c0_i32 = arith.constant 0 : i32
    %c0_i32_0 = arith.constant 0 : i32
    %c0_i32_1 = arith.constant 0 : i32
    return %c0_i32, %c0_i32_0 : i32, i32
  }
  func.func @transform_10(%arg0: i32) -> (i32, i32) {
    %c0_i32 = arith.constant 0 : i32
    %c0_i32_0 = arith.constant 0 : i32
    %c0_i32_1 = arith.constant 0 : i32
    return %c0_i32, %c0_i32_0 : i32, i32
  }
}

</mosaic_0001>

<sc_bundles>
// kernel: kernel.10.cloned.1.call-start
scs
__scs_entry_jumppad:
0x0: {  	(pc) =	sbr.rel $0x88, $3  }
0x1: {  	(tag) =	ssettag $0x0;
	lr =	simm.s32 $0x1  }
0x2: {  	[smem:$0x3F86] =	sst lr;
	_ =	strace $0xD0000000  }
0x3: {  	_ = 	snop  }
0x4: {  	_ = 	snop  }
0x5: {  	_ = 	snop  }
0x6: {  	_ = 	snop  }
0x7: {  	_ = 	snop  }
__scs_overlays_trampoline_lowered:
0x8: {  	[smem:$0x3F95] =	sst s0  }
0x9: {  	[smem:$0x3F96] =	sst s1  }
0xa: {  	[smem:$0x3F97] =	sst s2  }
0xb: {  	[smem:$0x3F98] =	sst s3  }
0xc: {  	[smem:$0x3F99] =	sst s4  }
0xd: {  	[smem:$0x3F9A] =	sst s5  }
0xe: {  	[smem:$0x3F9B] =	sst s6  }
0xf: {  	[smem:$0x3F9C] =	sst s7  }
0x10: {  	[smem:$0x3F9D] =	sst s8  }
0x11: {  	[smem:$0x3F9E] =	sst s9;
	s0 =	simm.s32 @!p0 $0x0  }
0x12: {  	s1 =	sld [smem:$0x3F84];
	s0 =	simm.s32 @p0 $0x1  }
0x13: {  	[smem:$0x3F9F] =	sst s0;
	s0 =	simm.s32 @!p1 $0x0  }
0x14: {  	s2 =	sld [smem:$0x3F83];
	s0 =	simm.s32 @p1 $0x1  }
0x15: {  	[smem:$0x3FA0] =	sst s0;
	s0 =	simm.s32 @!p2 $0x0  }
0x16: {  	s3 =	sld [smem:$0x3FDB];
	s0 =	simm.s32 @p2 $0x1  }
0x17: {  	s4 =	simm.s32 $0x1BF5;
	[smem:$0x3FA2] =	sst s0  }
0x18: {  	s0 =	sld [smem:$0x3F85];
	_ =	swait.ge [sflag:s4], $0x0  }
0x19: {  	s7 =	sld [smem:$0x3F86]  }
0x1a: {  	s8 =	sadd.s32 $0xFFFFE003, lr  }
0x1b: {  	s9 =	sadd.s32 $0xFFFFFEF7, lr;
	s5 =	simm.s32 $0xFFFFFFFF;
	p2 =	slt.u32 s8, $0xFFFFF086  }
0x1c: {  	p1 =	slt.u32 s9, $0xF7A;
	s5 =	simm.s32 @!p2 $0x0  }
0x1d: {  	s5 =	simm.s32 @p1 $0x1;
	p0 =	seq.s32 s7, s2  }
0x1e: {  	s7 =	smul.u32 @!p0 $0xF7A, s2;
	p2 =	seq.s32 @!p0 s5, $0x0  }
0x1f: {  	s9 =	smul.u32 $0xF7A, s1;
	s8 =	simm.s32 @!p0 $0x1BF5;
	p2 =	por !p2, p0  }
0x20: {  	[sflag:s8] =	ssyncset.s32 @!p0 $0xFFFFF086;
	s6 =	sadd.s32 @!p0 s3, s7;
	s7 =	simm.s32 @!p0 $0x108  }
0x21: {  	s3 =	sadd.s32 s3, s9;
	s6 =	sadd.s32 @!p0 $0x88, s6;
	s7 =	simm.s32 @p2 $0x1082  }
0x22: {  	[simem:s7], [sflag:s8] =	dma.local @!p0 [hbm:s6], $0xF7A  }
0x23: {  	s9 =	sor.u32 $0xD0000000, s2;
	s6 =	simm.s32 $0x108;
	_ =	swait.ge @!p0 [sflag:s8], $0x0  }
0x24: {  	s3 =	sadd.s32 $0x88, s3;
	s6 =	simm.s32 @!p1 $0x1082;
	[sflag:s4] =	ssyncset.s32 $0xFFFFF086  }
0x25: {  	[simem:s6], [sflag:s4] =	dma.local [hbm:s3], $0xF7A  }
0x26: {  	[smem:$0x3F86] =	sst s1;
	(tag) =	ssettag s2;
	_ =	strace s9  }
0x27: {  	s1 =	sld [smem:$0x3F96]  }
0x28: {  	s2 =	sld [smem:$0x3F97]  }
0x29: {  	s4 =	sld [smem:$0x3F99]  }
0x2a: {  	p0 =	seq.s32 s5, $0x0;
	s5 =	sld [smem:$0x3F9A]  }
0x2b: {  	s6 =	sld [smem:$0x3F9B]  }
0x2c: {  	s7 =	sld [smem:$0x3F9C]  }
0x2d: {  	s3 =	simm.s32 $0x108;
	s8 =	sld [smem:$0x3F9D]  }
0x2e: {  	s3 =	simm.s32 @!p0 $0x1082;
	s9 =	sld [smem:$0x3F9E]  }
0x2f: {  	lr =	sadd.s32 s0, s3;
	s0 =	sld [smem:$0x3F95]  }
0x30: {  	s3 =	sld [smem:$0x3F98]  }
0x31: {  	[smem:$0x3FA1] =	sst s10  }
0x32: {  	s10 =	sld [smem:$0x3F9F];
	_ =	sdelay $0x3  }
0x33: {  	p0 =	seq.s32 s10, $0x1;
	s10 =	sld [smem:$0x3FA1];
	_ =	sdelay $0x3  }
0x34: {  	[smem:$0x3FA1] =	sst s10  }
0x35: {  	s10 =	sld [smem:$0x3FA0];
	_ =	sdelay $0x3  }
0x36: {  	p1 =	seq.s32 s10, $0x1;
	s10 =	sld [smem:$0x3FA1];
	_ =	sdelay $0x3  }
0x37: {  	[smem:$0x3FA1] =	sst s10  }
0x38: {  	s10 =	sld [smem:$0x3FA2]  }
0x39: {  	_ = 	snop;
	(pc) =	sbr.ind lr, $3  }
0x3a: {  	_ = 	snop  }
0x3b: {  	_ = 	snop  }
0x3c: {  	p2 =	seq.s32 s10, $0x1;
	s10 =	sld [smem:$0x3FA1]  }
0x3d: {  	_ =	shalt  }
0x3e: {  	_ =	shalt  }
0x3f: {  	_ =	shalt  }
0x40: {  	_ =	shalt  }
0x41: {  	_ =	shalt  }
0x42: {  	_ =	shalt  }
0x43: {  	_ =	shalt  }
0x44: {  	_ =	shalt  }
0x45: {  	_ =	shalt  }
0x46: {  	_ =	shalt  }
0x47: {  	_ =	shalt  }
0x48: {  	_ =	shalt  }
0x49: {  	_ =	shalt  }
0x4a: {  	_ =	shalt  }
0x4b: {  	_ =	shalt  }
0x4c: {  	_ =	shalt  }
0x4d: {  	_ =	shalt  }
0x4e: {  	_ =	shalt  }
0x4f: {  	_ =	shalt  }
0x50: {  	_ =	shalt  }
0x51: {  	_ =	shalt  }
0x52: {  	_ =	shalt  }
0x53: {  	_ =	shalt  }
0x54: {  	_ =	shalt  }
0x55: {  	_ =	shalt  }
0x56: {  	_ =	shalt  }
0x57: {  	_ =	shalt  }
0x58: {  	_ =	shalt  }
0x59: {  	_ =	shalt  }
0x5a: {  	_ =	shalt  }
0x5b: {  	_ =	shalt  }
0x5c: {  	_ =	shalt  }
0x5d: {  	_ =	shalt  }
0x5e: {  	_ =	shalt  }
0x5f: {  	_ =	shalt  }
0x60: {  	_ =	shalt  }
0x61: {  	_ =	shalt  }
0x62: {  	_ =	shalt  }
0x63: {  	_ =	shalt  }
0x64: {  	_ =	shalt  }
0x65: {  	_ =	shalt  }
0x66: {  	_ =	shalt  }
0x67: {  	_ =	shalt  }
0x68: {  	_ =	shalt  }
0x69: {  	_ =	shalt  }
0x6a: {  	_ =	shalt  }
0x6b: {  	_ =	shalt  }
0x6c: {  	_ =	shalt  }
0x6d: {  	_ =	shalt  }
0x6e: {  	_ =	shalt  }
0x6f: {  	_ =	shalt  }
0x70: {  	_ =	shalt  }
0x71: {  	_ =	shalt  }
0x72: {  	_ =	shalt  }
0x73: {  	_ =	shalt  }
0x74: {  	_ =	shalt  }
0x75: {  	_ =	shalt  }
0x76: {  	_ =	shalt  }
0x77: {  	_ =	shalt  }
0x78: {  	_ =	shalt  }
0x79: {  	_ =	shalt  }
0x7a: {  	_ =	shalt  }
0x7b: {  	_ =	shalt  }
0x7c: {  	_ =	shalt  }
0x7d: {  	_ =	shalt  }
0x7e: {  	_ =	shalt  }
0x7f: {  	_ =	shalt  }
0x80: {  	_ =	shalt  }
0x81: {  	_ =	shalt  }
0x82: {  	_ =	shalt  }
0x83: {  	_ =	shalt  }
0x84: {  	_ =	shalt  }
0x85: {  	_ =	shalt  }
0x86: {  	_ =	shalt  }
0x87: {  	_ =	shalt  }
.Lfunc_end0:
.L_simem_size_0:
called_computation.1_lowered:
.L_overlay_start_0:
0x88: {  	s2 =	sld [smem:$0x3FD9]  }
0x89: {  	s3 =	sld [smem:$0x3FFE];
	_ =	sdelay $0x1  }
0x8a: {  	s1 =	srdreg.scid  }
0x8b: {  	s0 =	sand.u32 $0x1, s1  }
0x8c: {  	s17 =	sshll.u32 s0, $0xA;
	s2 =	sadd.s32 s3, s2  }
0x8d: {  	s2 =	sadd.s32 s2, s17  }
0x8e: {  	[smem:$0x3FAD] =	sst s2  }
0x8f: {  	_ = 	snop  }
0x90: {  	(tm) =	ssettm $0x1  }
0x91: {  	s18 =	sld [smem:$0x3FFB];
	_ =	sdelay $0x3  }
0x92: {  	_ =	strace s18  }
0x93: {  	s2 =	sld [smem:$0x3FFC];
	_ =	sdelay $0x3  }
0x94: {  	_ =	strace s2  }
0x95: {  	s2 =	sld [smem:$0x3FFD];
	_ =	sdelay $0x3  }
0x96: {  	_ =	strace s2  }
0x97: {  	_ =	strace $0x8FFFFFFF  }
0x98: {  	s19 =	sld [smem:$0x3FDB];
	_ =	sdelay $0x1  }
0x99: {  	s20 =	simm.s32 $_scs_section_size  }
0x9a: {  	s4 =	simm.s32 $_size__tile_overlayer_lowered;
	s5 =	simm.s32 $_tile_overlayer_lowered  }
0x9b: {  	s6 =	simm.s32 $0x1BFF;
	s21 =	sshll.u32 s5, $0x1;
	s3 =	sadd.s32 s20, s19  }
0x9c: {  	s22 =	simm.s32 $0x0;
	s4 =	sshll.u32 s4, $0x1;
	s5 =	sadd.s32 s21, s3  }
0x9d: {  	[timem:s22], [sflag:s6] =	dma.local [hbm:s5], s4  }
0x9e: {  	_ =	swait.ge [sflag:s6], s4  }
0x9f: {  	s4 =	ssub.s32 $0x0, s4;
	[sflag:s6] =	ssyncset.done $0x0  }
0xa0: {  	[sflag:s6] =	ssyncadd.s32 s4;
	_ =	sdelay $0x1  }
0xa1: {  	s23 =	simm.s32 $0x1B8B  }
0xa2: {  	_ =	swait.ge [sflag:s23], $0x1  }
0xa3: {  	[sflag:s23] =	ssyncset.done $0x0  }
0xa4: {  	[sflag:s23] =	ssyncadd.s32 $0xFFFFFFFF  }
0xa5: {  	s4 =	sld [smem:$0x0]  }
0xa6: {  	s5 =	sand.u32 $0xFFFFFFFE, s1  }
0xa7: {  	p0 =	sne.s32 s1, s5  }
0xa8: {  	s5 =	sshll.u32 @p0 s5, $0xE  }
0xa9: {  	s5 =	sadd.s32 @p0 $0x11B8D, s5;
	s6 =	sshll.u32 @p0 s4, $0x11  }
0xaa: {  	s5 =	sor.u32 @p0 s6, s5  }
0xab: {  	[sflag:s5] =	ssyncadd.remote.s32 @p0 $0x1;
	_ =	sdelay $0x1  }
0xac: {  	s5 =	simm.s32 @p0 $0x1B8D  }
0xad: {  	_ =	swait.eq @p0 [sflag:s5], $0x1  }
0xae: {  	[sflag:s5] =	ssyncadd.s32 @p0 $0xFFFFFFFF  }
0xaf: {  	s6 =	sshll.u32 @!p0 s1, $0xE  }
0xb0: {  	s6 =	sor.u32 @!p0 $0x4000, s6;
	s5 =	simm.s32 @!p0 $0x1B8D  }
0xb1: {  	s4 =	sshll.u32 @!p0 s4, $0x11;
	s6 =	sadd.s32 @!p0 $0x11B8D, s6;
	_ =	swait.eq @!p0 [sflag:s5], $0x1  }
0xb2: {  	s4 =	sor.u32 @!p0 s4, s6;
	[sflag:s5] =	ssyncadd.s32 @!p0 $0xFFFFFFFF  }
0xb3: {  	s25 =	simm.s32 $0x1B8E;
	s24 =	sld [smem:$0x3FFE];
	[sflag:s4] =	ssyncadd.remote.s32 @!p0 $0x1  }
0xb4: {  	s26 =	simm.s32 $execute0_lowered;
	[smem:$0x3FD2] =	sst s25  }
0xb5: {  	s5 =	sshll.u32 s26, $0x1;
	_ =	strace $0x80000049;
	[dreg:$0x1] =	wrdreg $0xFFFFFFFF  }
0xb6: {  	s28 =	simm.s32 $_size_execute0_lowered;
	s3 =	sadd.s32 s3, s5;
	[dreg:$0x0] =	wrdreg $0x0  }
0xb7: {  	s5 =	sshll.u32 s28, $0x1;
	[dreg:$0x2] =	wrdreg s3  }
0xb8: {  	[dreg:$0x3] =	wrdreg s5  }
0xb9: {  	[dreg:$0x4] =	wrdreg $0xC0  }
0xba: {  	_ =	task [dreg:s22], $0x5FFFF  }
0xbb: {  	[dreg:$0x1] =	wrdreg $0xFFFFFFFF  }
0xbc: {  	[dreg:$0x0] =	wrdreg $0x60  }
0xbd: {  	[dreg:$0x2] =	wrdreg s24  }
0xbe: {  	[dreg:$0x3] =	wrdreg $0xA  }
0xbf: {  	_ =	task.clear_ibuf [dreg:s22], $0x4FFFF;
	_ =	strace $0x90000049  }
0xc0: {  	s29 =	simm.s32 $0xA;
	_ =	strace $0x8000004B  }
0xc1: {  	_ =	swait.ge [sflag:s29], $0x1  }
0xc2: {  	[sflag:s29] =	ssyncadd.s32 $0xFFFFFFFF  }
0xc3: {  	_ =	strace $0x9000004B  }
0xc4: {  	_ =	sfence  }
0xc5: {  	s30 =	sld [smem:$0x0];
	_ =	sdelay $0x2  }
0xc6: {  	s31 =	sshll.u32 s1, $0xD;
	s1 =	sshrl.u32 s1, $0x2  }
0xc7: {  	s4 =	sand.u32 $0x4000, s31;
	s1 =	sadd.s32 s1, s30  }
0xc8: {  	s0 =	sor.u32 s4, s0;
	s1 =	sshll.u32 s1, $0x11  }
0xc9: {  	s0 =	sor.u32 s1, s0  }
0xca: {  	s0 =	sadd.s32 $0x8F2B, s0  }
0xcb: {  	[sflag:s0] =	ssyncadd.remote.s32 $0x1  }
0xcc: {  	_ =	sfence.sel $0xFFFF  }
0xcd: {  	[dreg:$0x0] =	wrdreg $0xFFFFFFFF;
	(pc) =	sbr.abs _section_cstart, $3  }
0xce: {  	[dreg:$0x1] =	wrdreg $0xFFFFFFFF  }
0xcf: {  	_ =	task.clear_ibuf [dreg:s22], $0x2FFFF;
	_ =	strace $0x9FFFFFFF  }
0xd0: {  	(tm) =	ssettm $0x7FFFFFFF  }
0xd1: {  	_ =	shalt  }
tec
execute0_lowered:
.L_overlay_start_1:
0x0: {  	(tag) =	ssettag $0x1  }
0x1: {  	s6 =	rddreg [dreg:$0x0];
	s2 =	srdreg.scid  }
0x2: {  	s1 =	stileid.u32;
	s10 =	simm.s32 $0x134C8;
	s11 =	simm.s32 $0x3  }
0x3: {  	s12 =	simm.s32 $0x68;
	s13 =	simm.s32 $0xC8C8;
	s14 =	simm.s32 $0x60  }
0x4: {  	s15 =	simm.s32 $0xE2C8;
	s16 =	simm.s32 $0xFAC8;
	s17 =	simm.s32 $0x114C8  }
0x5: {  	s18 =	simm.s32 $0x1;
	s19 =	simm.s32 $0x2;
	s7 =	sand.u32 $0x1, s2  }
0x6: {  	s20 =	simm.s32 $0x0;
	s4 =	sshll.u32 s1, $0x7;
	s3 =	sshll.u32 s7, $0xB  }
0x7: {  	s2 =	simm.s32 $0x0;
	s5 =	sadd.s32 $0x1DC200, s6;
	s3 =	sor.u32 s4, s3  }
0x8: {  	[smem:$0x7FF] =	sst s2;
	s7 =	ssub.s32 $0x2, s7;
	s8 =	smul.u32 $0x19, s3  }
0x9: {  	_ =	strace $0x8000004A;
	s4 =	sadd.s32 $0x118200, s6;
	s9 =	sshrl.u32 s7, $0x1  }
0xa: {  	s9 =	ssub.s32 s7, s9;
	s8 =	sadd.s32 s8, s6;
	s6 =	sadd.s32 $0x20E400, s6  }
0xb: {  	v0 =	vimm.bf16 $0.0e+00;
	s9 =	smax.u32 s9, $0x1;
	s7 =	sadd.s32 $0x1DC400, s8;
	s8 =	sadd.s32 $0x1F5400, s8  }
.LBB2_1:
0xc: {  	[tilespmem:s10], [sflag:$0x3] =	stream.linear.gather [hbm4b:s5+s2], $0x200, $0x38;
	[tilespmem:$0x136C8] =	vst v63  }
0xd: {  	_ =	swait.ge [sflag:s11], $0x200  }
0xe: {  	[sflag:s11] =	ssyncset.done $0x0  }
0xf: {  	[sflag:s11] =	ssyncadd.s32 $0xFFFFFE00  }
0x10: {  	[tilespmem:s2], [sflag:$0x3] =	stream.linear.gather [hbm4b:s7+s2], $0x6400, $0x38;
	[tilespmem:$0x136C8] =	vst v63  }
0x11: {  	_ =	swait.ge [sflag:s11], $0x6400  }
0x12: {  	[sflag:s11] =	ssyncset.done $0x0  }
0x13: {  	s21 =	simm.s32 $0x6400;
	[sflag:s11] =	ssyncadd.s32 $0xFFFF9C00  }
0x14: {  	[tilespmem:s21], [sflag:$0x3] =	stream.linear.gather [hbm4b:s8+s2], $0x6400, $0x38;
	[tilespmem:$0x136C8] =	vst v63  }
0x15: {  	_ =	swait.ge [sflag:s11], $0x6400  }
0x16: {  	[sflag:s11] =	ssyncset.done $0x0  }
0x17: {  	[sflag:s11] =	ssyncadd.s32 $0xFFFF9C00  }
0x18: {  	[tilespmem:s13], [sflag:$0x1] =	stream.indirect.gather [hbm4b:s4+s12], $0x40, s2, s12, $0xb8;
	[tilespmem:$0x136C8] =	vst v63  }
0x19: {  	s22 =	simm.s32 $0x64C8;
	s23 =	simm.s32 $0x0  }
0x1a: {  	[tilespmem:s15], [sflag:$0x1] =	stream.indirect.gather [hbm4b:s4+s14], $0x40, s12, s14, $0xb8;
	[tilespmem:$0x136C8] =	vst v63  }
.LBB2_2:
0x1b: {  	s24 =	sshllo.u32 s23, $0x1  }
0x1c: {  	s25 =	smul.u32 $0xC8, s24;
	_ =	sdelay $0x1  }
0x1d: {  	[tilespmem:s16], [sflag:$0x2] =	stream.indirect.gather [hbm4b:s4+s12], $0x40, s25, s12, $0xb8;
	[tilespmem:$0x136C8] =	vst v63  }
0x1e: {  	v1 =	vmov s21;
	s25 =	sadd.s32 $0x68, s25  }
0x1f: {  	[tilespmem:s17], [sflag:$0x2] =	stream.indirect.gather [hbm4b:s4+s14], $0x40, s25, s14, $0xb8;
	[tilespmem:$0x136C8] =	vst v63  }
0x20: {  	_ =	swait.ge [sflag:s18], $0x3200  }
0x21: {  	[sflag:s18] =	ssyncset.done $0x0  }
0x22: {  	s28 =	simm.s32 $0x0;
	[sflag:s18] =	ssyncadd.s32 $0xFFFFCE00  }
0x23: {  	v2 =	vld.idx.msk [tilespmem:v1+s28+$0x0 ss:$0x1], $0xffff;
	_ =	sdelay $0x4  }
0x24: {  	v2 =	vshll.u32 v2, $0x6  }
0x25: {  	(v2sf) =	vpush v2, $0x0  }
0x26: {  	(v2sf) =	vpush v2, $0x1;
	_ =	sdelay $0x1  }
0x27: {  	(v2sf) =	vpush v2, $0x2  }
0x28: {  	(v2sf) =	vpush v2, $0x3  }
0x29: {  	(v2sf) =	vpush v2, $0x4  }
0x2a: {  	(v2sf) =	vpush v2, $0x5  }
0x2b: {  	(v2sf) =	vpush v2, $0x6  }
0x2c: {  	(v2sf) =	vpush v2, $0x7  }
0x2d: {  	(v2sf) =	vpush v2, $0x8  }
0x2e: {  	s26 =	simm.s32 $0x10;
	(v2sf) =	vpush v2, $0x9  }
0x2f: {  	v3 =	vld.idx.msk [tilespmem:v1+s26+$0x0 ss:$0x1], $0xffff;
	(v2sf) =	vpush v2, $0xA  }
0x30: {  	(v2sf) =	vpush v2, $0xB  }
0x31: {  	(v2sf) =	vpush v2, $0xC  }
0x32: {  	(v2sf) =	vpush v2, $0xD  }
0x33: {  	(v2sf) =	vpush v2, $0xE;
	s0 =	spop (v2sf)  }
0x34: {  	(v2sf) =	vpush v2, $0xF;
	v2 =	vshll.u32 v3, $0x6;
	[smem:s28] =	sst s0;
	s0 =	spop (v2sf)  }
0x35: {  	(v2sf) =	vpush v2, $0x0;
	[smem:$0x1] =	sst s0  }
0x36: {  	s25 =	spop (v2sf)  }
0x37: {  	(v2sf) =	vpush v2, $0x1;
	[smem:$0x2] =	sst s25  }
0x38: {  	s25 =	spop (v2sf)  }
0x39: {  	(v2sf) =	vpush v2, $0x2;
	[smem:$0x3] =	sst s25  }
0x3a: {  	s25 =	spop (v2sf)  }
0x3b: {  	(v2sf) =	vpush v2, $0x3;
	[smem:$0x4] =	sst s25  }
0x3c: {  	s25 =	spop (v2sf)  }
0x3d: {  	(v2sf) =	vpush v2, $0x4;
	[smem:$0x5] =	sst s25  }
0x3e: {  	s25 =	spop (v2sf)  }
0x3f: {  	(v2sf) =	vpush v2, $0x5;
	[smem:$0x6] =	sst s25  }
0x40: {  	s25 =	spop (v2sf)  }
0x41: {  	(v2sf) =	vpush v2, $0x6;
	[smem:$0x7] =	sst s25  }
0x42: {  	s25 =	spop (v2sf)  }
0x43: {  	(v2sf) =	vpush v2, $0x7;
	[smem:$0x8] =	sst s25  }
0x44: {  	s25 =	spop (v2sf)  }
0x45: {  	(v2sf) =	vpush v2, $0x8;
	[smem:$0x9] =	sst s25  }
0x46: {  	s25 =	spop (v2sf)  }
0x47: {  	(v2sf) =	vpush v2, $0x9;
	[smem:$0xA] =	sst s25  }
0x48: {  	s29 =	simm.s32 $0x20;
	s25 =	spop (v2sf)  }
0x49: {  	v3 =	vld.idx.msk [tilespmem:v1+s29+$0x0 ss:$0x1], $0xffff;
	(v2sf) =	vpush v2, $0xA;
	[smem:$0xB] =	sst s25  }
0x4a: {  	s25 =	spop (v2sf)  }
0x4b: {  	(v2sf) =	vpush v2, $0xB;
	[smem:$0xC] =	sst s25  }
0x4c: {  	s25 =	spop (v2sf)  }
0x4d: {  	(v2sf) =	vpush v2, $0xC;
	[smem:$0xD] =	sst s25  }
0x4e: {  	s25 =	spop (v2sf)  }
0x4f: {  	(v2sf) =	vpush v2, $0xD;
	[smem:$0xE] =	sst s25  }
0x50: {  	s30 =	simm.s32 $0xC0;
	s25 =	smul.u32 $0x640, s23;
	s31 =	spop (v2sf)  }
.LBB2_3:
0x51: {  	p0 =	sne.s32 s30, $0x300;
	[smem:s28+$0xF] =	sst s31;
	s31 =	smov.u32 s30  }
0x52: {  	(v2sf) =	vpush v2, $0xE;
	s30 =	sadd.s32 $0x40, s30;
	s28 =	smov.u32 s26;
	s26 =	smov.u32 s29  }
0x53: {  	s29 =	spop (v2sf);
	(v2sf) =	vpush v2, $0xF  }
0x54: {  	v2 =	vshll.u32 v3, $0x6;
	[smem:s28] =	sst s29;
	s29 =	spop (v2sf)  }
0x55: {  	(v2sf) =	vpush v2, $0x0;
	[smem:s28+$0x1] =	sst s29;
	s29 =	spop (v2sf)  }
0x56: {  	(v2sf) =	vpush v2, $0x1;
	[smem:s28+$0x2] =	sst s29;
	s29 =	spop (v2sf)  }
0x57: {  	(v2sf) =	vpush v2, $0x2;
	[smem:s28+$0x3] =	sst s29;
	s29 =	spop (v2sf)  }
0x58: {  	(v2sf) =	vpush v2, $0x3;
	[smem:s28+$0x4] =	sst s29;
	s29 =	spop (v2sf)  }
0x59: {  	(v2sf) =	vpush v2, $0x4;
	[smem:s28+$0x5] =	sst s29;
	s29 =	spop (v2sf)  }
0x5a: {  	(v2sf) =	vpush v2, $0x5;
	[smem:s28+$0x6] =	sst s29;
	s29 =	spop (v2sf)  }
0x5b: {  	(v2sf) =	vpush v2, $0x6;
	[smem:s28+$0x7] =	sst s29;
	s29 =	spop (v2sf)  }
0x5c: {  	(v2sf) =	vpush v2, $0x7;
	[smem:s28+$0x8] =	sst s29;
	s29 =	spop (v2sf)  }
0x5d: {  	(v2sf) =	vpush v2, $0x8;
	[smem:s28+$0x9] =	sst s29;
	s0 =	spop (v2sf)  }
0x5e: {  	[smem:s28+$0xA] =	sst s0  }
.Ltmp0:
0x5f: {  	s29 =	sshra.s32 s31, $0x2;
	(v2sf) =	vpush v2, $0x9;
	s0 =	spop (v2sf);
	(pc) =	sbr.rel @p0 .LBB2_3-.Ltmp0, $4  }
0x60: {  	v3 =	vld.idx.msk [tilespmem:v1+s29+$0x0 ss:$0x1], $0xffff;
	(v2sf) =	vpush v2, $0xA;
	[smem:s28+$0xB] =	sst s0;
	s0 =	spop (v2sf)  }
0x61: {  	(v2sf) =	vpush v2, $0xB;
	[smem:s28+$0xC] =	sst s0;
	s0 =	spop (v2sf)  }
0x62: {  	(v2sf) =	vpush v2, $0xC;
	[smem:s28+$0xD] =	sst s0;
	s0 =	spop (v2sf)  }
0x63: {  	(v2sf) =	vpush v2, $0xD;
	[smem:s28+$0xE] =	sst s0;
	s31 =	spop (v2sf)  }
0x64: {  	(v2sf) =	vpush v2, $0xE  }
0x65: {  	[smem:s28+$0xF] =	sst s31;
	s0 =	spop (v2sf);
	(v2sf) =	vpush v2, $0xF;
	v1 =	vshll.u32 v3, $0x6  }
0x66: {  	[smem:s26] =	sst s0;
	s31 =	spop (v2sf);
	(v2sf) =	vpush v1, $0x0  }
0x67: {  	[smem:s26+$0x1] =	sst s31;
	s30 =	spop (v2sf);
	(v2sf) =	vpush v1, $0x1  }
0x68: {  	[smem:s26+$0x2] =	sst s30;
	s31 =	spop (v2sf);
	(v2sf) =	vpush v1, $0x2  }
0x69: {  	[smem:s26+$0x3] =	sst s31;
	s30 =	spop (v2sf);
	(v2sf) =	vpush v1, $0x3  }
0x6a: {  	[smem:s26+$0x4] =	sst s30;
	s31 =	spop (v2sf);
	(v2sf) =	vpush v1, $0x4  }
0x6b: {  	[smem:s26+$0x5] =	sst s31;
	s30 =	spop (v2sf);
	(v2sf) =	vpush v1, $0x5  }
0x6c: {  	[smem:s26+$0x6] =	sst s30;
	s31 =	spop (v2sf);
	(v2sf) =	vpush v1, $0x6  }
0x6d: {  	[smem:s26+$0x7] =	sst s31;
	s30 =	spop (v2sf);
	(v2sf) =	vpush v1, $0x7  }
0x6e: {  	[smem:s26+$0x8] =	sst s30;
	s31 =	spop (v2sf);
	(v2sf) =	vpush v1, $0x8  }
0x6f: {  	[smem:s26+$0x9] =	sst s31;
	s30 =	spop (v2sf);
	(v2sf) =	vpush v1, $0x9  }
0x70: {  	[smem:s26+$0xA] =	sst s30;
	s31 =	spop (v2sf);
	(v2sf) =	vpush v1, $0xA  }
0x71: {  	[smem:s26+$0xB] =	sst s31;
	s30 =	spop (v2sf);
	(v2sf) =	vpush v1, $0xB  }
0x72: {  	[smem:s26+$0xC] =	sst s30;
	s31 =	spop (v2sf);
	(v2sf) =	vpush v1, $0xC  }
0x73: {  	[smem:s26+$0xD] =	sst s31;
	s30 =	spop (v2sf);
	(v2sf) =	vpush v1, $0xD  }
0x74: {  	[smem:s26+$0xE] =	sst s30;
	s31 =	spop (v2sf);
	(v2sf) =	vpush v1, $0xE  }
0x75: {  	[smem:s26+$0xF] =	sst s31;
	s26 =	spop (v2sf);
	(v2sf) =	vpush v1, $0xF  }
0x76: {  	[smem:s29] =	sst s26;
	s30 =	spop (v2sf)  }
0x77: {  	[smem:s29+$0x1] =	sst s30;
	s31 =	spop (v2sf)  }
0x78: {  	[smem:s29+$0x2] =	sst s31;
	s26 =	spop (v2sf)  }
0x79: {  	[smem:s29+$0x3] =	sst s26;
	s30 =	spop (v2sf)  }
0x7a: {  	[smem:s29+$0x4] =	sst s30;
	s31 =	spop (v2sf)  }
0x7b: {  	[smem:s29+$0x5] =	sst s31;
	s26 =	spop (v2sf)  }
0x7c: {  	[smem:s29+$0x6] =	sst s26;
	s30 =	spop (v2sf)  }
0x7d: {  	[smem:s29+$0x7] =	sst s30;
	s31 =	spop (v2sf)  }
0x7e: {  	[smem:s29+$0x8] =	sst s31;
	s26 =	spop (v2sf)  }
0x7f: {  	[smem:s29+$0x9] =	sst s26;
	s30 =	spop (v2sf)  }
0x80: {  	[smem:s29+$0xA] =	sst s30;
	s31 =	spop (v2sf)  }
0x81: {  	[smem:s29+$0xB] =	sst s31;
	s26 =	spop (v2sf)  }
0x82: {  	[smem:s29+$0xC] =	sst s26;
	s30 =	spop (v2sf)  }
0x83: {  	[smem:s29+$0xD] =	sst s30;
	s31 =	spop (v2sf)  }
0x84: {  	s30 =	simm.s32 $0xC8E8;
	[smem:s29+$0xE] =	sst s31;
	s26 =	spop (v2sf)  }
0x85: {  	v2 =	vld [tilespmem:s30+$0x10];
	[smem:s29+$0xF] =	sst s26  }
0x86: {  	s0 =	sld [smem:$0x0];
	v4 =	vld [tilespmem:s30+$0x0]  }
0x87: {  	v1 =	vld [tilespmem:s30+$0xFFFFFFF0]  }
0x88: {  	v5 =	vld [tilespmem:s30+$0xFFFFFFE0]  }
0x89: {  	v6 =	vld [tilespmem:s0+$0x134C8]  }
0x8a: {  	v7 =	vld [tilespmem:s0+$0x134D8]  }
0x8b: {  	v9 =	vld [tilespmem:s0+$0x134E8]  }
0x8c: {  	v11 =	vld [tilespmem:s0+$0x134F8];
	_ =	sdelay $0x1  }
0x8d: {  	s31 =	simm.s32 $0xC928  }
0x8e: {  	v3 =	vld [tilespmem:s31+$0x10];
	s28 =	sld [smem:$0x1]  }
0x8f: {  	v8 =	vld [tilespmem:s31+$0x0];
	v6 =	vadd.bf16 v6, v5;
	v7 =	vadd.bf16 v7, v1  }
0x90: {  	v12 =	vimm.f32 $0.0e+00;
	v10 =	vld [tilespmem:s31+$0xFFFFFFE0];
	v4 =	vadd.bf16 v9, v4;
	v2 =	vadd.bf16 v11, v2  }
0x91: {  	v15 =	vld [tilespmem:s28+$0x134C8];
	v1 =	vimm.f32 $0.0e+00;
	v11 =	vimm.f32 $0.0e+00;
	v6 =	vmax.bf16 v6, v0  }
0x92: {  	v16 =	vld [tilespmem:s28+$0x134D8];
	v13 =	vmax.bf16 v7, v0;
	v14 =	vmax.bf16 v4, v0;
	v20 =	vmax.bf16 v2, v0  }
0x93: {  	v5 =	vld [tilespmem:s31+$0xFFFFFFF0];
	v9 =	vunpack.i.u.bf16.f32 v6;
	v6 =	vunpack.i.l.bf16.f32 v6;
	v19 =	vunpack.i.u.bf16.f32 v20  }
0x94: {  	v17 =	vld [tilespmem:s28+$0x134E8];
	v4 =	vadd.f32 v9, v1;
	v9 =	vunpack.i.u.bf16.f32 v14;
	v7 =	vadd.f32 v6, v1  }
0x95: {  	s26 =	simm.s32 $0x8;
	v18 =	vld [tilespmem:s28+$0x134F8];
	s28 =	simm.s32 $0xC968;
	v6 =	vimm.f32 $0.0e+00;
	v2 =	vadd.f32 v9, v1;
	v9 =	vimm.f32 $0.0e+00  }
.LBB2_5:
0x96: {  	s0 =	sshra.s32 s26, $0x2;
	v21 =	vld [tilespmem:s28+$0x10];
	p0 =	sne.s32 s26, $0x31C;
	s26 =	sadd.s32 $0x4, s26;
	v22 =	vunpack.i.l.bf16.f32 v13;
	v20 =	vunpack.i.l.bf16.f32 v20;
	v1 =	vadd.f32 v19, v1  }
0x97: {  	v23 =	vunpack.i.u.bf16.f32 v13;
	s0 =	sld [smem:s0+$0x0];
	v19 =	vld [tilespmem:s28+$0x0];
	v15 =	vadd.bf16 v15, v10;
	v11 =	vadd.f32 v22, v11  }
0x98: {  	v14 =	vunpack.i.l.bf16.f32 v14;
	v6 =	vadd.f32 v20, v6;
	v13 =	vadd.bf16 v16, v5;
	v5 =	vld [tilespmem:s28+$0xFFFFFFF0]  }
.Ltmp1:
0x99: {  	v12 =	vadd.f32 v14, v12;
	v10 =	vld [tilespmem:s28+$0xFFFFFFE0];
	v20 =	vmax.bf16 v15, v0;
	v25 =	vadd.bf16 v17, v8;
	(pc) =	sbr.rel @p0 .LBB2_5-.Ltmp1, $4  }
0x9a: {  	v15 =	vld [tilespmem:s0+$0x134C8];
	v22 =	vunpack.i.u.bf16.f32 v20;
	v13 =	vmax.bf16 v13, v0;
	v18 =	vadd.bf16 v18, v3  }
0x9b: {  	v9 =	vadd.f32 v23, v9;
	v24 =	vunpack.i.l.bf16.f32 v20;
	v16 =	vld [tilespmem:s0+$0x134D8];
	v14 =	vmax.bf16 v25, v0;
	v3 =	vmovc v21  }
0x9c: {  	v4 =	vadd.f32 v22, v4;
	v17 =	vld [tilespmem:s0+$0x134E8];
	v21 =	vunpack.i.u.bf16.f32 v14;
	v20 =	vmax.bf16 v18, v0;
	v8 =	vmovc v19  }
0x9d: {  	s28 =	sadd.s32 $0x40, s28;
	v7 =	vadd.f32 v24, v7;
	v18 =	vld [tilespmem:s0+$0x134F8];
	v2 =	vadd.f32 v21, v2;
	v19 =	vunpack.i.u.bf16.f32 v20  }
0x9e: {  	_ = 	snop  }
0x9f: {  	v21 =	vunpack.i.l.bf16.f32 v13;
	v20 =	vunpack.i.l.bf16.f32 v20;
	v10 =	vadd.bf16 v15, v10  }
0xa0: {  	v60 =	vunpack.i.u.bf16.f32 v13;
	v14 =	vunpack.i.l.bf16.f32 v14;
	v11 =	vadd.f32 v21, v11  }
0xa1: {  	v12 =	vadd.f32 v14, v12;
	v5 =	vadd.bf16 v16, v5;
	v10 =	vmax.bf16 v10, v0  }
0xa2: {  	v9 =	vadd.f32 v60, v9;
	v61 =	vunpack.i.u.bf16.f32 v10;
	v10 =	vunpack.i.l.bf16.f32 v10  }
0xa3: {  	s0 =	sshll.u32 s23, $0x8;
	v8 =	vadd.bf16 v17, v8;
	v5 =	vmax.bf16 v5, v0;
	v7 =	vadd.f32 v10, v7  }
0xa4: {  	s0 =	sand.u32 $0x700, s0;
	v3 =	vadd.bf16 v18, v3;
	v4 =	vadd.f32 v61, v4;
	v62 =	vunpack.i.l.bf16.f32 v5  }
0xa5: {  	v8 =	vmax.bf16 v8, v0;
	v5 =	vunpack.i.u.bf16.f32 v5;
	v10 =	vadd.f32 v62, v11;
	[tilespmem:s0+$0x12CC8] =	vst v7  }
0xa6: {  	v6 =	vadd.f32 v20, v6;
	v63 =	vunpack.i.l.bf16.f32 v8;
	v5 =	vadd.f32 v5, v9;
	[tilespmem:s0+$0x12CD8] =	vst v4  }
0xa7: {  	v3 =	vmax.bf16 v3, v0;
	v4 =	vunpack.i.u.bf16.f32 v8;
	v7 =	vadd.f32 v63, v12;
	[tilespmem:s0+$0x12CE8] =	vst v10  }
0xa8: {  	v1 =	vadd.f32 v19, v1;
	v2 =	vadd.f32 v4, v2;
	v4 =	vunpack.i.l.bf16.f32 v3;
	[tilespmem:s0+$0x12CF8] =	vst v5  }
0xa9: {  	v3 =	vunpack.i.u.bf16.f32 v3;
	v4 =	vadd.f32 v4, v6;
	[tilespmem:s0+$0x12D08] =	vst v7  }
0xaa: {  	p0 =	seq.s32 s23, $0x3F;
	v1 =	vadd.f32 v3, v1;
	[tilespmem:s0+$0x12D18] =	vst v2  }
0xab: {  	s25 =	sshra.s32 @!p0 s25, $0x2;
	[tilespmem:s0+$0x12D28] =	vst v4  }
0xac: {  	s26 =	simm.s32 @!p0 $0x68;
	s28 =	simm.s32 @!p0 $0xC8C8;
	[tilespmem:s0+$0x12D38] =	vst v1;
	s0 =	sadd.s32 @!p0 $0x190, s25  }
0xad: {  	[tilespmem:s28], [sflag:$0x1] =	stream.indirect.gather @!p0 [hbm4b:s4+s26], $0x40, s0, s26, $0xb8;
	[tilespmem:$0x136C8] =	vst v63  }
0xae: {  	v1 =	vmov s22;
	s0 =	sadd.s32 @!p0 $0x1F8, s25;
	s25 =	simm.s32 @!p0 $0x60;
	s26 =	simm.s32 @!p0 $0xE2C8  }
0xaf: {  	[tilespmem:s26], [sflag:$0x1] =	stream.indirect.gather @!p0 [hbm4b:s4+s25], $0x40, s0, s25, $0xb8;
	[tilespmem:$0x136C8] =	vst v63  }
0xb0: {  	_ =	swait.ge [sflag:s19], $0x3200  }
0xb1: {  	[sflag:s19] =	ssyncset.done $0x0  }
0xb2: {  	s26 =	simm.s32 $0x0;
	[sflag:s19] =	ssyncadd.s32 $0xFFFFCE00  }
0xb3: {  	v2 =	vld.idx.msk [tilespmem:v1+s26+$0x0 ss:$0x1], $0xffff;
	_ =	sdelay $0x4  }
0xb4: {  	v2 =	vshll.u32 v2, $0x6  }
0xb5: {  	(v2sf) =	vpush v2, $0x0  }
0xb6: {  	(v2sf) =	vpush v2, $0x1;
	_ =	sdelay $0x1  }
0xb7: {  	(v2sf) =	vpush v2, $0x2  }
0xb8: {  	(v2sf) =	vpush v2, $0x3  }
0xb9: {  	(v2sf) =	vpush v2, $0x4  }
0xba: {  	(v2sf) =	vpush v2, $0x5  }
0xbb: {  	(v2sf) =	vpush v2, $0x6  }
0xbc: {  	(v2sf) =	vpush v2, $0x7  }
0xbd: {  	(v2sf) =	vpush v2, $0x8  }
0xbe: {  	s25 =	simm.s32 $0x10;
	(v2sf) =	vpush v2, $0x9  }
0xbf: {  	v3 =	vld.idx.msk [tilespmem:v1+s25+$0x0 ss:$0x1], $0xffff;
	(v2sf) =	vpush v2, $0xA  }
0xc0: {  	(v2sf) =	vpush v2, $0xB  }
0xc1: {  	(v2sf) =	vpush v2, $0xC  }
0xc2: {  	(v2sf) =	vpush v2, $0xD  }
0xc3: {  	(v2sf) =	vpush v2, $0xE;
	s31 =	spop (v2sf)  }
0xc4: {  	(v2sf) =	vpush v2, $0xF;
	v2 =	vshll.u32 v3, $0x6;
	[smem:s26] =	sst s31;
	s31 =	spop (v2sf)  }
0xc5: {  	(v2sf) =	vpush v2, $0x0;
	[smem:$0x1] =	sst s31  }
0xc6: {  	s0 =	spop (v2sf)  }
0xc7: {  	(v2sf) =	vpush v2, $0x1;
	[smem:$0x2] =	sst s0  }
0xc8: {  	s0 =	spop (v2sf)  }
0xc9: {  	(v2sf) =	vpush v2, $0x2;
	[smem:$0x3] =	sst s0  }
0xca: {  	s0 =	spop (v2sf)  }
0xcb: {  	(v2sf) =	vpush v2, $0x3;
	[smem:$0x4] =	sst s0  }
0xcc: {  	s0 =	spop (v2sf)  }
0xcd: {  	(v2sf) =	vpush v2, $0x4;
	[smem:$0x5] =	sst s0  }
0xce: {  	s0 =	spop (v2sf)  }
0xcf: {  	(v2sf) =	vpush v2, $0x5;
	[smem:$0x6] =	sst s0  }
0xd0: {  	s0 =	spop (v2sf)  }
0xd1: {  	(v2sf) =	vpush v2, $0x6;
	[smem:$0x7] =	sst s0  }
0xd2: {  	s0 =	spop (v2sf)  }
0xd3: {  	(v2sf) =	vpush v2, $0x7;
	[smem:$0x8] =	sst s0  }
0xd4: {  	s0 =	spop (v2sf)  }
0xd5: {  	(v2sf) =	vpush v2, $0x8;
	[smem:$0x9] =	sst s0  }
0xd6: {  	s0 =	spop (v2sf)  }
0xd7: {  	(v2sf) =	vpush v2, $0x9;
	[smem:$0xA] =	sst s0  }
0xd8: {  	s28 =	simm.s32 $0x20;
	s0 =	spop (v2sf)  }
0xd9: {  	v3 =	vld.idx.msk [tilespmem:v1+s28+$0x0 ss:$0x1], $0xffff;
	(v2sf) =	vpush v2, $0xA;
	[smem:$0xB] =	sst s0  }
0xda: {  	s0 =	spop (v2sf)  }
0xdb: {  	(v2sf) =	vpush v2, $0xB;
	[smem:$0xC] =	sst s0  }
0xdc: {  	s0 =	spop (v2sf)  }
0xdd: {  	(v2sf) =	vpush v2, $0xC;
	[smem:$0xD] =	sst s0  }
0xde: {  	s0 =	spop (v2sf)  }
0xdf: {  	(v2sf) =	vpush v2, $0xD;
	[smem:$0xE] =	sst s0  }
0xe0: {  	s29 =	simm.s32 $0xC0;
	s30 =	spop (v2sf)  }
.LBB2_7:
0xe1: {  	p0 =	sne.s32 s29, $0x300;
	[smem:s26+$0xF] =	sst s30;
	s0 =	smov.u32 s29  }
0xe2: {  	(v2sf) =	vpush v2, $0xE;
	s29 =	sadd.s32 $0x40, s29;
	s26 =	smov.u32 s25;
	s25 =	smov.u32 s28  }
0xe3: {  	s28 =	spop (v2sf);
	(v2sf) =	vpush v2, $0xF  }
0xe4: {  	v2 =	vshll.u32 v3, $0x6;
	[smem:s26] =	sst s28;
	s28 =	spop (v2sf)  }
0xe5: {  	(v2sf) =	vpush v2, $0x0;
	[smem:s26+$0x1] =	sst s28;
	s28 =	spop (v2sf)  }
0xe6: {  	(v2sf) =	vpush v2, $0x1;
	[smem:s26+$0x2] =	sst s28;
	s28 =	spop (v2sf)  }
0xe7: {  	(v2sf) =	vpush v2, $0x2;
	[smem:s26+$0x3] =	sst s28;
	s28 =	spop (v2sf)  }
0xe8: {  	(v2sf) =	vpush v2, $0x3;
	[smem:s26+$0x4] =	sst s28;
	s28 =	spop (v2sf)  }
0xe9: {  	(v2sf) =	vpush v2, $0x4;
	[smem:s26+$0x5] =	sst s28;
	s28 =	spop (v2sf)  }
0xea: {  	(v2sf) =	vpush v2, $0x5;
	[smem:s26+$0x6] =	sst s28;
	s28 =	spop (v2sf)  }
0xeb: {  	(v2sf) =	vpush v2, $0x6;
	[smem:s26+$0x7] =	sst s28;
	s28 =	spop (v2sf)  }
0xec: {  	(v2sf) =	vpush v2, $0x7;
	[smem:s26+$0x8] =	sst s28;
	s28 =	spop (v2sf)  }
0xed: {  	(v2sf) =	vpush v2, $0x8;
	[smem:s26+$0x9] =	sst s28;
	s30 =	spop (v2sf)  }
0xee: {  	[smem:s26+$0xA] =	sst s30  }
.Ltmp2:
0xef: {  	s28 =	sshra.s32 s0, $0x2;
	(v2sf) =	vpush v2, $0x9;
	s0 =	spop (v2sf);
	(pc) =	sbr.rel @p0 .LBB2_7-.Ltmp2, $4  }
0xf0: {  	v3 =	vld.idx.msk [tilespmem:v1+s28+$0x0 ss:$0x1], $0xffff;
	(v2sf) =	vpush v2, $0xA;
	[smem:s26+$0xB] =	sst s0;
	s0 =	spop (v2sf)  }
0xf1: {  	(v2sf) =	vpush v2, $0xB;
	[smem:s26+$0xC] =	sst s0;
	s0 =	spop (v2sf)  }
0xf2: {  	(v2sf) =	vpush v2, $0xC;
	[smem:s26+$0xD] =	sst s0;
	s0 =	spop (v2sf)  }
0xf3: {  	(v2sf) =	vpush v2, $0xD;
	[smem:s26+$0xE] =	sst s0;
	s30 =	spop (v2sf)  }
0xf4: {  	(v2sf) =	vpush v2, $0xE  }
0xf5: {  	[smem:s26+$0xF] =	sst s30;
	s0 =	spop (v2sf);
	(v2sf) =	vpush v2, $0xF;
	v1 =	vshll.u32 v3, $0x6  }
0xf6: {  	[smem:s25] =	sst s0;
	s29 =	spop (v2sf);
	(v2sf) =	vpush v1, $0x0  }
0xf7: {  	[smem:s25+$0x1] =	sst s29;
	s30 =	spop (v2sf);
	(v2sf) =	vpush v1, $0x1  }
0xf8: {  	[smem:s25+$0x2] =	sst s30;
	s31 =	spop (v2sf);
	(v2sf) =	vpush v1, $0x2  }
0xf9: {  	[smem:s25+$0x3] =	sst s31;
	s26 =	spop (v2sf);
	(v2sf) =	vpush v1, $0x3  }
0xfa: {  	[smem:s25+$0x4] =	sst s26;
	s29 =	spop (v2sf);
	(v2sf) =	vpush v1, $0x4  }
0xfb: {  	[smem:s25+$0x5] =	sst s29;
	s30 =	spop (v2sf);
	(v2sf) =	vpush v1, $0x5  }
0xfc: {  	[smem:s25+$0x6] =	sst s30;
	s31 =	spop (v2sf);
	(v2sf) =	vpush v1, $0x6  }
0xfd: {  	[smem:s25+$0x7] =	sst s31;
	s26 =	spop (v2sf);
	(v2sf) =	vpush v1, $0x7  }
0xfe: {  	[smem:s25+$0x8] =	sst s26;
	s29 =	spop (v2sf);
	(v2sf) =	vpush v1, $0x8  }
0xff: {  	[smem:s25+$0x9] =	sst s29;
	s30 =	spop (v2sf);
	(v2sf) =	vpush v1, $0x9  }
0x100: {  	[smem:s25+$0xA] =	sst s30;
	s31 =	spop (v2sf);
	(v2sf) =	vpush v1, $0xA  }
0x101: {  	[smem:s25+$0xB] =	sst s31;
	s26 =	spop (v2sf);
	(v2sf) =	vpush v1, $0xB  }
0x102: {  	[smem:s25+$0xC] =	sst s26;
	s29 =	spop (v2sf);
	(v2sf) =	vpush v1, $0xC  }
0x103: {  	[smem:s25+$0xD] =	sst s29;
	s30 =	spop (v2sf);
	(v2sf) =	vpush v1, $0xD  }
0x104: {  	[smem:s25+$0xE] =	sst s30;
	s31 =	spop (v2sf);
	(v2sf) =	vpush v1, $0xE  }
0x105: {  	[smem:s25+$0xF] =	sst s31;
	s26 =	spop (v2sf);
	(v2sf) =	vpush v1, $0xF  }
0x106: {  	[smem:s28] =	sst s26;
	s29 =	spop (v2sf)  }
0x107: {  	[smem:s28+$0x1] =	sst s29;
	s30 =	spop (v2sf)  }
0x108: {  	[smem:s28+$0x2] =	sst s30;
	s31 =	spop (v2sf)  }
0x109: {  	[smem:s28+$0x3] =	sst s31;
	s25 =	spop (v2sf)  }
0x10a: {  	[smem:s28+$0x4] =	sst s25;
	s26 =	spop (v2sf)  }
0x10b: {  	[smem:s28+$0x5] =	sst s26;
	s29 =	spop (v2sf)  }
0x10c: {  	[smem:s28+$0x6] =	sst s29;
	s30 =	spop (v2sf)  }
0x10d: {  	[smem:s28+$0x7] =	sst s30;
	s31 =	spop (v2sf)  }
0x10e: {  	[smem:s28+$0x8] =	sst s31;
	s25 =	spop (v2sf)  }
0x10f: {  	[smem:s28+$0x9] =	sst s25;
	s26 =	spop (v2sf)  }
0x110: {  	[smem:s28+$0xA] =	sst s26;
	s29 =	spop (v2sf)  }
0x111: {  	[smem:s28+$0xB] =	sst s29;
	s30 =	spop (v2sf)  }
0x112: {  	[smem:s28+$0xC] =	sst s30;
	s31 =	spop (v2sf)  }
0x113: {  	[smem:s28+$0xD] =	sst s31;
	s25 =	spop (v2sf)  }
0x114: {  	s29 =	simm.s32 $0xFAE8;
	[smem:s28+$0xE] =	sst s25;
	s26 =	spop (v2sf)  }
0x115: {  	v2 =	vld [tilespmem:s29+$0x10];
	[smem:s28+$0xF] =	sst s26  }
0x116: {  	s0 =	sld [smem:$0x0];
	v4 =	vld [tilespmem:s29+$0x0]  }
0x117: {  	v1 =	vld [tilespmem:s29+$0xFFFFFFF0]  }
0x118: {  	v5 =	vld [tilespmem:s29+$0xFFFFFFE0]  }
0x119: {  	v6 =	vld [tilespmem:s0+$0x134C8]  }
0x11a: {  	v7 =	vld [tilespmem:s0+$0x134D8]  }
0x11b: {  	v9 =	vld [tilespmem:s0+$0x134E8]  }
0x11c: {  	v11 =	vld [tilespmem:s0+$0x134F8];
	_ =	sdelay $0x1  }
0x11d: {  	s30 =	simm.s32 $0xFB28  }
0x11e: {  	v3 =	vld [tilespmem:s30+$0x10];
	s31 =	sld [smem:$0x1]  }
0x11f: {  	v8 =	vld [tilespmem:s30+$0x0];
	v6 =	vadd.bf16 v6, v5;
	v7 =	vadd.bf16 v7, v1  }
0x120: {  	v12 =	vimm.f32 $0.0e+00;
	v10 =	vld [tilespmem:s30+$0xFFFFFFE0];
	v4 =	vadd.bf16 v9, v4;
	v2 =	vadd.bf16 v11, v2  }
0x121: {  	v15 =	vld [tilespmem:s31+$0x134C8];
	v1 =	vimm.f32 $0.0e+00;
	v11 =	vimm.f32 $0.0e+00;
	v6 =	vmax.bf16 v6, v0  }
0x122: {  	v16 =	vld [tilespmem:s31+$0x134D8];
	v13 =	vmax.bf16 v7, v0;
	v14 =	vmax.bf16 v4, v0;
	v20 =	vmax.bf16 v2, v0  }
0x123: {  	v5 =	vld [tilespmem:s30+$0xFFFFFFF0];
	v9 =	vunpack.i.u.bf16.f32 v6;
	v6 =	vunpack.i.l.bf16.f32 v6;
	v19 =	vunpack.i.u.bf16.f32 v20  }
0x124: {  	v17 =	vld [tilespmem:s31+$0x134E8];
	v4 =	vadd.f32 v9, v1;
	v9 =	vunpack.i.u.bf16.f32 v14;
	v7 =	vadd.f32 v6, v1  }
0x125: {  	s25 =	simm.s32 $0x8;
	s26 =	simm.s32 $0xFB68;
	v18 =	vld [tilespmem:s31+$0x134F8];
	v6 =	vimm.f32 $0.0e+00;
	v2 =	vadd.f32 v9, v1;
	v9 =	vimm.f32 $0.0e+00  }
.LBB2_9:
0x126: {  	s0 =	sshra.s32 s25, $0x2;
	v21 =	vld [tilespmem:s26+$0x10];
	p0 =	sne.s32 s25, $0x31C;
	s25 =	sadd.s32 $0x4, s25;
	v22 =	vunpack.i.l.bf16.f32 v13;
	v20 =	vunpack.i.l.bf16.f32 v20;
	v1 =	vadd.f32 v19, v1  }
0x127: {  	v23 =	vunpack.i.u.bf16.f32 v13;
	s0 =	sld [smem:s0+$0x0];
	v19 =	vld [tilespmem:s26+$0x0];
	v15 =	vadd.bf16 v15, v10;
	v11 =	vadd.f32 v22, v11  }
0x128: {  	v14 =	vunpack.i.l.bf16.f32 v14;
	v6 =	vadd.f32 v20, v6;
	v13 =	vadd.bf16 v16, v5;
	v5 =	vld [tilespmem:s26+$0xFFFFFFF0]  }
.Ltmp3:
0x129: {  	v12 =	vadd.f32 v14, v12;
	v10 =	vld [tilespmem:s26+$0xFFFFFFE0];
	v20 =	vmax.bf16 v15, v0;
	v25 =	vadd.bf16 v17, v8;
	(pc) =	sbr.rel @p0 .LBB2_9-.Ltmp3, $4  }
0x12a: {  	v15 =	vld [tilespmem:s0+$0x134C8];
	v22 =	vunpack.i.u.bf16.f32 v20;
	v13 =	vmax.bf16 v13, v0;
	v18 =	vadd.bf16 v18, v3  }
0x12b: {  	v9 =	vadd.f32 v23, v9;
	v24 =	vunpack.i.l.bf16.f32 v20;
	v16 =	vld [tilespmem:s0+$0x134D8];
	v14 =	vmax.bf16 v25, v0;
	v3 =	vmovc v21  }
0x12c: {  	v4 =	vadd.f32 v22, v4;
	v17 =	vld [tilespmem:s0+$0x134E8];
	v21 =	vunpack.i.u.bf16.f32 v14;
	v20 =	vmax.bf16 v18, v0;
	v8 =	vmovc v19  }
0x12d: {  	s26 =	sadd.s32 $0x40, s26;
	v7 =	vadd.f32 v24, v7;
	v18 =	vld [tilespmem:s0+$0x134F8];
	v2 =	vadd.f32 v21, v2;
	v19 =	vunpack.i.u.bf16.f32 v20  }
0x12e: {  	_ = 	snop  }
0x12f: {  	v21 =	vunpack.i.l.bf16.f32 v13;
	v20 =	vunpack.i.l.bf16.f32 v20;
	v10 =	vadd.bf16 v15, v10  }
0x130: {  	v58 =	vunpack.i.u.bf16.f32 v13;
	v14 =	vunpack.i.l.bf16.f32 v14;
	v11 =	vadd.f32 v21, v11  }
0x131: {  	v12 =	vadd.f32 v14, v12;
	v5 =	vadd.bf16 v16, v5;
	v10 =	vmax.bf16 v10, v0  }
0x132: {  	v9 =	vadd.f32 v58, v9;
	v59 =	vunpack.i.u.bf16.f32 v10;
	v10 =	vunpack.i.l.bf16.f32 v10  }
0x133: {  	s0 =	sand.u32 $0xF, s24;
	v8 =	vadd.bf16 v17, v8;
	v5 =	vmax.bf16 v5, v0;
	v7 =	vadd.f32 v10, v7  }
0x134: {  	s25 =	sshll.u32 s0, $0x7;
	v3 =	vadd.bf16 v18, v3;
	v4 =	vadd.f32 v59, v4;
	v60 =	vunpack.i.l.bf16.f32 v5  }
0x135: {  	v8 =	vmax.bf16 v8, v0;
	v5 =	vunpack.i.u.bf16.f32 v5;
	v10 =	vadd.f32 v60, v11;
	[tilespmem:s25+$0x12CC8] =	vst v7  }
0x136: {  	v6 =	vadd.f32 v20, v6;
	v61 =	vunpack.i.l.bf16.f32 v8;
	v5 =	vadd.f32 v5, v9;
	[tilespmem:s25+$0x12CD8] =	vst v4  }
0x137: {  	p0 =	sne.s32 s0, $0xF;
	v62 =	vunpack.i.u.bf16.f32 v8;
	v3 =	vmax.bf16 v3, v0;
	v7 =	vadd.f32 v61, v12;
	[tilespmem:s25+$0x12CE8] =	vst v10  }
0x138: {  	v1 =	vadd.f32 v19, v1;
	s0 =	sadd.s32 @!p0 s3, s24;
	v2 =	vadd.f32 v62, v2;
	v63 =	vunpack.i.l.bf16.f32 v3;
	[tilespmem:s25+$0x12CF8] =	vst v5  }
0x139: {  	s0 =	sshll.u32 @!p0 s0, $0x7;
	v3 =	vunpack.i.u.bf16.f32 v3;
	v4 =	vadd.f32 v63, v6;
	[tilespmem:s25+$0x12D08] =	vst v7  }
0x13a: {  	s23 =	sadd.s32 $0x1, s23;
	s0 =	sadd.s32 @!p0 $0xFFFFF880, s0;
	v1 =	vadd.f32 v3, v1;
	[tilespmem:s25+$0x12D18] =	vst v2  }
0x13b: {  	p1 =	sne.s32 s23, $0x40;
	s0 =	sshrl.u32 @!p0 s0, $0x3;
	[tilespmem:s25+$0x12D28] =	vst v4  }
0x13c: {  	s24 =	simm.s32 @!p0 $0x0;
	s0 =	sadd.s32 @!p0 s6, s0;
	[tilespmem:s25+$0x12D38] =	vst v1;
	s25 =	simm.s32 @!p0 $0x12CC8  }
0x13d: {  	[hbm4b:s0+s24] =	stream.linear.scatter @!p0 [tilespmem:s25], [sflag:$0x3], $0x800, $0x38;
	[tilespmem:$0x136C8] =	vst v63  }
.Ltmp4:
0x13e: {  	_ = 	snop;
	(pc) =	sbr.rel @p1 .LBB2_2-.Ltmp4, $4  }
0x13f: {  	s0 =	simm.s32 @!p0 $0x3  }
0x140: {  	_ =	swait.ge @!p0 [sflag:s0], $0x800  }
0x141: {  	[sflag:s0] =	ssyncset.done @!p0 $0x0  }
0x142: {  	s21 =	sadd.s32 $0x190, s21;
	s22 =	sadd.s32 $0x190, s22;
	[sflag:s0] =	ssyncadd.s32 @!p0 $0xFFFFF800  }
0x143: {  	s20 =	sadd.s32 $0x1, s20  }
0x144: {  	p0 =	sne.s32 s20, s9  }
.Ltmp5:
0x145: {  	_ = 	snop;
	(pc) =	sbr.rel @p0 .LBB2_1-.Ltmp5, $1  }
0x146: {  	_ =	sdelay $0x3  }
0x147: {  	_ =	sfence.sel $0x180000  }
0x148: {  	[bflag:$0x0] =	sbarrier.arrive $0xFFFF  }
0x149: {  	_ =	strace $0x9000004A  }
0x14a: {  	[bflag:$0x2] =	sbarrier.arrive $0xFFFF  }
0x14b: {  	p0 =	sne.s32 s1, $0x0;
	s0 =	rddreg [dreg:$0x1]  }
0x14c: {  	s0 =	sadd.s32 @!p0 $0x100000, s0  }
0x14d: {  	[sflag:s0] =	ssyncadd.tile.s32 @!p0 $0x1;
	_ =	shalt  }
.Lfunc_end2:
_tile_overlayer_lowered:
.L_overlay_start_2:
0x14e: {  	(tag) =	ssettag $0x2  }
0x14f: {  	s0 =	rddreg [dreg:$0x0];
	s2 =	stileid.u32  }
0x150: {  	s1 =	rddreg [dreg:$0x1];
	p0 =	sne.s32 s2, $0x0  }
0x151: {  	s3 =	rddreg [dreg:$0x2];
	[bflag:$0x3] =	sbarrier.arrive $0xFFFF;
	s2 =	simm.s32 @!p0 $0x1C03  }
0x152: {  	[timem:s3], [sflag:s2] =	dma.local @!p0 [hbm:s0], s1  }
0x153: {  	s0 =	simm.s32 @!p0 $0x3  }
0x154: {  	_ =	swait.ge @!p0 [sflag:s0], s1  }
0x155: {  	s1 =	ssub.s32 @!p0 $0x0, s1;
	[sflag:s0] =	ssyncset.done @!p0 $0x0  }
0x156: {  	[sflag:s0] =	ssyncadd.s32 @!p0 s1  }
0x157: {  	[bflag:$0x3] =	sbarrier.arrive $0xFFFF  }
0x158: {  	_ =	shalt  }

// kernel: kernel.7.cloned.1.call-start
scs
__scs_entry_jumppad:
0x0: {  	(pc) =	sbr.rel $0x88, $3  }
0x1: {  	(tag) =	ssettag $0x0;
	lr =	simm.s32 $0x1  }
0x2: {  	[smem:$0x3F86] =	sst lr;
	_ =	strace $0xD0000000  }
0x3: {  	_ = 	snop  }
0x4: {  	_ = 	snop  }
0x5: {  	_ = 	snop  }
0x6: {  	_ = 	snop  }
0x7: {  	_ = 	snop  }
__scs_overlays_trampoline_lowered:
0x8: {  	[smem:$0x3F95] =	sst s0  }
0x9: {  	[smem:$0x3F96] =	sst s1  }
0xa: {  	[smem:$0x3F97] =	sst s2  }
0xb: {  	[smem:$0x3F98] =	sst s3  }
0xc: {  	[smem:$0x3F99] =	sst s4  }
0xd: {  	[smem:$0x3F9A] =	sst s5  }
0xe: {  	[smem:$0x3F9B] =	sst s6  }
0xf: {  	[smem:$0x3F9C] =	sst s7  }
0x10: {  	[smem:$0x3F9D] =	sst s8  }
0x11: {  	[smem:$0x3F9E] =	sst s9;
	s0 =	simm.s32 @!p0 $0x0  }
0x12: {  	s1 =	sld [smem:$0x3F84];
	s0 =	simm.s32 @p0 $0x1  }
0x13: {  	[smem:$0x3F9F] =	sst s0;
	s0 =	simm.s32 @!p1 $0x0  }
0x14: {  	s2 =	sld [smem:$0x3F83];
	s0 =	simm.s32 @p1 $0x1  }
0x15: {  	[smem:$0x3FA0] =	sst s0;
	s0 =	simm.s32 @!p2 $0x0  }
0x16: {  	s3 =	sld [smem:$0x3FDB];
	s0 =	simm.s32 @p2 $0x1  }
0x17: {  	s4 =	simm.s32 $0x1BF5;
	[smem:$0x3FA2] =	sst s0  }
0x18: {  	s0 =	sld [smem:$0x3F85];
	_ =	swait.ge [sflag:s4], $0x0  }
0x19: {  	s7 =	sld [smem:$0x3F86]  }
0x1a: {  	s8 =	sadd.s32 $0xFFFFE003, lr  }
0x1b: {  	s9 =	sadd.s32 $0xFFFFFEF7, lr;
	s5 =	simm.s32 $0xFFFFFFFF;
	p2 =	slt.u32 s8, $0xFFFFF086  }
0x1c: {  	p1 =	slt.u32 s9, $0xF7A;
	s5 =	simm.s32 @!p2 $0x0  }
0x1d: {  	s5 =	simm.s32 @p1 $0x1;
	p0 =	seq.s32 s7, s2  }
0x1e: {  	s7 =	smul.u32 @!p0 $0xF7A, s2;
	p2 =	seq.s32 @!p0 s5, $0x0  }
0x1f: {  	s9 =	smul.u32 $0xF7A, s1;
	s8 =	simm.s32 @!p0 $0x1BF5;
	p2 =	por !p2, p0  }
0x20: {  	[sflag:s8] =	ssyncset.s32 @!p0 $0xFFFFF086;
	s6 =	sadd.s32 @!p0 s3, s7;
	s7 =	simm.s32 @!p0 $0x108  }
0x21: {  	s3 =	sadd.s32 s3, s9;
	s6 =	sadd.s32 @!p0 $0x88, s6;
	s7 =	simm.s32 @p2 $0x1082  }
0x22: {  	[simem:s7], [sflag:s8] =	dma.local @!p0 [hbm:s6], $0xF7A  }
0x23: {  	s9 =	sor.u32 $0xD0000000, s2;
	s6 =	simm.s32 $0x108;
	_ =	swait.ge @!p0 [sflag:s8], $0x0  }
0x24: {  	s3 =	sadd.s32 $0x88, s3;
	s6 =	simm.s32 @!p1 $0x1082;
	[sflag:s4] =	ssyncset.s32 $0xFFFFF086  }
0x25: {  	[simem:s6], [sflag:s4] =	dma.local [hbm:s3], $0xF7A  }
0x26: {  	[smem:$0x3F86] =	sst s1;
	(tag) =	ssettag s2;
	_ =	strace s9  }
0x27: {  	s1 =	sld [smem:$0x3F96]  }
0x28: {  	s2 =	sld [smem:$0x3F97]  }
0x29: {  	s4 =	sld [smem:$0x3F99]  }
0x2a: {  	p0 =	seq.s32 s5, $0x0;
	s5 =	sld [smem:$0x3F9A]  }
0x2b: {  	s6 =	sld [smem:$0x3F9B]  }
0x2c: {  	s7 =	sld [smem:$0x3F9C]  }
0x2d: {  	s3 =	simm.s32 $0x108;
	s8 =	sld [smem:$0x3F9D]  }
0x2e: {  	s3 =	simm.s32 @!p0 $0x1082;
	s9 =	sld [smem:$0x3F9E]  }
0x2f: {  	lr =	sadd.s32 s0, s3;
	s0 =	sld [smem:$0x3F95]  }
0x30: {  	s3 =	sld [smem:$0x3F98]  }
0x31: {  	[smem:$0x3FA1] =	sst s10  }
0x32: {  	s10 =	sld [smem:$0x3F9F];
	_ =	sdelay $0x3  }
0x33: {  	p0 =	seq.s32 s10, $0x1;
	s10 =	sld [smem:$0x3FA1];
	_ =	sdelay $0x3  }
0x34: {  	[smem:$0x3FA1] =	sst s10  }
0x35: {  	s10 =	sld [smem:$0x3FA0];
	_ =	sdelay $0x3  }
0x36: {  	p1 =	seq.s32 s10, $0x1;
	s10 =	sld [smem:$0x3FA1];
	_ =	sdelay $0x3  }
0x37: {  	[smem:$0x3FA1] =	sst s10  }
0x38: {  	s10 =	sld [smem:$0x3FA2]  }
0x39: {  	_ = 	snop;
	(pc) =	sbr.ind lr, $3  }
0x3a: {  	_ = 	snop  }
0x3b: {  	_ = 	snop  }
0x3c: {  	p2 =	seq.s32 s10, $0x1;
	s10 =	sld [smem:$0x3FA1]  }
0x3d: {  	_ =	shalt  }
0x3e: {  	_ =	shalt  }
0x3f: {  	_ =	shalt  }
0x40: {  	_ =	shalt  }
0x41: {  	_ =	shalt  }
0x42: {  	_ =	shalt  }
0x43: {  	_ =	shalt  }
0x44: {  	_ =	shalt  }
0x45: {  	_ =	shalt  }
0x46: {  	_ =	shalt  }
0x47: {  	_ =	shalt  }
0x48: {  	_ =	shalt  }
0x49: {  	_ =	shalt  }
0x4a: {  	_ =	shalt  }
0x4b: {  	_ =	shalt  }
0x4c: {  	_ =	shalt  }
0x4d: {  	_ =	shalt  }
0x4e: {  	_ =	shalt  }
0x4f: {  	_ =	shalt  }
0x50: {  	_ =	shalt  }
0x51: {  	_ =	shalt  }
0x52: {  	_ =	shalt  }
0x53: {  	_ =	shalt  }
0x54: {  	_ =	shalt  }
0x55: {  	_ =	shalt  }
0x56: {  	_ =	shalt  }
0x57: {  	_ =	shalt  }
0x58: {  	_ =	shalt  }
0x59: {  	_ =	shalt  }
0x5a: {  	_ =	shalt  }
0x5b: {  	_ =	shalt  }
0x5c: {  	_ =	shalt  }
0x5d: {  	_ =	shalt  }
0x5e: {  	_ =	shalt  }
0x5f: {  	_ =	shalt  }
0x60: {  	_ =	shalt  }
0x61: {  	_ =	shalt  }
0x62: {  	_ =	shalt  }
0x63: {  	_ =	shalt  }
0x64: {  	_ =	shalt  }
0x65: {  	_ =	shalt  }
0x66: {  	_ =	shalt  }
0x67: {  	_ =	shalt  }
0x68: {  	_ =	shalt  }
0x69: {  	_ =	shalt  }
0x6a: {  	_ =	shalt  }
0x6b: {  	_ =	shalt  }
0x6c: {  	_ =	shalt  }
0x6d: {  	_ =	shalt  }
0x6e: {  	_ =	shalt  }
0x6f: {  	_ =	shalt  }
0x70: {  	_ =	shalt  }
0x71: {  	_ =	shalt  }
0x72: {  	_ =	shalt  }
0x73: {  	_ =	shalt  }
0x74: {  	_ =	shalt  }
0x75: {  	_ =	shalt  }
0x76: {  	_ =	shalt  }
0x77: {  	_ =	shalt  }
0x78: {  	_ =	shalt  }
0x79: {  	_ =	shalt  }
0x7a: {  	_ =	shalt  }
0x7b: {  	_ =	shalt  }
0x7c: {  	_ =	shalt  }
0x7d: {  	_ =	shalt  }
0x7e: {  	_ =	shalt  }
0x7f: {  	_ =	shalt  }
0x80: {  	_ =	shalt  }
0x81: {  	_ =	shalt  }
0x82: {  	_ =	shalt  }
0x83: {  	_ =	shalt  }
0x84: {  	_ =	shalt  }
0x85: {  	_ =	shalt  }
0x86: {  	_ =	shalt  }
0x87: {  	_ =	shalt  }
.Lfunc_end0:
.L_simem_size_0:
called_computation_lowered:
.L_overlay_start_0:
0x88: {  	s2 =	sld [smem:$0x3FD9]  }
0x89: {  	s3 =	sld [smem:$0x3FFE];
	_ =	sdelay $0x1  }
0x8a: {  	s1 =	srdreg.scid  }
0x8b: {  	s0 =	sand.u32 $0x1, s1  }
0x8c: {  	s17 =	sshll.u32 s0, $0xA;
	s2 =	sadd.s32 s3, s2  }
0x8d: {  	s2 =	sadd.s32 s2, s17  }
0x8e: {  	[smem:$0x3FAD] =	sst s2  }
0x8f: {  	_ = 	snop  }
0x90: {  	s2 =	sld [smem:$0x3FC5]  }
0x91: {  	s18 =	sld [smem:$0x3FC4]  }
0x92: {  	s4 =	sld [smem:$0x3FC3]  }
0x93: {  	s5 =	sld [smem:$0x3FC2]  }
0x94: {  	s6 =	sld [smem:$0x3FC1]  }
0x95: {  	s7 =	sld [smem:$0x3FD0];
	(tm) =	ssettm $0x1  }
0x96: {  	s8 =	sld [smem:$0x3FFB];
	_ =	sdelay $0x3  }
0x97: {  	_ =	strace s8  }
0x98: {  	s8 =	sld [smem:$0x3FFC];
	_ =	sdelay $0x3  }
0x99: {  	_ =	strace s8  }
0x9a: {  	s8 =	sld [smem:$0x3FFD];
	_ =	sdelay $0x3  }
0x9b: {  	_ =	strace s8  }
0x9c: {  	_ =	strace $0x8FFFFFFF  }
0x9d: {  	s19 =	sld [smem:$0x3FDB];
	_ =	sdelay $0x1  }
0x9e: {  	s9 =	simm.s32 $_scs_section_size  }
0x9f: {  	s10 =	simm.s32 $_size__tile_overlayer_lowered;
	s11 =	simm.s32 $_tile_overlayer_lowered  }
0xa0: {  	s22 =	simm.s32 $0x1BFF;
	s21 =	sshll.u32 s11, $0x1;
	s8 =	sadd.s32 s9, s19  }
0xa1: {  	s12 =	simm.s32 $0x0;
	s20 =	sshll.u32 s10, $0x1;
	s10 =	sadd.s32 s21, s8  }
0xa2: {  	[timem:s12], [sflag:s22] =	dma.local [hbm:s10], s20  }
0xa3: {  	_ =	swait.ge [sflag:s22], s20  }
0xa4: {  	s9 =	ssub.s32 $0x0, s20;
	[sflag:s22] =	ssyncset.done $0x0  }
0xa5: {  	[sflag:s22] =	ssyncadd.s32 s9;
	_ =	sdelay $0x1  }
0xa6: {  	s23 =	simm.s32 $0x1B8B  }
0xa7: {  	_ =	swait.ge [sflag:s23], $0x1  }
0xa8: {  	[sflag:s23] =	ssyncset.done $0x0  }
0xa9: {  	s25 =	simm.s32 $0x1B8E;
	s24 =	sld [smem:$0x3FFE];
	[sflag:s23] =	ssyncadd.s32 $0xFFFFFFFF  }
0xaa: {  	s26 =	simm.s32 $execute0_lowered;
	[smem:$0x3FD2] =	sst s25  }
0xab: {  	s10 =	sshll.u32 s26, $0x1;
	_ =	strace $0x80000046;
	[dreg:$0x1] =	wrdreg $0xFFFFFFFF  }
0xac: {  	s28 =	simm.s32 $_size_execute0_lowered;
	s8 =	sadd.s32 s8, s10;
	[dreg:$0x0] =	wrdreg $0x0  }
0xad: {  	s10 =	sshll.u32 s28, $0x1;
	[dreg:$0x2] =	wrdreg s8  }
0xae: {  	[dreg:$0x3] =	wrdreg s10  }
0xaf: {  	[dreg:$0x4] =	wrdreg $0xC0  }
0xb0: {  	_ =	task [dreg:s12], $0x5FFFF  }
0xb1: {  	[dreg:$0x1] =	wrdreg $0xFFFFFFFF  }
0xb2: {  	[dreg:$0x0] =	wrdreg $0x60  }
0xb3: {  	[dreg:$0x2] =	wrdreg s24  }
0xb4: {  	[dreg:$0x3] =	wrdreg s2  }
0xb5: {  	[dreg:$0x4] =	wrdreg s18  }
0xb6: {  	[dreg:$0x5] =	wrdreg s4  }
0xb7: {  	[dreg:$0x6] =	wrdreg s5  }
0xb8: {  	[dreg:$0x7] =	wrdreg s6  }
0xb9: {  	[dreg:$0x8] =	wrdreg s7  }
0xba: {  	[dreg:$0x9] =	wrdreg $0x9  }
0xbb: {  	_ =	task.clear_ibuf [dreg:s12], $0xAFFFF;
	_ =	strace $0x90000046  }
0xbc: {  	s29 =	simm.s32 $0x9;
	_ =	strace $0x80000048  }
0xbd: {  	_ =	swait.ge [sflag:s29], $0x1  }
0xbe: {  	[sflag:s29] =	ssyncadd.s32 $0xFFFFFFFF  }
0xbf: {  	_ =	strace $0x90000048  }
0xc0: {  	_ =	sfence  }
0xc1: {  	s30 =	sld [smem:$0x0];
	_ =	sdelay $0x2  }
0xc2: {  	s31 =	sshll.u32 s1, $0xD;
	s1 =	sshrl.u32 s1, $0x2  }
0xc3: {  	s3 =	sand.u32 $0x4000, s31;
	s1 =	sadd.s32 s1, s30  }
0xc4: {  	s0 =	sor.u32 s3, s0;
	s1 =	sshll.u32 s1, $0x11  }
0xc5: {  	s0 =	sor.u32 s1, s0  }
0xc6: {  	s0 =	sadd.s32 $0x8F2B, s0  }
0xc7: {  	[sflag:s0] =	ssyncadd.remote.s32 $0x1  }
0xc8: {  	_ =	sfence.sel $0xFFFF  }
0xc9: {  	[dreg:$0x0] =	wrdreg $0xFFFFFFFF;
	(pc) =	sbr.abs _section_cstart, $3  }
0xca: {  	[dreg:$0x1] =	wrdreg $0xFFFFFFFF  }
0xcb: {  	_ =	task.clear_ibuf [dreg:s12], $0x2FFFF;
	_ =	strace $0x9FFFFFFF  }
0xcc: {  	(tm) =	ssettm $0x7FFFFFFF  }
0xcd: {  	_ =	shalt  }
tec
execute0_lowered:
.L_overlay_start_1:
0x0: {  	(tag) =	ssettag $0x1  }
0x1: {  	s0 =	rddreg [dreg:$0x0]  }
0x2: {  	s1 =	rddreg [dreg:$0x1]  }
0x3: {  	s2 =	rddreg [dreg:$0x2]  }
0x4: {  	s6 =	rddreg [dreg:$0x3]  }
0x5: {  	s7 =	rddreg [dreg:$0x4]  }
0x6: {  	s3 =	srdreg.scid;
	s8 =	rddreg [dreg:$0x5]  }
0x7: {  	s5 =	stileid.u32;
	s28 =	simm.s32 $0x80;
	s29 =	simm.s32 $0x13748  }
0x8: {  	s30 =	simm.s32 $0x1;
	s9 =	sand.u32 $0x1, s3;
	s3 =	simm.s32 $0x0  }
0x9: {  	s31 =	simm.s32 $0x114C8;
	s11 =	sadd.s32 $0xC9E00, s0;
	[smem:$0x7FF] =	sst s3  }
0xa: {  	s15 =	sadd.s32 $0xFC000, s0;
	_ =	strace $0x80000047;
	[dreg:$0x8] =	wrdreg s11  }
0xb: {  	s5 =	sshll.u32 s5, $0x7;
	s16 =	sadd.s32 $0xFC200, s0;
	[dreg:$0x9] =	wrdreg s15  }
0xc: {  	s17 =	sadd.s32 $0xFC400, s0;
	s18 =	sadd.s32 $0xFE000, s0;
	[dreg:$0xa] =	wrdreg s16  }
0xd: {  	s4 =	sshll.u32 s9, $0xB;
	s9 =	ssub.s32 $0x2, s9;
	[dreg:$0xb] =	wrdreg s17  }
0xe: {  	s4 =	sor.u32 s5, s4;
	s5 =	sadd.s32 $0x5E00, s0;
	[dreg:$0xc] =	wrdreg s18  }
0xf: {  	s11 =	sadd.s32 $0x108200, s0;
	s13 =	sshrl.u32 s9, $0x1;
	s10 =	smul.u32 $0x19, s4  }
0x10: {  	s12 =	sshll.u32 s4, $0x1;
	s9 =	ssub.s32 s9, s13;
	s19 =	sshrl.u32 s4, $0x3  }
0x11: {  	s1 =	sadd.s32 s1, s19;
	s21 =	sadd.s32 s2, s19;
	s23 =	sadd.s32 s6, s19  }
0x12: {  	s25 =	sadd.s32 s7, s19;
	s2 =	simm.s32 $0x60;
	[dreg:$0xd] =	wrdreg s1  }
0x13: {  	s6 =	simm.s32 $0x2;
	s7 =	simm.s32 $0x0;
	[dreg:$0xf] =	wrdreg s21  }
0x14: {  	s10 =	sadd.s32 s10, s0;
	s0 =	sadd.s32 s12, s0;
	[dreg:$0x11] =	wrdreg s23  }
0x15: {  	[dreg:$0x13] =	wrdreg s25;
	s25 =	simm.s32 $0x136C8;
	s20 =	sadd.s32 $0xFE200, s0  }
0x16: {  	s1 =	simm.s32 $0x68;
	s22 =	sadd.s32 $0x100200, s0;
	[dreg:$0xe] =	wrdreg s20  }
0x17: {  	s24 =	sadd.s32 $0x102200, s0;
	s26 =	sadd.s32 $0x104200, s0;
	[dreg:$0x10] =	wrdreg s22  }
0x18: {  	s21 =	sadd.s32 $0x106200, s0;
	s23 =	sadd.s32 $0xE3000, s10;
	[dreg:$0x12] =	wrdreg s24  }
0x19: {  	s0 =	simm.s32 $0xFAC8;
	[dreg:$0x14] =	wrdreg s26;
	s20 =	sadd.s32 s8, s19  }
0x1a: {  	v0 =	vimm.bf16 $0.0e+00;
	s22 =	sadd.s32 $0xCA000, s10;
	s24 =	smax.u32 s9, $0x1;
	s26 =	simm.s32 $0x3  }
.LBB2_1:
0x1b: {  	s8 =	rddreg [dreg:$0xd]  }
0x1c: {  	[tilespmem:s25], [sflag:$0x3] =	stream.linear.gather [hbm4b:s8+s3], $0x80, $0x38;
	[tilespmem:$0x13F48] =	vst v63  }
0x1d: {  	_ =	swait.ge [sflag:s26], $0x80  }
0x1e: {  	[sflag:s26] =	ssyncset.done $0x0  }
0x1f: {  	[sflag:s26] =	ssyncadd.s32 $0xFFFFFF80  }
0x20: {  	s15 =	rddreg [dreg:$0x6]  }
0x21: {  	[tilespmem:s29], [sflag:$0x1] =	stream.indirect.gather [hbm4b:s15+s28], $0x10, s25, s28, $0xb8;
	[tilespmem:$0x13F48] =	vst v63  }
0x22: {  	_ =	swait.ge [sflag:s30], $0x800  }
0x23: {  	[sflag:s30] =	ssyncset.done $0x0  }
0x24: {  	s16 =	rddreg [dreg:$0xe];
	[sflag:s30] =	ssyncadd.s32 $0xFFFFF800  }
0x25: {  	[hbm4b:s16+s3] =	stream.linear.scatter [tilespmem:s29], [sflag:$0x3], $0x800, $0x38;
	[tilespmem:$0x13F48] =	vst v63  }
0x26: {  	_ =	swait.ge [sflag:s26], $0x800  }
0x27: {  	[sflag:s26] =	ssyncset.done $0x0  }
0x28: {  	s17 =	rddreg [dreg:$0xf];
	[sflag:s26] =	ssyncadd.s32 $0xFFFFF800  }
0x29: {  	[tilespmem:s25], [sflag:$0x3] =	stream.linear.gather [hbm4b:s17+s3], $0x80, $0x38;
	[tilespmem:$0x13F48] =	vst v63  }
0x2a: {  	_ =	swait.ge [sflag:s26], $0x80  }
0x2b: {  	[sflag:s26] =	ssyncset.done $0x0  }
0x2c: {  	s18 =	rddreg [dreg:$0x9];
	[sflag:s26] =	ssyncadd.s32 $0xFFFFFF80  }
0x2d: {  	[tilespmem:s29], [sflag:$0x1] =	stream.indirect.gather [hbm4b:s18+s28], $0x10, s25, s28, $0xb8;
	[tilespmem:$0x13F48] =	vst v63  }
0x2e: {  	_ =	swait.ge [sflag:s30], $0x800  }
0x2f: {  	[sflag:s30] =	ssyncset.done $0x0  }
0x30: {  	s19 =	rddreg [dreg:$0x10];
	[sflag:s30] =	ssyncadd.s32 $0xFFFFF800  }
0x31: {  	[hbm4b:s19+s3] =	stream.linear.scatter [tilespmem:s29], [sflag:$0x3], $0x800, $0x38;
	[tilespmem:$0x13F48] =	vst v63  }
0x32: {  	_ =	swait.ge [sflag:s26], $0x800  }
0x33: {  	[sflag:s26] =	ssyncset.done $0x0  }
0x34: {  	s9 =	rddreg [dreg:$0x11];
	[sflag:s26] =	ssyncadd.s32 $0xFFFFF800  }
0x35: {  	[tilespmem:s25], [sflag:$0x3] =	stream.linear.gather [hbm4b:s9+s3], $0x80, $0x38;
	[tilespmem:$0x13F48] =	vst v63  }
0x36: {  	_ =	swait.ge [sflag:s26], $0x80  }
0x37: {  	[sflag:s26] =	ssyncset.done $0x0  }
0x38: {  	s10 =	rddreg [dreg:$0xa];
	[sflag:s26] =	ssyncadd.s32 $0xFFFFFF80  }
0x39: {  	[tilespmem:s29], [sflag:$0x1] =	stream.indirect.gather [hbm4b:s10+s28], $0x10, s25, s28, $0xb8;
	[tilespmem:$0x13F48] =	vst v63  }
0x3a: {  	_ =	swait.ge [sflag:s30], $0x800  }
0x3b: {  	[sflag:s30] =	ssyncset.done $0x0  }
0x3c: {  	s12 =	rddreg [dreg:$0x12];
	[sflag:s30] =	ssyncadd.s32 $0xFFFFF800  }
0x3d: {  	[hbm4b:s12+s3] =	stream.linear.scatter [tilespmem:s29], [sflag:$0x3], $0x800, $0x38;
	[tilespmem:$0x13F48] =	vst v63  }
0x3e: {  	_ =	swait.ge [sflag:s26], $0x800  }
0x3f: {  	[sflag:s26] =	ssyncset.done $0x0  }
0x40: {  	s13 =	rddreg [dreg:$0x13];
	[sflag:s26] =	ssyncadd.s32 $0xFFFFF800  }
0x41: {  	[tilespmem:s25], [sflag:$0x3] =	stream.linear.gather [hbm4b:s13+s3], $0x80, $0x38;
	[tilespmem:$0x13F48] =	vst v63  }
0x42: {  	_ =	swait.ge [sflag:s26], $0x80  }
0x43: {  	[sflag:s26] =	ssyncset.done $0x0  }
0x44: {  	s14 =	rddreg [dreg:$0xb];
	[sflag:s26] =	ssyncadd.s32 $0xFFFFFF80  }
0x45: {  	[tilespmem:s29], [sflag:$0x1] =	stream.indirect.gather [hbm4b:s14+s28], $0x10, s25, s28, $0xb8;
	[tilespmem:$0x13F48] =	vst v63  }
0x46: {  	_ =	swait.ge [sflag:s30], $0x800  }
0x47: {  	[sflag:s30] =	ssyncset.done $0x0  }
0x48: {  	s15 =	rddreg [dreg:$0x14];
	[sflag:s30] =	ssyncadd.s32 $0xFFFFF800  }
0x49: {  	[hbm4b:s15+s3] =	stream.linear.scatter [tilespmem:s29], [sflag:$0x3], $0x800, $0x38;
	[tilespmem:$0x13F48] =	vst v63  }
0x4a: {  	_ =	swait.ge [sflag:s26], $0x800  }
0x4b: {  	[sflag:s26] =	ssyncset.done $0x0  }
0x4c: {  	[sflag:s26] =	ssyncadd.s32 $0xFFFFF800  }
0x4d: {  	[tilespmem:s25], [sflag:$0x3] =	stream.linear.gather [hbm4b:s20+s3], $0x80, $0x38;
	[tilespmem:$0x13F48] =	vst v63  }
0x4e: {  	_ =	swait.ge [sflag:s26], $0x80  }
0x4f: {  	[sflag:s26] =	ssyncset.done $0x0  }
0x50: {  	s16 =	rddreg [dreg:$0xc];
	[sflag:s26] =	ssyncadd.s32 $0xFFFFFF80  }
0x51: {  	[tilespmem:s29], [sflag:$0x1] =	stream.indirect.gather [hbm4b:s16+s28], $0x10, s25, s28, $0xb8;
	[tilespmem:$0x13F48] =	vst v63  }
0x52: {  	_ =	swait.ge [sflag:s30], $0x800  }
0x53: {  	[sflag:s30] =	ssyncset.done $0x0  }
0x54: {  	[sflag:s30] =	ssyncadd.s32 $0xFFFFF800  }
0x55: {  	[hbm4b:s21+s3] =	stream.linear.scatter [tilespmem:s29], [sflag:$0x3], $0x800, $0x38;
	[tilespmem:$0x13F48] =	vst v63  }
0x56: {  	_ =	swait.ge [sflag:s26], $0x800  }
0x57: {  	[sflag:s26] =	ssyncset.done $0x0  }
0x58: {  	s9 =	simm.s32 $0x134C8;
	s17 =	rddreg [dreg:$0x8];
	[sflag:s26] =	ssyncadd.s32 $0xFFFFF800  }
0x59: {  	[tilespmem:s9], [sflag:$0x3] =	stream.linear.gather [hbm4b:s17+s3], $0x200, $0x38;
	[tilespmem:$0x13F48] =	vst v63  }
0x5a: {  	_ =	swait.ge [sflag:s26], $0x200  }
0x5b: {  	[sflag:s26] =	ssyncset.done $0x0  }
0x5c: {  	[sflag:s26] =	ssyncadd.s32 $0xFFFFFE00  }
0x5d: {  	[tilespmem:s3], [sflag:$0x3] =	stream.linear.gather [hbm4b:s22+s3], $0x6400, $0x38;
	[tilespmem:$0x13F48] =	vst v63  }
0x5e: {  	_ =	swait.ge [sflag:s26], $0x6400  }
0x5f: {  	[sflag:s26] =	ssyncset.done $0x0  }
0x60: {  	s8 =	simm.s32 $0x6400;
	[sflag:s26] =	ssyncadd.s32 $0xFFFF9C00  }
0x61: {  	[tilespmem:s8], [sflag:$0x3] =	stream.linear.gather [hbm4b:s23+s3], $0x6400, $0x38;
	[tilespmem:$0x13F48] =	vst v63  }
0x62: {  	_ =	swait.ge [sflag:s26], $0x6400  }
0x63: {  	[sflag:s26] =	ssyncset.done $0x0  }
0x64: {  	s18 =	simm.s32 $0xC8C8;
	[sflag:s26] =	ssyncadd.s32 $0xFFFF9C00  }
0x65: {  	[tilespmem:s18], [sflag:$0x1] =	stream.indirect.gather [hbm4b:s5+s1], $0x40, s3, s1, $0xb8;
	[tilespmem:$0x13F48] =	vst v63  }
0x66: {  	s19 =	simm.s32 $0xE2C8;
	s10 =	simm.s32 $0x0;
	s9 =	simm.s32 $0x64C8  }
0x67: {  	[tilespmem:s19], [sflag:$0x1] =	stream.indirect.gather [hbm4b:s5+s2], $0x40, s1, s2, $0xb8;
	[tilespmem:$0x13F48] =	vst v63  }
.LBB2_2:
0x68: {  	s12 =	sshllo.u32 s10, $0x1  }
0x69: {  	s13 =	smul.u32 $0xC8, s12;
	_ =	sdelay $0x1  }
0x6a: {  	[tilespmem:s0], [sflag:$0x2] =	stream.indirect.gather [hbm4b:s5+s1], $0x40, s13, s1, $0xb8;
	[tilespmem:$0x13F48] =	vst v63  }
0x6b: {  	v1 =	vmov s8;
	s13 =	sadd.s32 $0x68, s13  }
0x6c: {  	[tilespmem:s31], [sflag:$0x2] =	stream.indirect.gather [hbm4b:s5+s2], $0x40, s13, s2, $0xb8;
	[tilespmem:$0x13F48] =	vst v63  }
0x6d: {  	_ =	swait.ge [sflag:s30], $0x3200  }
0x6e: {  	[sflag:s30] =	ssyncset.done $0x0  }
0x6f: {  	s15 =	simm.s32 $0x0;
	[sflag:s30] =	ssyncadd.s32 $0xFFFFCE00  }
0x70: {  	v2 =	vld.idx.msk [tilespmem:v1+s15+$0x0 ss:$0x1], $0xffff;
	_ =	sdelay $0x4  }
0x71: {  	v2 =	vshll.u32 v2, $0x6  }
0x72: {  	(v2sf) =	vpush v2, $0x0  }
0x73: {  	(v2sf) =	vpush v2, $0x1;
	_ =	sdelay $0x1  }
0x74: {  	(v2sf) =	vpush v2, $0x2  }
0x75: {  	(v2sf) =	vpush v2, $0x3  }
0x76: {  	(v2sf) =	vpush v2, $0x4  }
0x77: {  	(v2sf) =	vpush v2, $0x5  }
0x78: {  	(v2sf) =	vpush v2, $0x6  }
0x79: {  	(v2sf) =	vpush v2, $0x7  }
0x7a: {  	(v2sf) =	vpush v2, $0x8  }
0x7b: {  	s14 =	simm.s32 $0x10;
	(v2sf) =	vpush v2, $0x9  }
0x7c: {  	v3 =	vld.idx.msk [tilespmem:v1+s14+$0x0 ss:$0x1], $0xffff;
	(v2sf) =	vpush v2, $0xA  }
0x7d: {  	(v2sf) =	vpush v2, $0xB  }
0x7e: {  	(v2sf) =	vpush v2, $0xC  }
0x7f: {  	(v2sf) =	vpush v2, $0xD  }
0x80: {  	(v2sf) =	vpush v2, $0xE;
	s18 =	spop (v2sf)  }
0x81: {  	(v2sf) =	vpush v2, $0xF;
	v2 =	vshll.u32 v3, $0x6;
	[smem:s15] =	sst s18;
	s19 =	spop (v2sf)  }
0x82: {  	(v2sf) =	vpush v2, $0x0;
	[smem:$0x1] =	sst s19  }
0x83: {  	s13 =	spop (v2sf)  }
0x84: {  	(v2sf) =	vpush v2, $0x1;
	[smem:$0x2] =	sst s13  }
0x85: {  	s13 =	spop (v2sf)  }
0x86: {  	(v2sf) =	vpush v2, $0x2;
	[smem:$0x3] =	sst s13  }
0x87: {  	s13 =	spop (v2sf)  }
0x88: {  	(v2sf) =	vpush v2, $0x3;
	[smem:$0x4] =	sst s13  }
0x89: {  	s13 =	spop (v2sf)  }
0x8a: {  	(v2sf) =	vpush v2, $0x4;
	[smem:$0x5] =	sst s13  }
0x8b: {  	s13 =	spop (v2sf)  }
0x8c: {  	(v2sf) =	vpush v2, $0x5;
	[smem:$0x6] =	sst s13  }
0x8d: {  	s13 =	spop (v2sf)  }
0x8e: {  	(v2sf) =	vpush v2, $0x6;
	[smem:$0x7] =	sst s13  }
0x8f: {  	s13 =	spop (v2sf)  }
0x90: {  	(v2sf) =	vpush v2, $0x7;
	[smem:$0x8] =	sst s13  }
0x91: {  	s13 =	spop (v2sf)  }
0x92: {  	(v2sf) =	vpush v2, $0x8;
	[smem:$0x9] =	sst s13  }
0x93: {  	s13 =	spop (v2sf)  }
0x94: {  	(v2sf) =	vpush v2, $0x9;
	[smem:$0xA] =	sst s13  }
0x95: {  	s16 =	simm.s32 $0x20;
	s13 =	spop (v2sf)  }
0x96: {  	v3 =	vld.idx.msk [tilespmem:v1+s16+$0x0 ss:$0x1], $0xffff;
	(v2sf) =	vpush v2, $0xA;
	[smem:$0xB] =	sst s13  }
0x97: {  	s13 =	spop (v2sf)  }
0x98: {  	(v2sf) =	vpush v2, $0xB;
	[smem:$0xC] =	sst s13  }
0x99: {  	s13 =	spop (v2sf)  }
0x9a: {  	(v2sf) =	vpush v2, $0xC;
	[smem:$0xD] =	sst s13  }
0x9b: {  	s13 =	spop (v2sf)  }
0x9c: {  	(v2sf) =	vpush v2, $0xD;
	[smem:$0xE] =	sst s13  }
0x9d: {  	s17 =	simm.s32 $0xC0;
	s13 =	smul.u32 $0x640, s10;
	s18 =	spop (v2sf)  }
.LBB2_3:
0x9e: {  	p0 =	sne.s32 s17, $0x300;
	[smem:s15+$0xF] =	sst s18;
	s18 =	smov.u32 s17  }
0x9f: {  	(v2sf) =	vpush v2, $0xE;
	s17 =	sadd.s32 $0x40, s17;
	s15 =	smov.u32 s14;
	s14 =	smov.u32 s16  }
0xa0: {  	s16 =	spop (v2sf);
	(v2sf) =	vpush v2, $0xF  }
0xa1: {  	v2 =	vshll.u32 v3, $0x6;
	[smem:s15] =	sst s16;
	s16 =	spop (v2sf)  }
0xa2: {  	(v2sf) =	vpush v2, $0x0;
	[smem:s15+$0x1] =	sst s16;
	s16 =	spop (v2sf)  }
0xa3: {  	(v2sf) =	vpush v2, $0x1;
	[smem:s15+$0x2] =	sst s16;
	s16 =	spop (v2sf)  }
0xa4: {  	(v2sf) =	vpush v2, $0x2;
	[smem:s15+$0x3] =	sst s16;
	s16 =	spop (v2sf)  }
0xa5: {  	(v2sf) =	vpush v2, $0x3;
	[smem:s15+$0x4] =	sst s16;
	s16 =	spop (v2sf)  }
0xa6: {  	(v2sf) =	vpush v2, $0x4;
	[smem:s15+$0x5] =	sst s16;
	s16 =	spop (v2sf)  }
0xa7: {  	(v2sf) =	vpush v2, $0x5;
	[smem:s15+$0x6] =	sst s16;
	s16 =	spop (v2sf)  }
0xa8: {  	(v2sf) =	vpush v2, $0x6;
	[smem:s15+$0x7] =	sst s16;
	s16 =	spop (v2sf)  }
0xa9: {  	(v2sf) =	vpush v2, $0x7;
	[smem:s15+$0x8] =	sst s16;
	s16 =	spop (v2sf)  }
0xaa: {  	(v2sf) =	vpush v2, $0x8;
	[smem:s15+$0x9] =	sst s16;
	s19 =	spop (v2sf)  }
0xab: {  	[smem:s15+$0xA] =	sst s19  }
.Ltmp0:
0xac: {  	s16 =	sshra.s32 s18, $0x2;
	(v2sf) =	vpush v2, $0x9;
	s18 =	spop (v2sf);
	(pc) =	sbr.rel @p0 .LBB2_3-.Ltmp0, $4  }
0xad: {  	v3 =	vld.idx.msk [tilespmem:v1+s16+$0x0 ss:$0x1], $0xffff;
	(v2sf) =	vpush v2, $0xA;
	[smem:s15+$0xB] =	sst s18;
	s18 =	spop (v2sf)  }
0xae: {  	(v2sf) =	vpush v2, $0xB;
	[smem:s15+$0xC] =	sst s18;
	s18 =	spop (v2sf)  }
0xaf: {  	(v2sf) =	vpush v2, $0xC;
	[smem:s15+$0xD] =	sst s18;
	s18 =	spop (v2sf)  }
0xb0: {  	(v2sf) =	vpush v2, $0xD;
	[smem:s15+$0xE] =	sst s18;
	s18 =	spop (v2sf)  }
0xb1: {  	(v2sf) =	vpush v2, $0xE  }
0xb2: {  	[smem:s15+$0xF] =	sst s18;
	s17 =	spop (v2sf);
	(v2sf) =	vpush v2, $0xF;
	v1 =	vshll.u32 v3, $0x6  }
0xb3: {  	[smem:s14] =	sst s17;
	s18 =	spop (v2sf);
	(v2sf) =	vpush v1, $0x0  }
0xb4: {  	[smem:s14+$0x1] =	sst s18;
	s19 =	spop (v2sf);
	(v2sf) =	vpush v1, $0x1  }
0xb5: {  	[smem:s14+$0x2] =	sst s19;
	s17 =	spop (v2sf);
	(v2sf) =	vpush v1, $0x2  }
0xb6: {  	[smem:s14+$0x3] =	sst s17;
	s18 =	spop (v2sf);
	(v2sf) =	vpush v1, $0x3  }
0xb7: {  	[smem:s14+$0x4] =	sst s18;
	s19 =	spop (v2sf);
	(v2sf) =	vpush v1, $0x4  }
0xb8: {  	[smem:s14+$0x5] =	sst s19;
	s17 =	spop (v2sf);
	(v2sf) =	vpush v1, $0x5  }
0xb9: {  	[smem:s14+$0x6] =	sst s17;
	s18 =	spop (v2sf);
	(v2sf) =	vpush v1, $0x6  }
0xba: {  	[smem:s14+$0x7] =	sst s18;
	s19 =	spop (v2sf);
	(v2sf) =	vpush v1, $0x7  }
0xbb: {  	[smem:s14+$0x8] =	sst s19;
	s17 =	spop (v2sf);
	(v2sf) =	vpush v1, $0x8  }
0xbc: {  	[smem:s14+$0x9] =	sst s17;
	s18 =	spop (v2sf);
	(v2sf) =	vpush v1, $0x9  }
0xbd: {  	[smem:s14+$0xA] =	sst s18;
	s19 =	spop (v2sf);
	(v2sf) =	vpush v1, $0xA  }
0xbe: {  	[smem:s14+$0xB] =	sst s19;
	s17 =	spop (v2sf);
	(v2sf) =	vpush v1, $0xB  }
0xbf: {  	[smem:s14+$0xC] =	sst s17;
	s18 =	spop (v2sf);
	(v2sf) =	vpush v1, $0xC  }
0xc0: {  	[smem:s14+$0xD] =	sst s18;
	s19 =	spop (v2sf);
	(v2sf) =	vpush v1, $0xD  }
0xc1: {  	[smem:s14+$0xE] =	sst s19;
	s17 =	spop (v2sf);
	(v2sf) =	vpush v1, $0xE  }
0xc2: {  	[smem:s14+$0xF] =	sst s17;
	s18 =	spop (v2sf);
	(v2sf) =	vpush v1, $0xF  }
0xc3: {  	[smem:s16] =	sst s18;
	s19 =	spop (v2sf)  }
0xc4: {  	[smem:s16+$0x1] =	sst s19;
	s15 =	spop (v2sf)  }
0xc5: {  	[smem:s16+$0x2] =	sst s15;
	s17 =	spop (v2sf)  }
0xc6: {  	[smem:s16+$0x3] =	sst s17;
	s18 =	spop (v2sf)  }
0xc7: {  	[smem:s16+$0x4] =	sst s18;
	s19 =	spop (v2sf)  }
0xc8: {  	[smem:s16+$0x5] =	sst s19;
	s15 =	spop (v2sf)  }
0xc9: {  	[smem:s16+$0x6] =	sst s15;
	s17 =	spop (v2sf)  }
0xca: {  	[smem:s16+$0x7] =	sst s17;
	s18 =	spop (v2sf)  }
0xcb: {  	[smem:s16+$0x8] =	sst s18;
	s19 =	spop (v2sf)  }
0xcc: {  	[smem:s16+$0x9] =	sst s19;
	s15 =	spop (v2sf)  }
0xcd: {  	[smem:s16+$0xA] =	sst s15;
	s17 =	spop (v2sf)  }
0xce: {  	[smem:s16+$0xB] =	sst s17;
	s18 =	spop (v2sf)  }
0xcf: {  	[smem:s16+$0xC] =	sst s18;
	s19 =	spop (v2sf)  }
0xd0: {  	[smem:s16+$0xD] =	sst s19;
	s15 =	spop (v2sf)  }
0xd1: {  	s18 =	simm.s32 $0xC8E8;
	[smem:s16+$0xE] =	sst s15;
	s17 =	spop (v2sf)  }
0xd2: {  	v2 =	vld [tilespmem:s18+$0x10];
	[smem:s16+$0xF] =	sst s17  }
0xd3: {  	s14 =	sld [smem:$0x0];
	v4 =	vld [tilespmem:s18+$0x0]  }
0xd4: {  	v1 =	vld [tilespmem:s18+$0xFFFFFFF0]  }
0xd5: {  	v5 =	vld [tilespmem:s18+$0xFFFFFFE0]  }
0xd6: {  	v6 =	vld [tilespmem:s14+$0x134C8]  }
0xd7: {  	v7 =	vld [tilespmem:s14+$0x134D8]  }
0xd8: {  	v9 =	vld [tilespmem:s14+$0x134E8]  }
0xd9: {  	v11 =	vld [tilespmem:s14+$0x134F8];
	_ =	sdelay $0x1  }
0xda: {  	s19 =	simm.s32 $0xC928  }
0xdb: {  	v3 =	vld [tilespmem:s19+$0x10];
	s15 =	sld [smem:$0x1]  }
0xdc: {  	v8 =	vld [tilespmem:s19+$0x0];
	v6 =	vadd.bf16 v6, v5;
	v7 =	vadd.bf16 v7, v1  }
0xdd: {  	v12 =	vimm.f32 $0.0e+00;
	v10 =	vld [tilespmem:s19+$0xFFFFFFE0];
	v4 =	vadd.bf16 v9, v4;
	v2 =	vadd.bf16 v11, v2  }
0xde: {  	v15 =	vld [tilespmem:s15+$0x134C8];
	v1 =	vimm.f32 $0.0e+00;
	v11 =	vimm.f32 $0.0e+00;
	v6 =	vmax.bf16 v6, v0  }
0xdf: {  	v16 =	vld [tilespmem:s15+$0x134D8];
	v13 =	vmax.bf16 v7, v0;
	v14 =	vmax.bf16 v4, v0;
	v20 =	vmax.bf16 v2, v0  }
0xe0: {  	v5 =	vld [tilespmem:s19+$0xFFFFFFF0];
	v9 =	vunpack.i.u.bf16.f32 v6;
	v6 =	vunpack.i.l.bf16.f32 v6;
	v19 =	vunpack.i.u.bf16.f32 v20  }
0xe1: {  	v17 =	vld [tilespmem:s15+$0x134E8];
	v4 =	vadd.f32 v9, v1;
	v9 =	vunpack.i.u.bf16.f32 v14;
	v7 =	vadd.f32 v6, v1  }
0xe2: {  	s14 =	simm.s32 $0x8;
	v18 =	vld [tilespmem:s15+$0x134F8];
	s15 =	simm.s32 $0xC968;
	v6 =	vimm.f32 $0.0e+00;
	v2 =	vadd.f32 v9, v1;
	v9 =	vimm.f32 $0.0e+00  }
.LBB2_5:
0xe3: {  	s16 =	sshra.s32 s14, $0x2;
	v21 =	vld [tilespmem:s15+$0x10];
	p0 =	sne.s32 s14, $0x31C;
	s14 =	sadd.s32 $0x4, s14;
	v22 =	vunpack.i.l.bf16.f32 v13;
	v20 =	vunpack.i.l.bf16.f32 v20;
	v1 =	vadd.f32 v19, v1  }
0xe4: {  	v23 =	vunpack.i.u.bf16.f32 v13;
	s16 =	sld [smem:s16+$0x0];
	v19 =	vld [tilespmem:s15+$0x0];
	v15 =	vadd.bf16 v15, v10;
	v11 =	vadd.f32 v22, v11  }
0xe5: {  	v14 =	vunpack.i.l.bf16.f32 v14;
	v6 =	vadd.f32 v20, v6;
	v13 =	vadd.bf16 v16, v5;
	v5 =	vld [tilespmem:s15+$0xFFFFFFF0]  }
.Ltmp1:
0xe6: {  	v12 =	vadd.f32 v14, v12;
	v10 =	vld [tilespmem:s15+$0xFFFFFFE0];
	v20 =	vmax.bf16 v15, v0;
	v25 =	vadd.bf16 v17, v8;
	(pc) =	sbr.rel @p0 .LBB2_5-.Ltmp1, $4  }
0xe7: {  	v15 =	vld [tilespmem:s16+$0x134C8];
	v22 =	vunpack.i.u.bf16.f32 v20;
	v13 =	vmax.bf16 v13, v0;
	v18 =	vadd.bf16 v18, v3  }
0xe8: {  	v9 =	vadd.f32 v23, v9;
	v24 =	vunpack.i.l.bf16.f32 v20;
	v16 =	vld [tilespmem:s16+$0x134D8];
	v14 =	vmax.bf16 v25, v0;
	v3 =	vmovc v21  }
0xe9: {  	v4 =	vadd.f32 v22, v4;
	v17 =	vld [tilespmem:s16+$0x134E8];
	v21 =	vunpack.i.u.bf16.f32 v14;
	v20 =	vmax.bf16 v18, v0;
	v8 =	vmovc v19  }
0xea: {  	s15 =	sadd.s32 $0x40, s15;
	v7 =	vadd.f32 v24, v7;
	v18 =	vld [tilespmem:s16+$0x134F8];
	v2 =	vadd.f32 v21, v2;
	v19 =	vunpack.i.u.bf16.f32 v20  }
0xeb: {  	_ = 	snop  }
0xec: {  	v21 =	vunpack.i.l.bf16.f32 v13;
	v20 =	vunpack.i.l.bf16.f32 v20;
	v10 =	vadd.bf16 v15, v10  }
0xed: {  	v60 =	vunpack.i.u.bf16.f32 v13;
	v14 =	vunpack.i.l.bf16.f32 v14;
	v11 =	vadd.f32 v21, v11  }
0xee: {  	v12 =	vadd.f32 v14, v12;
	v5 =	vadd.bf16 v16, v5;
	v10 =	vmax.bf16 v10, v0  }
0xef: {  	v9 =	vadd.f32 v60, v9;
	v61 =	vunpack.i.u.bf16.f32 v10;
	v10 =	vunpack.i.l.bf16.f32 v10  }
0xf0: {  	s14 =	sshll.u32 s10, $0x8;
	v8 =	vadd.bf16 v17, v8;
	v5 =	vmax.bf16 v5, v0;
	v7 =	vadd.f32 v10, v7  }
0xf1: {  	s14 =	sand.u32 $0x700, s14;
	v3 =	vadd.bf16 v18, v3;
	v4 =	vadd.f32 v61, v4;
	v62 =	vunpack.i.l.bf16.f32 v5  }
0xf2: {  	v8 =	vmax.bf16 v8, v0;
	v5 =	vunpack.i.u.bf16.f32 v5;
	v10 =	vadd.f32 v62, v11;
	[tilespmem:s14+$0x12CC8] =	vst v7  }
0xf3: {  	v6 =	vadd.f32 v20, v6;
	v63 =	vunpack.i.l.bf16.f32 v8;
	v5 =	vadd.f32 v5, v9;
	[tilespmem:s14+$0x12CD8] =	vst v4  }
0xf4: {  	v3 =	vmax.bf16 v3, v0;
	v4 =	vunpack.i.u.bf16.f32 v8;
	v7 =	vadd.f32 v63, v12;
	[tilespmem:s14+$0x12CE8] =	vst v10  }
0xf5: {  	v1 =	vadd.f32 v19, v1;
	v2 =	vadd.f32 v4, v2;
	v4 =	vunpack.i.l.bf16.f32 v3;
	[tilespmem:s14+$0x12CF8] =	vst v5  }
0xf6: {  	v3 =	vunpack.i.u.bf16.f32 v3;
	v4 =	vadd.f32 v4, v6;
	[tilespmem:s14+$0x12D08] =	vst v7  }
0xf7: {  	p0 =	seq.s32 s10, $0x3F;
	v1 =	vadd.f32 v3, v1;
	[tilespmem:s14+$0x12D18] =	vst v2  }
0xf8: {  	s13 =	sshra.s32 @!p0 s13, $0x2;
	[tilespmem:s14+$0x12D28] =	vst v4  }
0xf9: {  	s15 =	simm.s32 @!p0 $0x68;
	s16 =	simm.s32 @!p0 $0xC8C8;
	[tilespmem:s14+$0x12D38] =	vst v1;
	s14 =	sadd.s32 @!p0 $0x190, s13  }
0xfa: {  	[tilespmem:s16], [sflag:$0x1] =	stream.indirect.gather @!p0 [hbm4b:s5+s15], $0x40, s14, s15, $0xb8;
	[tilespmem:$0x13F48] =	vst v63  }
0xfb: {  	s13 =	sadd.s32 @!p0 $0x1F8, s13;
	v1 =	vmov s9;
	s14 =	simm.s32 @!p0 $0x60;
	s15 =	simm.s32 @!p0 $0xE2C8  }
0xfc: {  	[tilespmem:s15], [sflag:$0x1] =	stream.indirect.gather @!p0 [hbm4b:s5+s14], $0x40, s13, s14, $0xb8;
	[tilespmem:$0x13F48] =	vst v63  }
0xfd: {  	_ =	swait.ge [sflag:s6], $0x3200  }
0xfe: {  	[sflag:s6] =	ssyncset.done $0x0  }
0xff: {  	s14 =	simm.s32 $0x0;
	[sflag:s6] =	ssyncadd.s32 $0xFFFFCE00  }
0x100: {  	v2 =	vld.idx.msk [tilespmem:v1+s14+$0x0 ss:$0x1], $0xffff;
	_ =	sdelay $0x4  }
0x101: {  	v2 =	vshll.u32 v2, $0x6  }
0x102: {  	(v2sf) =	vpush v2, $0x0  }
0x103: {  	(v2sf) =	vpush v2, $0x1;
	_ =	sdelay $0x1  }
0x104: {  	(v2sf) =	vpush v2, $0x2  }
0x105: {  	(v2sf) =	vpush v2, $0x3  }
0x106: {  	(v2sf) =	vpush v2, $0x4  }
0x107: {  	(v2sf) =	vpush v2, $0x5  }
0x108: {  	(v2sf) =	vpush v2, $0x6  }
0x109: {  	(v2sf) =	vpush v2, $0x7  }
0x10a: {  	(v2sf) =	vpush v2, $0x8  }
0x10b: {  	s13 =	simm.s32 $0x10;
	(v2sf) =	vpush v2, $0x9  }
0x10c: {  	v3 =	vld.idx.msk [tilespmem:v1+s13+$0x0 ss:$0x1], $0xffff;
	(v2sf) =	vpush v2, $0xA  }
0x10d: {  	(v2sf) =	vpush v2, $0xB  }
0x10e: {  	(v2sf) =	vpush v2, $0xC  }
0x10f: {  	(v2sf) =	vpush v2, $0xD  }
0x110: {  	(v2sf) =	vpush v2, $0xE;
	s17 =	spop (v2sf)  }
0x111: {  	(v2sf) =	vpush v2, $0xF;
	v2 =	vshll.u32 v3, $0x6;
	[smem:s14] =	sst s17;
	s18 =	spop (v2sf)  }
0x112: {  	(v2sf) =	vpush v2, $0x0;
	[smem:$0x1] =	sst s18  }
0x113: {  	s15 =	spop (v2sf)  }
0x114: {  	(v2sf) =	vpush v2, $0x1;
	[smem:$0x2] =	sst s15  }
0x115: {  	s15 =	spop (v2sf)  }
0x116: {  	(v2sf) =	vpush v2, $0x2;
	[smem:$0x3] =	sst s15  }
0x117: {  	s15 =	spop (v2sf)  }
0x118: {  	(v2sf) =	vpush v2, $0x3;
	[smem:$0x4] =	sst s15  }
0x119: {  	s15 =	spop (v2sf)  }
0x11a: {  	(v2sf) =	vpush v2, $0x4;
	[smem:$0x5] =	sst s15  }
0x11b: {  	s15 =	spop (v2sf)  }
0x11c: {  	(v2sf) =	vpush v2, $0x5;
	[smem:$0x6] =	sst s15  }
0x11d: {  	s15 =	spop (v2sf)  }
0x11e: {  	(v2sf) =	vpush v2, $0x6;
	[smem:$0x7] =	sst s15  }
0x11f: {  	s15 =	spop (v2sf)  }
0x120: {  	(v2sf) =	vpush v2, $0x7;
	[smem:$0x8] =	sst s15  }
0x121: {  	s15 =	spop (v2sf)  }
0x122: {  	(v2sf) =	vpush v2, $0x8;
	[smem:$0x9] =	sst s15  }
0x123: {  	s19 =	spop (v2sf)  }
0x124: {  	(v2sf) =	vpush v2, $0x9;
	[smem:$0xA] =	sst s19  }
0x125: {  	s15 =	simm.s32 $0x20;
	s16 =	spop (v2sf)  }
0x126: {  	v3 =	vld.idx.msk [tilespmem:v1+s15+$0x0 ss:$0x1], $0xffff;
	(v2sf) =	vpush v2, $0xA;
	[smem:$0xB] =	sst s16  }
0x127: {  	s16 =	spop (v2sf)  }
0x128: {  	(v2sf) =	vpush v2, $0xB;
	[smem:$0xC] =	sst s16  }
0x129: {  	s16 =	spop (v2sf)  }
0x12a: {  	(v2sf) =	vpush v2, $0xC;
	[smem:$0xD] =	sst s16  }
0x12b: {  	s16 =	spop (v2sf)  }
0x12c: {  	(v2sf) =	vpush v2, $0xD;
	[smem:$0xE] =	sst s16  }
0x12d: {  	s16 =	simm.s32 $0xC0;
	s17 =	spop (v2sf)  }
.LBB2_7:
0x12e: {  	p0 =	sne.s32 s16, $0x300;
	[smem:s14+$0xF] =	sst s17;
	s17 =	smov.u32 s16  }
0x12f: {  	(v2sf) =	vpush v2, $0xE;
	s16 =	sadd.s32 $0x40, s16;
	s14 =	smov.u32 s13;
	s13 =	smov.u32 s15  }
0x130: {  	s15 =	spop (v2sf);
	(v2sf) =	vpush v2, $0xF  }
0x131: {  	v2 =	vshll.u32 v3, $0x6;
	[smem:s14] =	sst s15;
	s15 =	spop (v2sf)  }
0x132: {  	(v2sf) =	vpush v2, $0x0;
	[smem:s14+$0x1] =	sst s15;
	s15 =	spop (v2sf)  }
0x133: {  	(v2sf) =	vpush v2, $0x1;
	[smem:s14+$0x2] =	sst s15;
	s15 =	spop (v2sf)  }
0x134: {  	(v2sf) =	vpush v2, $0x2;
	[smem:s14+$0x3] =	sst s15;
	s15 =	spop (v2sf)  }
0x135: {  	(v2sf) =	vpush v2, $0x3;
	[smem:s14+$0x4] =	sst s15;
	s15 =	spop (v2sf)  }
0x136: {  	(v2sf) =	vpush v2, $0x4;
	[smem:s14+$0x5] =	sst s15;
	s15 =	spop (v2sf)  }
0x137: {  	(v2sf) =	vpush v2, $0x5;
	[smem:s14+$0x6] =	sst s15;
	s15 =	spop (v2sf)  }
0x138: {  	(v2sf) =	vpush v2, $0x6;
	[smem:s14+$0x7] =	sst s15;
	s15 =	spop (v2sf)  }
0x139: {  	(v2sf) =	vpush v2, $0x7;
	[smem:s14+$0x8] =	sst s15;
	s15 =	spop (v2sf)  }
0x13a: {  	(v2sf) =	vpush v2, $0x8;
	[smem:s14+$0x9] =	sst s15;
	s18 =	spop (v2sf)  }
0x13b: {  	[smem:s14+$0xA] =	sst s18  }
.Ltmp2:
0x13c: {  	s15 =	sshra.s32 s17, $0x2;
	(v2sf) =	vpush v2, $0x9;
	s17 =	spop (v2sf);
	(pc) =	sbr.rel @p0 .LBB2_7-.Ltmp2, $4  }
0x13d: {  	v3 =	vld.idx.msk [tilespmem:v1+s15+$0x0 ss:$0x1], $0xffff;
	(v2sf) =	vpush v2, $0xA;
	[smem:s14+$0xB] =	sst s17;
	s17 =	spop (v2sf)  }
0x13e: {  	(v2sf) =	vpush v2, $0xB;
	[smem:s14+$0xC] =	sst s17;
	s17 =	spop (v2sf)  }
0x13f: {  	(v2sf) =	vpush v2, $0xC;
	[smem:s14+$0xD] =	sst s17;
	s17 =	spop (v2sf)  }
0x140: {  	(v2sf) =	vpush v2, $0xD;
	[smem:s14+$0xE] =	sst s17;
	s17 =	spop (v2sf)  }
0x141: {  	(v2sf) =	vpush v2, $0xE  }
0x142: {  	[smem:s14+$0xF] =	sst s17;
	s17 =	spop (v2sf);
	(v2sf) =	vpush v2, $0xF;
	v1 =	vshll.u32 v3, $0x6  }
0x143: {  	[smem:s13] =	sst s17;
	s18 =	spop (v2sf);
	(v2sf) =	vpush v1, $0x0  }
0x144: {  	[smem:s13+$0x1] =	sst s18;
	s19 =	spop (v2sf);
	(v2sf) =	vpush v1, $0x1  }
0x145: {  	[smem:s13+$0x2] =	sst s19;
	s16 =	spop (v2sf);
	(v2sf) =	vpush v1, $0x2  }
0x146: {  	[smem:s13+$0x3] =	sst s16;
	s17 =	spop (v2sf);
	(v2sf) =	vpush v1, $0x3  }
0x147: {  	[smem:s13+$0x4] =	sst s17;
	s18 =	spop (v2sf);
	(v2sf) =	vpush v1, $0x4  }
0x148: {  	[smem:s13+$0x5] =	sst s18;
	s19 =	spop (v2sf);
	(v2sf) =	vpush v1, $0x5  }
0x149: {  	[smem:s13+$0x6] =	sst s19;
	s16 =	spop (v2sf);
	(v2sf) =	vpush v1, $0x6  }
0x14a: {  	[smem:s13+$0x7] =	sst s16;
	s17 =	spop (v2sf);
	(v2sf) =	vpush v1, $0x7  }
0x14b: {  	[smem:s13+$0x8] =	sst s17;
	s18 =	spop (v2sf);
	(v2sf) =	vpush v1, $0x8  }
0x14c: {  	[smem:s13+$0x9] =	sst s18;
	s19 =	spop (v2sf);
	(v2sf) =	vpush v1, $0x9  }
0x14d: {  	[smem:s13+$0xA] =	sst s19;
	s16 =	spop (v2sf);
	(v2sf) =	vpush v1, $0xA  }
0x14e: {  	[smem:s13+$0xB] =	sst s16;
	s17 =	spop (v2sf);
	(v2sf) =	vpush v1, $0xB  }
0x14f: {  	[smem:s13+$0xC] =	sst s17;
	s18 =	spop (v2sf);
	(v2sf) =	vpush v1, $0xC  }
0x150: {  	[smem:s13+$0xD] =	sst s18;
	s19 =	spop (v2sf);
	(v2sf) =	vpush v1, $0xD  }
0x151: {  	[smem:s13+$0xE] =	sst s19;
	s16 =	spop (v2sf);
	(v2sf) =	vpush v1, $0xE  }
0x152: {  	[smem:s13+$0xF] =	sst s16;
	s17 =	spop (v2sf);
	(v2sf) =	vpush v1, $0xF  }
0x153: {  	[smem:s15] =	sst s17;
	s18 =	spop (v2sf)  }
0x154: {  	[smem:s15+$0x1] =	sst s18;
	s19 =	spop (v2sf)  }
0x155: {  	[smem:s15+$0x2] =	sst s19;
	s14 =	spop (v2sf)  }
0x156: {  	[smem:s15+$0x3] =	sst s14;
	s16 =	spop (v2sf)  }
0x157: {  	[smem:s15+$0x4] =	sst s16;
	s17 =	spop (v2sf)  }
0x158: {  	[smem:s15+$0x5] =	sst s17;
	s18 =	spop (v2sf)  }
0x159: {  	[smem:s15+$0x6] =	sst s18;
	s19 =	spop (v2sf)  }
0x15a: {  	[smem:s15+$0x7] =	sst s19;
	s14 =	spop (v2sf)  }
0x15b: {  	[smem:s15+$0x8] =	sst s14;
	s16 =	spop (v2sf)  }
0x15c: {  	[smem:s15+$0x9] =	sst s16;
	s17 =	spop (v2sf)  }
0x15d: {  	[smem:s15+$0xA] =	sst s17;
	s18 =	spop (v2sf)  }
0x15e: {  	[smem:s15+$0xB] =	sst s18;
	s19 =	spop (v2sf)  }
0x15f: {  	[smem:s15+$0xC] =	sst s19;
	s14 =	spop (v2sf)  }
0x160: {  	[smem:s15+$0xD] =	sst s14;
	s16 =	spop (v2sf)  }
0x161: {  	s18 =	simm.s32 $0xFAE8;
	[smem:s15+$0xE] =	sst s16;
	s17 =	spop (v2sf)  }
0x162: {  	v2 =	vld [tilespmem:s18+$0x10];
	[smem:s15+$0xF] =	sst s17  }
0x163: {  	s13 =	sld [smem:$0x0];
	v4 =	vld [tilespmem:s18+$0x0]  }
0x164: {  	v1 =	vld [tilespmem:s18+$0xFFFFFFF0]  }
0x165: {  	v5 =	vld [tilespmem:s18+$0xFFFFFFE0]  }
0x166: {  	v6 =	vld [tilespmem:s13+$0x134C8]  }
0x167: {  	v7 =	vld [tilespmem:s13+$0x134D8]  }
0x168: {  	v9 =	vld [tilespmem:s13+$0x134E8]  }
0x169: {  	v11 =	vld [tilespmem:s13+$0x134F8];
	_ =	sdelay $0x1  }
0x16a: {  	s19 =	simm.s32 $0xFB28  }
0x16b: {  	v3 =	vld [tilespmem:s19+$0x10];
	s14 =	sld [smem:$0x1]  }
0x16c: {  	v8 =	vld [tilespmem:s19+$0x0];
	v6 =	vadd.bf16 v6, v5;
	v7 =	vadd.bf16 v7, v1  }
0x16d: {  	v12 =	vimm.f32 $0.0e+00;
	v10 =	vld [tilespmem:s19+$0xFFFFFFE0];
	v4 =	vadd.bf16 v9, v4;
	v2 =	vadd.bf16 v11, v2  }
0x16e: {  	v15 =	vld [tilespmem:s14+$0x134C8];
	v1 =	vimm.f32 $0.0e+00;
	v11 =	vimm.f32 $0.0e+00;
	v6 =	vmax.bf16 v6, v0  }
0x16f: {  	v16 =	vld [tilespmem:s14+$0x134D8];
	v13 =	vmax.bf16 v7, v0;
	v14 =	vmax.bf16 v4, v0;
	v20 =	vmax.bf16 v2, v0  }
0x170: {  	v5 =	vld [tilespmem:s19+$0xFFFFFFF0];
	v9 =	vunpack.i.u.bf16.f32 v6;
	v6 =	vunpack.i.l.bf16.f32 v6;
	v19 =	vunpack.i.u.bf16.f32 v20  }
0x171: {  	v17 =	vld [tilespmem:s14+$0x134E8];
	v4 =	vadd.f32 v9, v1;
	v9 =	vunpack.i.u.bf16.f32 v14;
	v7 =	vadd.f32 v6, v1  }
0x172: {  	s13 =	simm.s32 $0x8;
	v18 =	vld [tilespmem:s14+$0x134F8];
	s14 =	simm.s32 $0xFB68;
	v6 =	vimm.f32 $0.0e+00;
	v2 =	vadd.f32 v9, v1;
	v9 =	vimm.f32 $0.0e+00  }
.LBB2_9:
0x173: {  	s15 =	sshra.s32 s13, $0x2;
	v21 =	vld [tilespmem:s14+$0x10];
	p0 =	sne.s32 s13, $0x31C;
	s13 =	sadd.s32 $0x4, s13;
	v22 =	vunpack.i.l.bf16.f32 v13;
	v20 =	vunpack.i.l.bf16.f32 v20;
	v1 =	vadd.f32 v19, v1  }
0x174: {  	v23 =	vunpack.i.u.bf16.f32 v13;
	s15 =	sld [smem:s15+$0x0];
	v19 =	vld [tilespmem:s14+$0x0];
	v15 =	vadd.bf16 v15, v10;
	v11 =	vadd.f32 v22, v11  }
0x175: {  	v14 =	vunpack.i.l.bf16.f32 v14;
	v6 =	vadd.f32 v20, v6;
	v13 =	vadd.bf16 v16, v5;
	v5 =	vld [tilespmem:s14+$0xFFFFFFF0]  }
.Ltmp3:
0x176: {  	v12 =	vadd.f32 v14, v12;
	v10 =	vld [tilespmem:s14+$0xFFFFFFE0];
	v20 =	vmax.bf16 v15, v0;
	v25 =	vadd.bf16 v17, v8;
	(pc) =	sbr.rel @p0 .LBB2_9-.Ltmp3, $4  }
0x177: {  	v15 =	vld [tilespmem:s15+$0x134C8];
	v22 =	vunpack.i.u.bf16.f32 v20;
	v13 =	vmax.bf16 v13, v0;
	v18 =	vadd.bf16 v18, v3  }
0x178: {  	v9 =	vadd.f32 v23, v9;
	v24 =	vunpack.i.l.bf16.f32 v20;
	v16 =	vld [tilespmem:s15+$0x134D8];
	v14 =	vmax.bf16 v25, v0;
	v3 =	vmovc v21  }
0x179: {  	v4 =	vadd.f32 v22, v4;
	v17 =	vld [tilespmem:s15+$0x134E8];
	v21 =	vunpack.i.u.bf16.f32 v14;
	v20 =	vmax.bf16 v18, v0;
	v8 =	vmovc v19  }
0x17a: {  	s14 =	sadd.s32 $0x40, s14;
	v7 =	vadd.f32 v24, v7;
	v18 =	vld [tilespmem:s15+$0x134F8];
	v2 =	vadd.f32 v21, v2;
	v19 =	vunpack.i.u.bf16.f32 v20  }
0x17b: {  	_ = 	snop  }
0x17c: {  	v21 =	vunpack.i.l.bf16.f32 v13;
	v20 =	vunpack.i.l.bf16.f32 v20;
	v10 =	vadd.bf16 v15, v10  }
0x17d: {  	v58 =	vunpack.i.u.bf16.f32 v13;
	v14 =	vunpack.i.l.bf16.f32 v14;
	v11 =	vadd.f32 v21, v11  }
0x17e: {  	v12 =	vadd.f32 v14, v12;
	v5 =	vadd.bf16 v16, v5;
	v10 =	vmax.bf16 v10, v0  }
0x17f: {  	v9 =	vadd.f32 v58, v9;
	v59 =	vunpack.i.u.bf16.f32 v10;
	v10 =	vunpack.i.l.bf16.f32 v10  }
0x180: {  	s13 =	sand.u32 $0xF, s12;
	v8 =	vadd.bf16 v17, v8;
	v5 =	vmax.bf16 v5, v0;
	v7 =	vadd.f32 v10, v7  }
0x181: {  	s14 =	sshll.u32 s13, $0x7;
	v3 =	vadd.bf16 v18, v3;
	v4 =	vadd.f32 v59, v4;
	v60 =	vunpack.i.l.bf16.f32 v5  }
0x182: {  	v8 =	vmax.bf16 v8, v0;
	v5 =	vunpack.i.u.bf16.f32 v5;
	v10 =	vadd.f32 v60, v11;
	[tilespmem:s14+$0x12CC8] =	vst v7  }
0x183: {  	v6 =	vadd.f32 v20, v6;
	v61 =	vunpack.i.l.bf16.f32 v8;
	v5 =	vadd.f32 v5, v9;
	[tilespmem:s14+$0x12CD8] =	vst v4  }
0x184: {  	p0 =	sne.s32 s13, $0xF;
	v62 =	vunpack.i.u.bf16.f32 v8;
	v3 =	vmax.bf16 v3, v0;
	v7 =	vadd.f32 v61, v12;
	[tilespmem:s14+$0x12CE8] =	vst v10  }
0x185: {  	v1 =	vadd.f32 v19, v1;
	s12 =	sadd.s32 @!p0 s4, s12;
	v2 =	vadd.f32 v62, v2;
	v63 =	vunpack.i.l.bf16.f32 v3;
	[tilespmem:s14+$0x12CF8] =	vst v5  }
0x186: {  	s12 =	sshll.u32 @!p0 s12, $0x7;
	v3 =	vunpack.i.u.bf16.f32 v3;
	v4 =	vadd.f32 v63, v6;
	[tilespmem:s14+$0x12D08] =	vst v7  }
0x187: {  	s10 =	sadd.s32 $0x1, s10;
	s12 =	sadd.s32 @!p0 $0xFFFFF880, s12;
	v1 =	vadd.f32 v3, v1;
	[tilespmem:s14+$0x12D18] =	vst v2  }
0x188: {  	p1 =	sne.s32 s10, $0x40;
	s12 =	sshrl.u32 @!p0 s12, $0x3;
	[tilespmem:s14+$0x12D28] =	vst v4  }
0x189: {  	s13 =	simm.s32 @!p0 $0x0;
	s12 =	sadd.s32 @!p0 s11, s12;
	[tilespmem:s14+$0x12D38] =	vst v1;
	s14 =	simm.s32 @!p0 $0x12CC8  }
0x18a: {  	[hbm4b:s12+s13] =	stream.linear.scatter @!p0 [tilespmem:s14], [sflag:$0x3], $0x800, $0x38;
	[tilespmem:$0x13F48] =	vst v63  }
.Ltmp4:
0x18b: {  	_ = 	snop;
	(pc) =	sbr.rel @p1 .LBB2_2-.Ltmp4, $4  }
0x18c: {  	s12 =	simm.s32 @!p0 $0x3  }
0x18d: {  	_ =	swait.ge @!p0 [sflag:s12], $0x800  }
0x18e: {  	[sflag:s12] =	ssyncset.done @!p0 $0x0  }
0x18f: {  	s8 =	sadd.s32 $0x190, s8;
	s9 =	sadd.s32 $0x190, s9;
	[sflag:s12] =	ssyncadd.s32 @!p0 $0xFFFFF800  }
0x190: {  	s7 =	sadd.s32 $0x1, s7  }
0x191: {  	p0 =	sne.s32 s7, s24  }
.Ltmp5:
0x192: {  	_ = 	snop;
	(pc) =	sbr.rel @p0 .LBB2_1-.Ltmp5, $1  }
0x193: {  	_ =	sdelay $0x3  }
0x194: {  	_ =	sfence.sel $0x180000  }
0x195: {  	[bflag:$0x0] =	sbarrier.arrive $0xFFFF  }
0x196: {  	_ =	strace $0x90000047  }
0x197: {  	s0 =	stileid.u32;
	[bflag:$0x2] =	sbarrier.arrive $0xFFFF  }
0x198: {  	p0 =	sne.s32 s0, $0x0;
	s0 =	rddreg [dreg:$0x7]  }
0x199: {  	s0 =	sadd.s32 @!p0 $0x100000, s0  }
0x19a: {  	[sflag:s0] =	ssyncadd.tile.s32 @!p0 $0x1;
	_ =	shalt  }
.Lfunc_end2:
_tile_overlayer_lowered:
.L_overlay_start_2:
0x19b: {  	(tag) =	ssettag $0x2  }
0x19c: {  	s0 =	rddreg [dreg:$0x0];
	s2 =	stileid.u32  }
0x19d: {  	s1 =	rddreg [dreg:$0x1];
	p0 =	sne.s32 s2, $0x0  }
0x19e: {  	s3 =	rddreg [dreg:$0x2];
	[bflag:$0x3] =	sbarrier.arrive $0xFFFF;
	s2 =	simm.s32 @!p0 $0x1C03  }
0x19f: {  	[timem:s3], [sflag:s2] =	dma.local @!p0 [hbm:s0], s1  }
0x1a0: {  	s0 =	simm.s32 @!p0 $0x3  }
0x1a1: {  	_ =	swait.ge @!p0 [sflag:s0], s1  }
0x1a2: {  	s1 =	ssub.s32 @!p0 $0x0, s1;
	[sflag:s0] =	ssyncset.done @!p0 $0x0  }
0x1a3: {  	[sflag:s0] =	ssyncadd.s32 @!p0 s1  }
0x1a4: {  	[bflag:$0x3] =	sbarrier.arrive $0xFFFF  }
0x1a5: {  	_ =	shalt  }

</sc_bundles>
